<compile_context>
chip_gen: v7x
topology: tpu7x:2x2x1
jax: 0.10.2.dev20260603
libtpu: 0.0.44.dev20260713+nightly
codegen_flags: <defaults>
</compile_context>

<pallas_src>
import jax
import jax.numpy as jnp
from jax import lax
from jax.experimental import pallas as pl
from jax.experimental.pallas import tpu as pltpu
from jax.experimental.pallas import tpu_sc as plsc

_NBINS = 512
_B, _C, _H, _W = 16, 3, 512, 512
_IMG = _C * _H * _W
_TOTAL = _B * _IMG
_NSUB = 16
_L = 16
_CHUNK = 16384
_NCHUNK = _IMG // _CHUNK
_STEPS = _CHUNK // _L
_NTOTF = float(_IMG)


def _histeq_body(x_hbm, out_hbm, ibufs, obufs, hist, counts, cdf,
                 mtab, btab, isems, osems):
    c = lax.axis_index("c")
    s = lax.axis_index("s")

    @pl.when(s < _NSUB // 2)
    def _worker():
        _histeq_worker(c * (_NSUB // 2) + s, x_hbm, out_hbm, ibufs, obufs,
                       hist, counts, cdf, mtab, btab, isems, osems)


def _histeq_worker(img, x_hbm, out_hbm, ibufs, obufs, hist, counts, cdf,
                   mtab, btab, isems, osems):
    base = img * _IMG

    lane = lax.iota(jnp.int32, _L)
    flane = lane.astype(jnp.float32)
    ones = jnp.ones((_L,), jnp.float32)
    zero = jnp.zeros((_L,), jnp.float32)

    def in_copy(ch, b):
        return pltpu.make_async_copy(
            x_hbm.at[pl.ds(base + ch * _CHUNK, _CHUNK)], ibufs[b], isems[b])

    def out_copy(ch, b):
        return pltpu.make_async_copy(
            obufs[b], out_hbm.at[pl.ds(base + ch * _CHUNK, _CHUNK)], osems[b])

    def double_buffered(process, init):
        in_copy(0, 0).start()

        def g_body(g, carry):
            for b in range(2):
                ch = 2 * g + b
                in_copy(ch, b).wait()

                @pl.when(ch + 1 < _NCHUNK)
                def _():
                    in_copy(ch + 1, 1 - b).start()
                carry = process(ibufs[b], b, ch, carry)
            return carry
        return lax.fori_loop(0, _NCHUNK // 2, g_body, init)

    def zh(k, _):
        hist[pl.ds(k * _L, _L)] = zero
        return 0
    lax.fori_loop(0, _NBINS, zh, 0, unroll=8)

    def mm_process(buf, b, ch, carry):
        def mm_step(i, c2):
            rmin, rmax = c2
            v = buf[pl.ds(i * _L, _L)]
            return jnp.minimum(rmin, v), jnp.maximum(rmax, v)
        return lax.fori_loop(0, _STEPS, mm_step, carry, unroll=8)

    rmin, rmax = double_buffered(
        mm_process,
        (jnp.full((_L,), jnp.inf, jnp.float32),
         jnp.full((_L,), -jnp.inf, jnp.float32)))

    vmin = jnp.min(rmin)
    vmax = jnp.max(rmax)
    inv_range = ones / jnp.full((_L,), vmax - vmin, jnp.float32)

    def h_process(buf, b, ch, carry):
        def h_step(i, __):
            v = buf[pl.ds(i * _L, _L)]
            scaled = (v - vmin) * inv_range * float(_NBINS)
            idx = jnp.clip(scaled.astype(jnp.int32), 0, _NBINS - 1)
            plsc.addupdate_scatter(hist, [idx * _L + lane], ones)
            return 0
        return lax.fori_loop(0, _STEPS, h_step, 0, unroll=8)

    double_buffered(h_process, 0)

    def r_step(j, _):
        addr = (j * _L + lane) * _L
        acc = zero
        for l in range(_L):
            acc = acc + plsc.load_gather(hist, [addr + l])
        counts[pl.ds(j * _L, _L)] = acc
        return 0
    lax.fori_loop(0, _NBINS // _L, r_step, 0)

    def c_step(j, carry):
        v = counts[pl.ds(j * _L, _L)]
        cdf[pl.ds(j * _L, _L)] = plsc.cumsum(v) + carry
        return carry + jnp.sum(v)
    lax.fori_loop(0, _NBINS // _L, c_step, jnp.float32(0.0))
    cdf[pl.ds(_NBINS, _L)] = zero

    h_bin = (vmax - vmin) * (1.0 / float(_NBINS))
    sm = (2.0 / _NTOTF) * (float(_NBINS) * inv_range)

    def t_step(j, _):
        cdfv = cdf[pl.ds(j * _L, _L)]
        cdfn = plsc.load_gather(cdf, [lane + (j * _L + 1)])
        mv = (cdfn - cdfv) * sm
        g = flane + (j * _L).astype(jnp.float32)
        xpv = vmin + (g + 0.5) * h_bin
        bv = cdfv * (2.0 / _NTOTF) - mv * xpv - 1.0
        mtab[pl.ds(j * _L, _L)] = mv
        btab[pl.ds(j * _L, _L)] = bv
        return 0
    lax.fori_loop(0, _NBINS // _L, t_step, 0)

    inv_h = float(_NBINS) * inv_range

    def o_process(buf, b, ch, carry):
        @pl.when(ch >= 2)
        def _():
            out_copy(ch - 2, b).wait()

        def o_step(i, __):
            v = buf[pl.ds(i * _L, _L)]
            t = (v - vmin) * inv_h - 0.5
            ind = jnp.clip(t.astype(jnp.int32), 0, _NBINS - 2)
            gm = plsc.load_gather(mtab, [ind])
            gb = plsc.load_gather(btab, [ind])
            obufs[b][pl.ds(i * _L, _L)] = gm * v + gb
            return 0
        lax.fori_loop(0, _STEPS, o_step, 0, unroll=8)
        out_copy(ch, b).start()
        return 0

    double_buffered(o_process, 0)
    out_copy(_NCHUNK - 2, 0).wait()
    out_copy(_NCHUNK - 1, 1).wait()


_histeq = pl.kernel(
    _histeq_body,
    out_type=jax.ShapeDtypeStruct((_TOTAL,), jnp.float32),
    mesh=plsc.VectorSubcoreMesh(core_axis_name="c", subcore_axis_name="s"),
    compiler_params=pltpu.CompilerParams(needs_layout_passes=False),
    scratch_types=[
        [pltpu.VMEM((_CHUNK,), jnp.float32)] * 2,
        [pltpu.VMEM((_CHUNK,), jnp.float32)] * 2,
        pltpu.VMEM((_NBINS * _L,), jnp.float32),
        pltpu.VMEM((_NBINS,), jnp.float32),
        pltpu.VMEM((_NBINS + _L,), jnp.float32),
        pltpu.VMEM((_NBINS,), jnp.float32),
        pltpu.VMEM((_NBINS,), jnp.float32),
        [pltpu.SemaphoreType.DMA] * 2,
        [pltpu.SemaphoreType.DMA] * 2,
    ],
)


def kernel(batch):
    y = _histeq(batch.reshape(-1))
    return y.reshape(batch.shape)

# --- scband reference (transcript-rebuilt; emitter-appended) ---
"""Pipeline reference for scband-histogram-equalizer-54528904790401 (READ-ONLY COPY).

The authoritative reference and input builder live on the scoring server;
editing this copy changes nothing except your own understanding.
"""

import jax, jax.numpy as jnp
import numpy as np

NBINS = 512
TMIN = -1.0
TMAX = 1.0


def _equalize_image(image, mask, nbins):
    # image: [C, H, W], mask: [H, W] bool
    C = image.shape[0]
    vals = image.reshape(C, -1)
    w = jnp.broadcast_to(mask.reshape(1, -1), vals.shape)
    wf = w.astype(image.dtype)
    # torch.histc over image[:, mask]: min/max over valid values only
    vmin = jnp.min(jnp.where(w, vals, jnp.inf))
    vmax = jnp.max(jnp.where(w, vals, -jnp.inf))
    scaled = (vals - vmin) / (vmax - vmin) * nbins
    idx = jnp.clip(jnp.floor(scaled).astype(jnp.int32), 0, nbins - 1)
    counts = jnp.zeros((nbins,), image.dtype).at[idx.reshape(-1)].add(wf.reshape(-1))
    edges = jnp.linspace(vmin, vmax, nbins + 1)
    bin_centers = edges[:-1] + jnp.diff(edges) / 2.0
    cdf = jnp.cumsum(counts)
    cdf = cdf / cdf[-1]
    # _torch_interp(image.flatten(), bin_centers, cdf)
    x = image.reshape(-1)
    xp = bin_centers
    fp = cdf
    m = (fp[1:] - fp[:-1]) / (xp[1:] - xp[:-1])
    b = fp[:-1] - m * xp[:-1]
    # sum(x[:,None] >= xp[None,:], 1) - 1 == searchsorted(xp, x, side='right') - 1
    ind = jnp.clip(jnp.searchsorted(xp, x, side='right') - 1, 0, m.shape[0] - 1)
    return (m[ind] * x + b[ind]).reshape(image.shape)


def _forward(batch):
    finite = jnp.isfinite(batch)
    valid_mask = jnp.all(finite, axis=-3)[:, None, :, :] & finite
    eq = jax.vmap(lambda img, msk: _equalize_image(img, msk[-1], NBINS))(batch, valid_mask)
    batch_eq = jnp.where(valid_mask, eq, jnp.nan) * (TMAX - TMIN) + TMIN
    invalid = jnp.nanmean(batch_eq, axis=(-2, -1))[:, :, None, None]
    invalid = jnp.where(jnp.isfinite(invalid), invalid, jnp.nanmean(invalid))
    return jnp.where(valid_mask, batch_eq, invalid)


def setup_inputs(seed: int = 0) -> dict:
    key = jax.random.key(seed)
    batch = jax.random.normal(key, (16, 3, 512, 512), dtype=jnp.float32)
    return {"batch": batch}


def reference(batch):
    return _forward(batch)

if __name__ == "__main__":
    import jax
    _d = setup_inputs()
    print(jax.jit(kernel)(*tuple(_d.values())))

</pallas_src>

<mosaic_0001>
#map = affine_map<(d0, d1) -> (0)>
module attributes {stable_mosaic.version = 14 : i64} {
  func.func @_histeq_body(%arg0: i32, %arg1: i32, %arg2: memref<12582912xf32, #tpu.memory_space<hbm>>, %arg3: memref<12582912xf32, #tpu.memory_space<hbm>>, %arg4: memref<16384xf32, #tpu.memory_space<vmem>>, %arg5: memref<16384xf32, #tpu.memory_space<vmem>>, %arg6: memref<16384xf32, #tpu.memory_space<vmem>>, %arg7: memref<16384xf32, #tpu.memory_space<vmem>>, %arg8: memref<8192xf32, #tpu.memory_space<vmem>>, %arg9: memref<512xf32, #tpu.memory_space<vmem>>, %arg10: memref<528xf32, #tpu.memory_space<vmem>>, %arg11: memref<512xf32, #tpu.memory_space<vmem>>, %arg12: memref<512xf32, #tpu.memory_space<vmem>>, %arg13: memref<!tpu.dma_semaphore, #tpu.memory_space<semaphore_mem>>, %arg14: memref<!tpu.dma_semaphore, #tpu.memory_space<semaphore_mem>>, %arg15: memref<!tpu.dma_semaphore, #tpu.memory_space<semaphore_mem>>, %arg16: memref<!tpu.dma_semaphore, #tpu.memory_space<semaphore_mem>>) attributes {dimension_semantics = [#tpu.dimension_semantics<core_parallel>, #tpu.dimension_semantics<subcore_parallel>], iteration_bounds = array<i64: 2, 16>, scalar_prefetch = 0 : i64, scratch_operands = 13 : i64, tpu.core_type = #tpu.core_type<sc_vector_subcore>, window_params = [{transform_indices = #map}, {transform_indices = #map}]} {
    %lt3A = arith.constant 8 : i32
    %lt3A_0 = arith.cmpi slt, %arg1, %lt3A : i32
    %convert_element_type3A = arith.extui %lt3A_0 : i1 to i32
    %cond3A = arith.constant 0 : i32
    %cond3A_1 = arith.cmpi ne, %convert_element_type3A, %cond3A : i32
    scf.if %cond3A_1 {
      %mul3A = arith.constant 8 : i32
      %mul3A_2 = arith.muli %arg0, %mul3A : i32
      %add3A = arith.addi %mul3A_2, %arg1 : i32
      %mul3A_3 = arith.constant 786432 : i32
      %mul3A_4 = arith.muli %add3A, %mul3A_3 : i32
      %iota3A = tpu.iota {dimensions = array<i32: 0>} : vector<16xi32>
      %convert_element_type3A_5 = arith.sitofp %iota3A : vector<16xi32> to vector<16xf32>
      %broadcast_in_dim3A = arith.constant 1.000000e+00 : f32
      %broadcast_in_dim3A_6 = vector.broadcast %broadcast_in_dim3A : f32 to vector<16xf32>
      %broadcast_in_dim3A_7 = arith.constant 0.000000e+00 : f32
      %broadcast_in_dim3A_8 = vector.broadcast %broadcast_in_dim3A_7 : f32 to vector<16xf32>
      %scan3A = arith.constant 0 : i32
      %scan3A_9 = arith.constant 0 : i32
      %scan3A_10 = arith.constant 512 : i32
      %scan3A_11 = arith.addi %scan3A_9, %scan3A_10 : i32
      %scan3A_12 = arith.constant 8 : i32
      %scan3A_13 = scf.for %scan3A_98 = %scan3A_9 to %scan3A_11 step %scan3A_12 iter_args(%scan3A_99 = %scan3A) -> (i32)  : i32 {
        %mul3A_100 = arith.constant 16 : i32
        %mul3A_101 = arith.muli %scan3A_98, %mul3A_100 : i32
        %swap3A_102 = arith.index_cast %mul3A_101 : i32 to index
        %swap3A_103 = tpu.vector_load %arg8[%swap3A_102] {strides = array<i32>} : memref<8192xf32, #tpu.memory_space<vmem>>, vector<16xf32>,
        tpu.vector_store %arg8[%swap3A_102], %broadcast_in_dim3A_8 {strides = array<i32>} : memref<8192xf32, #tpu.memory_space<vmem>>, vector<16xf32>,
        %scan3A_104 = arith.constant 0 : i32
        %scan3A_105 = arith.constant 1 : i32
        %scan3A_106 = arith.addi %scan3A_98, %scan3A_105 : i32
        %mul3A_107 = arith.constant 16 : i32
        %mul3A_108 = arith.muli %scan3A_106, %mul3A_107 : i32
        %swap3A_109 = arith.index_cast %mul3A_108 : i32 to index
        %swap3A_110 = tpu.vector_load %arg8[%swap3A_109] {strides = array<i32>} : memref<8192xf32, #tpu.memory_space<vmem>>, vector<16xf32>,
        tpu.vector_store %arg8[%swap3A_109], %broadcast_in_dim3A_8 {strides = array<i32>} : memref<8192xf32, #tpu.memory_space<vmem>>, vector<16xf32>,
        %scan3A_111 = arith.constant 0 : i32
        %scan3A_112 = arith.constant 2 : i32
        %scan3A_113 = arith.addi %scan3A_98, %scan3A_112 : i32
        %mul3A_114 = arith.constant 16 : i32
        %mul3A_115 = arith.muli %scan3A_113, %mul3A_114 : i32
        %swap3A_116 = arith.index_cast %mul3A_115 : i32 to index
        %swap3A_117 = tpu.vector_load %arg8[%swap3A_116] {strides = array<i32>} : memref<8192xf32, #tpu.memory_space<vmem>>, vector<16xf32>,
        tpu.vector_store %arg8[%swap3A_116], %broadcast_in_dim3A_8 {strides = array<i32>} : memref<8192xf32, #tpu.memory_space<vmem>>, vector<16xf32>,
        %scan3A_118 = arith.constant 0 : i32
        %scan3A_119 = arith.constant 3 : i32
        %scan3A_120 = arith.addi %scan3A_98, %scan3A_119 : i32
        %mul3A_121 = arith.constant 16 : i32
        %mul3A_122 = arith.muli %scan3A_120, %mul3A_121 : i32
        %swap3A_123 = arith.index_cast %mul3A_122 : i32 to index
        %swap3A_124 = tpu.vector_load %arg8[%swap3A_123] {strides = array<i32>} : memref<8192xf32, #tpu.memory_space<vmem>>, vector<16xf32>,
        tpu.vector_store %arg8[%swap3A_123], %broadcast_in_dim3A_8 {strides = array<i32>} : memref<8192xf32, #tpu.memory_space<vmem>>, vector<16xf32>,
        %scan3A_125 = arith.constant 0 : i32
        %scan3A_126 = arith.constant 4 : i32
        %scan3A_127 = arith.addi %scan3A_98, %scan3A_126 : i32
        %mul3A_128 = arith.constant 16 : i32
        %mul3A_129 = arith.muli %scan3A_127, %mul3A_128 : i32
        %swap3A_130 = arith.index_cast %mul3A_129 : i32 to index
        %swap3A_131 = tpu.vector_load %arg8[%swap3A_130] {strides = array<i32>} : memref<8192xf32, #tpu.memory_space<vmem>>, vector<16xf32>,
        tpu.vector_store %arg8[%swap3A_130], %broadcast_in_dim3A_8 {strides = array<i32>} : memref<8192xf32, #tpu.memory_space<vmem>>, vector<16xf32>,
        %scan3A_132 = arith.constant 0 : i32
        %scan3A_133 = arith.constant 5 : i32
        %scan3A_134 = arith.addi %scan3A_98, %scan3A_133 : i32
        %mul3A_135 = arith.constant 16 : i32
        %mul3A_136 = arith.muli %scan3A_134, %mul3A_135 : i32
        %swap3A_137 = arith.index_cast %mul3A_136 : i32 to index
        %swap3A_138 = tpu.vector_load %arg8[%swap3A_137] {strides = array<i32>} : memref<8192xf32, #tpu.memory_space<vmem>>, vector<16xf32>,
        tpu.vector_store %arg8[%swap3A_137], %broadcast_in_dim3A_8 {strides = array<i32>} : memref<8192xf32, #tpu.memory_space<vmem>>, vector<16xf32>,
        %scan3A_139 = arith.constant 0 : i32
        %scan3A_140 = arith.constant 6 : i32
        %scan3A_141 = arith.addi %scan3A_98, %scan3A_140 : i32
        %mul3A_142 = arith.constant 16 : i32
        %mul3A_143 = arith.muli %scan3A_141, %mul3A_142 : i32
        %swap3A_144 = arith.index_cast %mul3A_143 : i32 to index
        %swap3A_145 = tpu.vector_load %arg8[%swap3A_144] {strides = array<i32>} : memref<8192xf32, #tpu.memory_space<vmem>>, vector<16xf32>,
        tpu.vector_store %arg8[%swap3A_144], %broadcast_in_dim3A_8 {strides = array<i32>} : memref<8192xf32, #tpu.memory_space<vmem>>, vector<16xf32>,
        %scan3A_146 = arith.constant 0 : i32
        %scan3A_147 = arith.constant 7 : i32
        %scan3A_148 = arith.addi %scan3A_98, %scan3A_147 : i32
        %mul3A_149 = arith.constant 16 : i32
        %mul3A_150 = arith.muli %scan3A_148, %mul3A_149 : i32
        %swap3A_151 = arith.index_cast %mul3A_150 : i32 to index
        %swap3A_152 = tpu.vector_load %arg8[%swap3A_151] {strides = array<i32>} : memref<8192xf32, #tpu.memory_space<vmem>>, vector<16xf32>,
        tpu.vector_store %arg8[%swap3A_151], %broadcast_in_dim3A_8 {strides = array<i32>} : memref<8192xf32, #tpu.memory_space<vmem>>, vector<16xf32>,
        %scan3A_153 = arith.constant 0 : i32
        scf.yield %scan3A_153 : i32
      }
      %scan3A_14 = arith.constant 512 : i32
      %broadcast_in_dim3A_15 = arith.constant 0x7F800000 : f32
      %broadcast_in_dim3A_16 = vector.broadcast %broadcast_in_dim3A_15 : f32 to vector<16xf32>
      %broadcast_in_dim3A_17 = arith.constant 0xFF800000 : f32
      %broadcast_in_dim3A_18 = vector.broadcast %broadcast_in_dim3A_17 : f32 to vector<16xf32>
      %add3A_19 = arith.constant 0 : i32
      %add3A_20 = arith.addi %mul3A_4, %add3A_19 : i32
      %dma_start3A = tpu.memref_slice %arg2[%add3A_20] : memref<12582912xf32, #tpu.memory_space<hbm>> -> memref<16384xf32, #tpu.memory_space<hbm>>
      %dma_start3A_21 = tpu.memref_slice %arg2[%add3A_20] : memref<12582912xf32, #tpu.memory_space<hbm>> -> memref<16384xf32, #tpu.memory_space<hbm>>
      tpu.enqueue_dma source(%dma_start3A_21 : memref<16384xf32, #tpu.memory_space<hbm>>) target(%arg4 : memref<16384xf32, #tpu.memory_space<vmem>>) target_semaphore(%arg13 : memref<!tpu.dma_semaphore, #tpu.memory_space<semaphore_mem>>)
      %scan3A_22 = arith.constant 0 : i32
      %scan3A_23 = arith.constant 24 : i32
      %scan3A_24 = arith.addi %scan3A_22, %scan3A_23 : i32
      %scan3A_25 = arith.constant 1 : i32
      %scan3A_26:2 = scf.for %scan3A_98 = %scan3A_22 to %scan3A_24 step %scan3A_25 iter_args(%scan3A_99 = %broadcast_in_dim3A_16, %scan3A_100 = %broadcast_in_dim3A_18) -> (vector<16xf32>, vector<16xf32>)  : i32 {
        %mul3A_101 = arith.constant 2 : i32
        %mul3A_102 = arith.muli %mul3A_101, %scan3A_98 : i32
        %add3A_103 = arith.constant 0 : i32
        %add3A_104 = arith.addi %mul3A_102, %add3A_103 : i32
        %mul3A_105 = arith.constant 16384 : i32
        %mul3A_106 = arith.muli %add3A_104, %mul3A_105 : i32
        %add3A_107 = arith.addi %mul3A_4, %mul3A_106 : i32
        %dma_wait3A_108 = tpu.memref_slice %arg2[%add3A_107] : memref<12582912xf32, #tpu.memory_space<hbm>> -> memref<16384xf32, #tpu.memory_space<hbm>>
        %dma_wait3A_109 = tpu.memref_slice %arg2[%add3A_107] : memref<12582912xf32, #tpu.memory_space<hbm>> -> memref<16384xf32, #tpu.memory_space<hbm>>
        tpu.wait_dma2 semaphore(%arg13 : memref<!tpu.dma_semaphore, #tpu.memory_space<semaphore_mem>>) src(%dma_wait3A_109 : memref<16384xf32, #tpu.memory_space<hbm>>) dst(%arg4 : memref<16384xf32, #tpu.memory_space<vmem>>)
        %add3A_110 = arith.constant 1 : i32
        %add3A_111 = arith.addi %add3A_104, %add3A_110 : i32
        %lt3A_112 = arith.constant 48 : i32
        %lt3A_113 = arith.cmpi slt, %add3A_111, %lt3A_112 : i32
        %convert_element_type3A_114 = arith.extui %lt3A_113 : i1 to i32
        %cond3A_115 = arith.constant 0 : i32
        %cond3A_116 = arith.cmpi ne, %convert_element_type3A_114, %cond3A_115 : i32
        scf.if %cond3A_116 {
          %add3A_145 = arith.constant 1 : i32
          %add3A_146 = arith.addi %add3A_104, %add3A_145 : i32
          %mul3A_147 = arith.constant 16384 : i32
          %mul3A_148 = arith.muli %add3A_146, %mul3A_147 : i32
          %add3A_149 = arith.addi %mul3A_4, %mul3A_148 : i32
          %dma_start3A_150 = tpu.memref_slice %arg2[%add3A_149] : memref<12582912xf32, #tpu.memory_space<hbm>> -> memref<16384xf32, #tpu.memory_space<hbm>>
          %dma_start3A_151 = tpu.memref_slice %arg2[%add3A_149] : memref<12582912xf32, #tpu.memory_space<hbm>> -> memref<16384xf32, #tpu.memory_space<hbm>>
          tpu.enqueue_dma source(%dma_start3A_151 : memref<16384xf32, #tpu.memory_space<hbm>>) target(%arg5 : memref<16384xf32, #tpu.memory_space<vmem>>) target_semaphore(%arg14 : memref<!tpu.dma_semaphore, #tpu.memory_space<semaphore_mem>>)
        } else {
        }
        %scan3A_117 = arith.constant 0 : i32
        %scan3A_118 = arith.constant 1024 : i32
        %scan3A_119 = arith.addi %scan3A_117, %scan3A_118 : i32
        %scan3A_120 = arith.constant 8 : i32
        %scan3A_121:2 = scf.for %scan3A_145 = %scan3A_117 to %scan3A_119 step %scan3A_120 iter_args(%scan3A_146 = %scan3A_99, %scan3A_147 = %scan3A_100) -> (vector<16xf32>, vector<16xf32>)  : i32 {
          %mul3A_148 = arith.constant 16 : i32
          %mul3A_149 = arith.muli %scan3A_145, %mul3A_148 : i32
          %get3A = arith.index_cast %mul3A_149 : i32 to index
          %get3A_150 = tpu.vector_load %arg4[%get3A] {strides = array<i32>} : memref<16384xf32, #tpu.memory_space<vmem>>, vector<16xf32>,
          %min3A = arith.minimumf %scan3A_146, %get3A_150 : vector<16xf32>
          %max3A = arith.maximumf %scan3A_147, %get3A_150 : vector<16xf32>
          %scan3A_151 = arith.constant 1 : i32
          %scan3A_152 = arith.addi %scan3A_145, %scan3A_151 : i32
          %mul3A_153 = arith.constant 16 : i32
          %mul3A_154 = arith.muli %scan3A_152, %mul3A_153 : i32
          %get3A_155 = arith.index_cast %mul3A_154 : i32 to index
          %get3A_156 = tpu.vector_load %arg4[%get3A_155] {strides = array<i32>} : memref<16384xf32, #tpu.memory_space<vmem>>, vector<16xf32>,
          %min3A_157 = arith.minimumf %min3A, %get3A_156 : vector<16xf32>
          %max3A_158 = arith.maximumf %max3A, %get3A_156 : vector<16xf32>
          %scan3A_159 = arith.constant 2 : i32
          %scan3A_160 = arith.addi %scan3A_145, %scan3A_159 : i32
          %mul3A_161 = arith.constant 16 : i32
          %mul3A_162 = arith.muli %scan3A_160, %mul3A_161 : i32
          %get3A_163 = arith.index_cast %mul3A_162 : i32 to index
          %get3A_164 = tpu.vector_load %arg4[%get3A_163] {strides = array<i32>} : memref<16384xf32, #tpu.memory_space<vmem>>, vector<16xf32>,
          %min3A_165 = arith.minimumf %min3A_157, %get3A_164 : vector<16xf32>
          %max3A_166 = arith.maximumf %max3A_158, %get3A_164 : vector<16xf32>
          %scan3A_167 = arith.constant 3 : i32
          %scan3A_168 = arith.addi %scan3A_145, %scan3A_167 : i32
          %mul3A_169 = arith.constant 16 : i32
          %mul3A_170 = arith.muli %scan3A_168, %mul3A_169 : i32
          %get3A_171 = arith.index_cast %mul3A_170 : i32 to index
          %get3A_172 = tpu.vector_load %arg4[%get3A_171] {strides = array<i32>} : memref<16384xf32, #tpu.memory_space<vmem>>, vector<16xf32>,
          %min3A_173 = arith.minimumf %min3A_165, %get3A_172 : vector<16xf32>
          %max3A_174 = arith.maximumf %max3A_166, %get3A_172 : vector<16xf32>
          %scan3A_175 = arith.constant 4 : i32
          %scan3A_176 = arith.addi %scan3A_145, %scan3A_175 : i32
          %mul3A_177 = arith.constant 16 : i32
          %mul3A_178 = arith.muli %scan3A_176, %mul3A_177 : i32
          %get3A_179 = arith.index_cast %mul3A_178 : i32 to index
          %get3A_180 = tpu.vector_load %arg4[%get3A_179] {strides = array<i32>} : memref<16384xf32, #tpu.memory_space<vmem>>, vector<16xf32>,
          %min3A_181 = arith.minimumf %min3A_173, %get3A_180 : vector<16xf32>
          %max3A_182 = arith.maximumf %max3A_174, %get3A_180 : vector<16xf32>
          %scan3A_183 = arith.constant 5 : i32
          %scan3A_184 = arith.addi %scan3A_145, %scan3A_183 : i32
          %mul3A_185 = arith.constant 16 : i32
          %mul3A_186 = arith.muli %scan3A_184, %mul3A_185 : i32
          %get3A_187 = arith.index_cast %mul3A_186 : i32 to index
          %get3A_188 = tpu.vector_load %arg4[%get3A_187] {strides = array<i32>} : memref<16384xf32, #tpu.memory_space<vmem>>, vector<16xf32>,
          %min3A_189 = arith.minimumf %min3A_181, %get3A_188 : vector<16xf32>
          %max3A_190 = arith.maximumf %max3A_182, %get3A_188 : vector<16xf32>
          %scan3A_191 = arith.constant 6 : i32
          %scan3A_192 = arith.addi %scan3A_145, %scan3A_191 : i32
          %mul3A_193 = arith.constant 16 : i32
          %mul3A_194 = arith.muli %scan3A_192, %mul3A_193 : i32
          %get3A_195 = arith.index_cast %mul3A_194 : i32 to index
          %get3A_196 = tpu.vector_load %arg4[%get3A_195] {strides = array<i32>} : memref<16384xf32, #tpu.memory_space<vmem>>, vector<16xf32>,
          %min3A_197 = arith.minimumf %min3A_189, %get3A_196 : vector<16xf32>
          %max3A_198 = arith.maximumf %max3A_190, %get3A_196 : vector<16xf32>
          %scan3A_199 = arith.constant 7 : i32
          %scan3A_200 = arith.addi %scan3A_145, %scan3A_199 : i32
          %mul3A_201 = arith.constant 16 : i32
          %mul3A_202 = arith.muli %scan3A_200, %mul3A_201 : i32
          %get3A_203 = arith.index_cast %mul3A_202 : i32 to index
          %get3A_204 = tpu.vector_load %arg4[%get3A_203] {strides = array<i32>} : memref<16384xf32, #tpu.memory_space<vmem>>, vector<16xf32>,
          %min3A_205 = arith.minimumf %min3A_197, %get3A_204 : vector<16xf32>
          %max3A_206 = arith.maximumf %max3A_198, %get3A_204 : vector<16xf32>
          scf.yield %min3A_205, %max3A_206 : vector<16xf32>, vector<16xf32>
        }
        %scan3A_122 = arith.constant 1024 : i32
        %mul3A_123 = arith.constant 2 : i32
        %mul3A_124 = arith.muli %mul3A_123, %scan3A_98 : i32
        %add3A_125 = arith.constant 1 : i32
        %add3A_126 = arith.addi %mul3A_124, %add3A_125 : i32
        %mul3A_127 = arith.constant 16384 : i32
        %mul3A_128 = arith.muli %add3A_126, %mul3A_127 : i32
        %add3A_129 = arith.addi %mul3A_4, %mul3A_128 : i32
        %dma_wait3A_130 = tpu.memref_slice %arg2[%add3A_129] : memref<12582912xf32, #tpu.memory_space<hbm>> -> memref<16384xf32, #tpu.memory_space<hbm>>
        %dma_wait3A_131 = tpu.memref_slice %arg2[%add3A_129] : memref<12582912xf32, #tpu.memory_space<hbm>> -> memref<16384xf32, #tpu.memory_space<hbm>>
        tpu.wait_dma2 semaphore(%arg14 : memref<!tpu.dma_semaphore, #tpu.memory_space<semaphore_mem>>) src(%dma_wait3A_131 : memref<16384xf32, #tpu.memory_space<hbm>>) dst(%arg5 : memref<16384xf32, #tpu.memory_space<vmem>>)
        %add3A_132 = arith.constant 1 : i32
        %add3A_133 = arith.addi %add3A_126, %add3A_132 : i32
        %lt3A_134 = arith.constant 48 : i32
        %lt3A_135 = arith.cmpi slt, %add3A_133, %lt3A_134 : i32
        %convert_element_type3A_136 = arith.extui %lt3A_135 : i1 to i32
        %cond3A_137 = arith.constant 0 : i32
        %cond3A_138 = arith.cmpi ne, %convert_element_type3A_136, %cond3A_137 : i32
        scf.if %cond3A_138 {
          %add3A_145 = arith.constant 1 : i32
          %add3A_146 = arith.addi %add3A_126, %add3A_145 : i32
          %mul3A_147 = arith.constant 16384 : i32
          %mul3A_148 = arith.muli %add3A_146, %mul3A_147 : i32
          %add3A_149 = arith.addi %mul3A_4, %mul3A_148 : i32
          %dma_start3A_150 = tpu.memref_slice %arg2[%add3A_149] : memref<12582912xf32, #tpu.memory_space<hbm>> -> memref<16384xf32, #tpu.memory_space<hbm>>
          %dma_start3A_151 = tpu.memref_slice %arg2[%add3A_149] : memref<12582912xf32, #tpu.memory_space<hbm>> -> memref<16384xf32, #tpu.memory_space<hbm>>
          tpu.enqueue_dma source(%dma_start3A_151 : memref<16384xf32, #tpu.memory_space<hbm>>) target(%arg4 : memref<16384xf32, #tpu.memory_space<vmem>>) target_semaphore(%arg13 : memref<!tpu.dma_semaphore, #tpu.memory_space<semaphore_mem>>)
        } else {
        }
        %scan3A_139 = arith.constant 0 : i32
        %scan3A_140 = arith.constant 1024 : i32
        %scan3A_141 = arith.addi %scan3A_139, %scan3A_140 : i32
        %scan3A_142 = arith.constant 8 : i32
        %scan3A_143:2 = scf.for %scan3A_145 = %scan3A_139 to %scan3A_141 step %scan3A_142 iter_args(%scan3A_146 = %scan3A_121#0, %scan3A_147 = %scan3A_121#1) -> (vector<16xf32>, vector<16xf32>)  : i32 {
          %mul3A_148 = arith.constant 16 : i32
          %mul3A_149 = arith.muli %scan3A_145, %mul3A_148 : i32
          %get3A = arith.index_cast %mul3A_149 : i32 to index
          %get3A_150 = tpu.vector_load %arg5[%get3A] {strides = array<i32>} : memref<16384xf32, #tpu.memory_space<vmem>>, vector<16xf32>,
          %min3A = arith.minimumf %scan3A_146, %get3A_150 : vector<16xf32>
          %max3A = arith.maximumf %scan3A_147, %get3A_150 : vector<16xf32>
          %scan3A_151 = arith.constant 1 : i32
          %scan3A_152 = arith.addi %scan3A_145, %scan3A_151 : i32
          %mul3A_153 = arith.constant 16 : i32
          %mul3A_154 = arith.muli %scan3A_152, %mul3A_153 : i32
          %get3A_155 = arith.index_cast %mul3A_154 : i32 to index
          %get3A_156 = tpu.vector_load %arg5[%get3A_155] {strides = array<i32>} : memref<16384xf32, #tpu.memory_space<vmem>>, vector<16xf32>,
          %min3A_157 = arith.minimumf %min3A, %get3A_156 : vector<16xf32>
          %max3A_158 = arith.maximumf %max3A, %get3A_156 : vector<16xf32>
          %scan3A_159 = arith.constant 2 : i32
          %scan3A_160 = arith.addi %scan3A_145, %scan3A_159 : i32
          %mul3A_161 = arith.constant 16 : i32
          %mul3A_162 = arith.muli %scan3A_160, %mul3A_161 : i32
          %get3A_163 = arith.index_cast %mul3A_162 : i32 to index
          %get3A_164 = tpu.vector_load %arg5[%get3A_163] {strides = array<i32>} : memref<16384xf32, #tpu.memory_space<vmem>>, vector<16xf32>,
          %min3A_165 = arith.minimumf %min3A_157, %get3A_164 : vector<16xf32>
          %max3A_166 = arith.maximumf %max3A_158, %get3A_164 : vector<16xf32>
          %scan3A_167 = arith.constant 3 : i32
          %scan3A_168 = arith.addi %scan3A_145, %scan3A_167 : i32
          %mul3A_169 = arith.constant 16 : i32
          %mul3A_170 = arith.muli %scan3A_168, %mul3A_169 : i32
          %get3A_171 = arith.index_cast %mul3A_170 : i32 to index
          %get3A_172 = tpu.vector_load %arg5[%get3A_171] {strides = array<i32>} : memref<16384xf32, #tpu.memory_space<vmem>>, vector<16xf32>,
          %min3A_173 = arith.minimumf %min3A_165, %get3A_172 : vector<16xf32>
          %max3A_174 = arith.maximumf %max3A_166, %get3A_172 : vector<16xf32>
          %scan3A_175 = arith.constant 4 : i32
          %scan3A_176 = arith.addi %scan3A_145, %scan3A_175 : i32
          %mul3A_177 = arith.constant 16 : i32
          %mul3A_178 = arith.muli %scan3A_176, %mul3A_177 : i32
          %get3A_179 = arith.index_cast %mul3A_178 : i32 to index
          %get3A_180 = tpu.vector_load %arg5[%get3A_179] {strides = array<i32>} : memref<16384xf32, #tpu.memory_space<vmem>>, vector<16xf32>,
          %min3A_181 = arith.minimumf %min3A_173, %get3A_180 : vector<16xf32>
          %max3A_182 = arith.maximumf %max3A_174, %get3A_180 : vector<16xf32>
          %scan3A_183 = arith.constant 5 : i32
          %scan3A_184 = arith.addi %scan3A_145, %scan3A_183 : i32
          %mul3A_185 = arith.constant 16 : i32
          %mul3A_186 = arith.muli %scan3A_184, %mul3A_185 : i32
          %get3A_187 = arith.index_cast %mul3A_186 : i32 to index
          %get3A_188 = tpu.vector_load %arg5[%get3A_187] {strides = array<i32>} : memref<16384xf32, #tpu.memory_space<vmem>>, vector<16xf32>,
          %min3A_189 = arith.minimumf %min3A_181, %get3A_188 : vector<16xf32>
          %max3A_190 = arith.maximumf %max3A_182, %get3A_188 : vector<16xf32>
          %scan3A_191 = arith.constant 6 : i32
          %scan3A_192 = arith.addi %scan3A_145, %scan3A_191 : i32
          %mul3A_193 = arith.constant 16 : i32
          %mul3A_194 = arith.muli %scan3A_192, %mul3A_193 : i32
          %get3A_195 = arith.index_cast %mul3A_194 : i32 to index
          %get3A_196 = tpu.vector_load %arg5[%get3A_195] {strides = array<i32>} : memref<16384xf32, #tpu.memory_space<vmem>>, vector<16xf32>,
          %min3A_197 = arith.minimumf %min3A_189, %get3A_196 : vector<16xf32>
          %max3A_198 = arith.maximumf %max3A_190, %get3A_196 : vector<16xf32>
          %scan3A_199 = arith.constant 7 : i32
          %scan3A_200 = arith.addi %scan3A_145, %scan3A_199 : i32
          %mul3A_201 = arith.constant 16 : i32
          %mul3A_202 = arith.muli %scan3A_200, %mul3A_201 : i32
          %get3A_203 = arith.index_cast %mul3A_202 : i32 to index
          %get3A_204 = tpu.vector_load %arg5[%get3A_203] {strides = array<i32>} : memref<16384xf32, #tpu.memory_space<vmem>>, vector<16xf32>,
          %min3A_205 = arith.minimumf %min3A_197, %get3A_204 : vector<16xf32>
          %max3A_206 = arith.maximumf %max3A_198, %get3A_204 : vector<16xf32>
          scf.yield %min3A_205, %max3A_206 : vector<16xf32>, vector<16xf32>
        }
        %scan3A_144 = arith.constant 1024 : i32
        scf.yield %scan3A_143#0, %scan3A_143#1 : vector<16xf32>, vector<16xf32>
      }
      %scan3A_27 = arith.constant 24 : i32
      %reduce_min3A = arith.constant true
      %reduce_min3A_28 = vector.broadcast %reduce_min3A : i1 to vector<16xi1>
      %reduce_min3A_29 = tpu.scan <min>, %scan3A_26#0 masked %reduce_min3A_28 : vector<16xf32>, vector<16xi1> -> vector<16xf32>
      %reduce_min3A_30 = vector.extract %reduce_min3A_29[15] : f32 from vector<16xf32>
      %reduce_max3A = arith.constant true
      %reduce_max3A_31 = vector.broadcast %reduce_max3A : i1 to vector<16xi1>
      %reduce_max3A_32 = tpu.scan <max>, %scan3A_26#1 masked %reduce_max3A_31 : vector<16xf32>, vector<16xi1> -> vector<16xf32>
      %reduce_max3A_33 = vector.extract %reduce_max3A_32[15] : f32 from vector<16xf32>
      %sub3A = arith.subf %reduce_max3A_33, %reduce_min3A_30 : f32
      %broadcast_in_dim3A_34 = vector.broadcast %sub3A : f32 to vector<16xf32>
      %div3A = arith.divf %broadcast_in_dim3A_6, %broadcast_in_dim3A_34 : vector<16xf32>
      %add3A_35 = arith.constant 0 : i32
      %add3A_36 = arith.addi %mul3A_4, %add3A_35 : i32
      %dma_start3A_37 = tpu.memref_slice %arg2[%add3A_36] : memref<12582912xf32, #tpu.memory_space<hbm>> -> memref<16384xf32, #tpu.memory_space<hbm>>
      %dma_start3A_38 = tpu.memref_slice %arg2[%add3A_36] : memref<12582912xf32, #tpu.memory_space<hbm>> -> memref<16384xf32, #tpu.memory_space<hbm>>
      tpu.enqueue_dma source(%dma_start3A_38 : memref<16384xf32, #tpu.memory_space<hbm>>) target(%arg4 : memref<16384xf32, #tpu.memory_space<vmem>>) target_semaphore(%arg13 : memref<!tpu.dma_semaphore, #tpu.memory_space<semaphore_mem>>)
      %scan3A_39 = arith.constant 0 : i32
      %scan3A_40 = arith.constant 0 : i32
      %scan3A_41 = arith.constant 24 : i32
      %scan3A_42 = arith.addi %scan3A_40, %scan3A_41 : i32
      %scan3A_43 = arith.constant 1 : i32
      %scan3A_44 = scf.for %scan3A_98 = %scan3A_40 to %scan3A_42 step %scan3A_43 iter_args(%scan3A_99 = %scan3A_39) -> (i32)  : i32 {
        %mul3A_100 = arith.constant 2 : i32
        %mul3A_101 = arith.muli %mul3A_100, %scan3A_98 : i32
        %add3A_102 = arith.constant 0 : i32
        %add3A_103 = arith.addi %mul3A_101, %add3A_102 : i32
        %mul3A_104 = arith.constant 16384 : i32
        %mul3A_105 = arith.muli %add3A_103, %mul3A_104 : i32
        %add3A_106 = arith.addi %mul3A_4, %mul3A_105 : i32
        %dma_wait3A_107 = tpu.memref_slice %arg2[%add3A_106] : memref<12582912xf32, #tpu.memory_space<hbm>> -> memref<16384xf32, #tpu.memory_space<hbm>>
        %dma_wait3A_108 = tpu.memref_slice %arg2[%add3A_106] : memref<12582912xf32, #tpu.memory_space<hbm>> -> memref<16384xf32, #tpu.memory_space<hbm>>
        tpu.wait_dma2 semaphore(%arg13 : memref<!tpu.dma_semaphore, #tpu.memory_space<semaphore_mem>>) src(%dma_wait3A_108 : memref<16384xf32, #tpu.memory_space<hbm>>) dst(%arg4 : memref<16384xf32, #tpu.memory_space<vmem>>)
        %add3A_109 = arith.constant 1 : i32
        %add3A_110 = arith.addi %add3A_103, %add3A_109 : i32
        %lt3A_111 = arith.constant 48 : i32
        %lt3A_112 = arith.cmpi slt, %add3A_110, %lt3A_111 : i32
        %convert_element_type3A_113 = arith.extui %lt3A_112 : i1 to i32
        %cond3A_114 = arith.constant 0 : i32
        %cond3A_115 = arith.cmpi ne, %convert_element_type3A_113, %cond3A_114 : i32
        scf.if %cond3A_115 {
          %add3A_146 = arith.constant 1 : i32
          %add3A_147 = arith.addi %add3A_103, %add3A_146 : i32
          %mul3A_148 = arith.constant 16384 : i32
          %mul3A_149 = arith.muli %add3A_147, %mul3A_148 : i32
          %add3A_150 = arith.addi %mul3A_4, %mul3A_149 : i32
          %dma_start3A_151 = tpu.memref_slice %arg2[%add3A_150] : memref<12582912xf32, #tpu.memory_space<hbm>> -> memref<16384xf32, #tpu.memory_space<hbm>>
          %dma_start3A_152 = tpu.memref_slice %arg2[%add3A_150] : memref<12582912xf32, #tpu.memory_space<hbm>> -> memref<16384xf32, #tpu.memory_space<hbm>>
          tpu.enqueue_dma source(%dma_start3A_152 : memref<16384xf32, #tpu.memory_space<hbm>>) target(%arg5 : memref<16384xf32, #tpu.memory_space<vmem>>) target_semaphore(%arg14 : memref<!tpu.dma_semaphore, #tpu.memory_space<semaphore_mem>>)
        } else {
        }
        %scan3A_116 = arith.constant 0 : i32
        %scan3A_117 = arith.constant 0 : i32
        %scan3A_118 = arith.constant 1024 : i32
        %scan3A_119 = arith.addi %scan3A_117, %scan3A_118 : i32
        %scan3A_120 = arith.constant 8 : i32
        %scan3A_121 = scf.for %scan3A_146 = %scan3A_117 to %scan3A_119 step %scan3A_120 iter_args(%scan3A_147 = %scan3A_116) -> (i32)  : i32 {
          %mul3A_148 = arith.constant 16 : i32
          %mul3A_149 = arith.muli %scan3A_146, %mul3A_148 : i32
          %get3A = arith.index_cast %mul3A_149 : i32 to index
          %get3A_150 = tpu.vector_load %arg4[%get3A] {strides = array<i32>} : memref<16384xf32, #tpu.memory_space<vmem>>, vector<16xf32>,
          %sub3A_151 = vector.broadcast %reduce_min3A_30 : f32 to vector<16xf32>
          %sub3A_152 = arith.subf %get3A_150, %sub3A_151 : vector<16xf32>
          %mul3A_153 = arith.mulf %sub3A_152, %div3A : vector<16xf32>
          %mul3A_154 = arith.constant 5.120000e+02 : f32
          %mul3A_155 = vector.broadcast %mul3A_154 : f32 to vector<16xf32>
          %mul3A_156 = arith.mulf %mul3A_153, %mul3A_155 : vector<16xf32>
          %convert_element_type3A_157 = arith.fptosi %mul3A_156 : vector<16xf32> to vector<16xi32>
          %jit3A = arith.constant 0 : i32
          %jit3A_158 = arith.constant 511 : i32
          %max3A = vector.broadcast %jit3A : i32 to vector<16xi32>
          %max3A_159 = arith.maxsi %max3A, %convert_element_type3A_157 : vector<16xi32>
          %min3A = vector.broadcast %jit3A_158 : i32 to vector<16xi32>
          %min3A_160 = arith.minsi %min3A, %max3A_159 : vector<16xi32>
          %mul3A_161 = arith.constant 16 : i32
          %mul3A_162 = vector.broadcast %mul3A_161 : i32 to vector<16xi32>
          %mul3A_163 = arith.muli %min3A_160, %mul3A_162 : vector<16xi32>
          %add3A_164 = arith.addi %mul3A_163, %iota3A : vector<16xi32>
          tpu.vector_store_idx %arg8[%add3A_164], %broadcast_in_dim3A_6 {add = true} : memref<8192xf32, #tpu.memory_space<vmem>>[vector<16xi32>], vector<16xf32>,
          %scan3A_165 = arith.constant 0 : i32
          %scan3A_166 = arith.constant 1 : i32
          %scan3A_167 = arith.addi %scan3A_146, %scan3A_166 : i32
          %mul3A_168 = arith.constant 16 : i32
          %mul3A_169 = arith.muli %scan3A_167, %mul3A_168 : i32
          %get3A_170 = arith.index_cast %mul3A_169 : i32 to index
          %get3A_171 = tpu.vector_load %arg4[%get3A_170] {strides = array<i32>} : memref<16384xf32, #tpu.memory_space<vmem>>, vector<16xf32>,
          %sub3A_172 = vector.broadcast %reduce_min3A_30 : f32 to vector<16xf32>
          %sub3A_173 = arith.subf %get3A_171, %sub3A_172 : vector<16xf32>
          %mul3A_174 = arith.mulf %sub3A_173, %div3A : vector<16xf32>
          %mul3A_175 = arith.constant 5.120000e+02 : f32
          %mul3A_176 = vector.broadcast %mul3A_175 : f32 to vector<16xf32>
          %mul3A_177 = arith.mulf %mul3A_174, %mul3A_176 : vector<16xf32>
          %convert_element_type3A_178 = arith.fptosi %mul3A_177 : vector<16xf32> to vector<16xi32>
          %jit3A_179 = arith.constant 0 : i32
          %jit3A_180 = arith.constant 511 : i32
          %max3A_181 = vector.broadcast %jit3A_179 : i32 to vector<16xi32>
          %max3A_182 = arith.maxsi %max3A_181, %convert_element_type3A_178 : vector<16xi32>
          %min3A_183 = vector.broadcast %jit3A_180 : i32 to vector<16xi32>
          %min3A_184 = arith.minsi %min3A_183, %max3A_182 : vector<16xi32>
          %mul3A_185 = arith.constant 16 : i32
          %mul3A_186 = vector.broadcast %mul3A_185 : i32 to vector<16xi32>
          %mul3A_187 = arith.muli %min3A_184, %mul3A_186 : vector<16xi32>
          %add3A_188 = arith.addi %mul3A_187, %iota3A : vector<16xi32>
          tpu.vector_store_idx %arg8[%add3A_188], %broadcast_in_dim3A_6 {add = true} : memref<8192xf32, #tpu.memory_space<vmem>>[vector<16xi32>], vector<16xf32>,
          %scan3A_189 = arith.constant 0 : i32
          %scan3A_190 = arith.constant 2 : i32
          %scan3A_191 = arith.addi %scan3A_146, %scan3A_190 : i32
          %mul3A_192 = arith.constant 16 : i32
          %mul3A_193 = arith.muli %scan3A_191, %mul3A_192 : i32
          %get3A_194 = arith.index_cast %mul3A_193 : i32 to index
          %get3A_195 = tpu.vector_load %arg4[%get3A_194] {strides = array<i32>} : memref<16384xf32, #tpu.memory_space<vmem>>, vector<16xf32>,
          %sub3A_196 = vector.broadcast %reduce_min3A_30 : f32 to vector<16xf32>
          %sub3A_197 = arith.subf %get3A_195, %sub3A_196 : vector<16xf32>
          %mul3A_198 = arith.mulf %sub3A_197, %div3A : vector<16xf32>
          %mul3A_199 = arith.constant 5.120000e+02 : f32
          %mul3A_200 = vector.broadcast %mul3A_199 : f32 to vector<16xf32>
          %mul3A_201 = arith.mulf %mul3A_198, %mul3A_200 : vector<16xf32>
          %convert_element_type3A_202 = arith.fptosi %mul3A_201 : vector<16xf32> to vector<16xi32>
          %jit3A_203 = arith.constant 0 : i32
          %jit3A_204 = arith.constant 511 : i32
          %max3A_205 = vector.broadcast %jit3A_203 : i32 to vector<16xi32>
          %max3A_206 = arith.maxsi %max3A_205, %convert_element_type3A_202 : vector<16xi32>
          %min3A_207 = vector.broadcast %jit3A_204 : i32 to vector<16xi32>
          %min3A_208 = arith.minsi %min3A_207, %max3A_206 : vector<16xi32>
          %mul3A_209 = arith.constant 16 : i32
          %mul3A_210 = vector.broadcast %mul3A_209 : i32 to vector<16xi32>
          %mul3A_211 = arith.muli %min3A_208, %mul3A_210 : vector<16xi32>
          %add3A_212 = arith.addi %mul3A_211, %iota3A : vector<16xi32>
          tpu.vector_store_idx %arg8[%add3A_212], %broadcast_in_dim3A_6 {add = true} : memref<8192xf32, #tpu.memory_space<vmem>>[vector<16xi32>], vector<16xf32>,
          %scan3A_213 = arith.constant 0 : i32
          %scan3A_214 = arith.constant 3 : i32
          %scan3A_215 = arith.addi %scan3A_146, %scan3A_214 : i32
          %mul3A_216 = arith.constant 16 : i32
          %mul3A_217 = arith.muli %scan3A_215, %mul3A_216 : i32
          %get3A_218 = arith.index_cast %mul3A_217 : i32 to index
          %get3A_219 = tpu.vector_load %arg4[%get3A_218] {strides = array<i32>} : memref<16384xf32, #tpu.memory_space<vmem>>, vector<16xf32>,
          %sub3A_220 = vector.broadcast %reduce_min3A_30 : f32 to vector<16xf32>
          %sub3A_221 = arith.subf %get3A_219, %sub3A_220 : vector<16xf32>
          %mul3A_222 = arith.mulf %sub3A_221, %div3A : vector<16xf32>
          %mul3A_223 = arith.constant 5.120000e+02 : f32
          %mul3A_224 = vector.broadcast %mul3A_223 : f32 to vector<16xf32>
          %mul3A_225 = arith.mulf %mul3A_222, %mul3A_224 : vector<16xf32>
          %convert_element_type3A_226 = arith.fptosi %mul3A_225 : vector<16xf32> to vector<16xi32>
          %jit3A_227 = arith.constant 0 : i32
          %jit3A_228 = arith.constant 511 : i32
          %max3A_229 = vector.broadcast %jit3A_227 : i32 to vector<16xi32>
          %max3A_230 = arith.maxsi %max3A_229, %convert_element_type3A_226 : vector<16xi32>
          %min3A_231 = vector.broadcast %jit3A_228 : i32 to vector<16xi32>
          %min3A_232 = arith.minsi %min3A_231, %max3A_230 : vector<16xi32>
          %mul3A_233 = arith.constant 16 : i32
          %mul3A_234 = vector.broadcast %mul3A_233 : i32 to vector<16xi32>
          %mul3A_235 = arith.muli %min3A_232, %mul3A_234 : vector<16xi32>
          %add3A_236 = arith.addi %mul3A_235, %iota3A : vector<16xi32>
          tpu.vector_store_idx %arg8[%add3A_236], %broadcast_in_dim3A_6 {add = true} : memref<8192xf32, #tpu.memory_space<vmem>>[vector<16xi32>], vector<16xf32>,
          %scan3A_237 = arith.constant 0 : i32
          %scan3A_238 = arith.constant 4 : i32
          %scan3A_239 = arith.addi %scan3A_146, %scan3A_238 : i32
          %mul3A_240 = arith.constant 16 : i32
          %mul3A_241 = arith.muli %scan3A_239, %mul3A_240 : i32
          %get3A_242 = arith.index_cast %mul3A_241 : i32 to index
          %get3A_243 = tpu.vector_load %arg4[%get3A_242] {strides = array<i32>} : memref<16384xf32, #tpu.memory_space<vmem>>, vector<16xf32>,
          %sub3A_244 = vector.broadcast %reduce_min3A_30 : f32 to vector<16xf32>
          %sub3A_245 = arith.subf %get3A_243, %sub3A_244 : vector<16xf32>
          %mul3A_246 = arith.mulf %sub3A_245, %div3A : vector<16xf32>
          %mul3A_247 = arith.constant 5.120000e+02 : f32
          %mul3A_248 = vector.broadcast %mul3A_247 : f32 to vector<16xf32>
          %mul3A_249 = arith.mulf %mul3A_246, %mul3A_248 : vector<16xf32>
          %convert_element_type3A_250 = arith.fptosi %mul3A_249 : vector<16xf32> to vector<16xi32>
          %jit3A_251 = arith.constant 0 : i32
          %jit3A_252 = arith.constant 511 : i32
          %max3A_253 = vector.broadcast %jit3A_251 : i32 to vector<16xi32>
          %max3A_254 = arith.maxsi %max3A_253, %convert_element_type3A_250 : vector<16xi32>
          %min3A_255 = vector.broadcast %jit3A_252 : i32 to vector<16xi32>
          %min3A_256 = arith.minsi %min3A_255, %max3A_254 : vector<16xi32>
          %mul3A_257 = arith.constant 16 : i32
          %mul3A_258 = vector.broadcast %mul3A_257 : i32 to vector<16xi32>
          %mul3A_259 = arith.muli %min3A_256, %mul3A_258 : vector<16xi32>
          %add3A_260 = arith.addi %mul3A_259, %iota3A : vector<16xi32>
          tpu.vector_store_idx %arg8[%add3A_260], %broadcast_in_dim3A_6 {add = true} : memref<8192xf32, #tpu.memory_space<vmem>>[vector<16xi32>], vector<16xf32>,
          %scan3A_261 = arith.constant 0 : i32
          %scan3A_262 = arith.constant 5 : i32
          %scan3A_263 = arith.addi %scan3A_146, %scan3A_262 : i32
          %mul3A_264 = arith.constant 16 : i32
          %mul3A_265 = arith.muli %scan3A_263, %mul3A_264 : i32
          %get3A_266 = arith.index_cast %mul3A_265 : i32 to index
          %get3A_267 = tpu.vector_load %arg4[%get3A_266] {strides = array<i32>} : memref<16384xf32, #tpu.memory_space<vmem>>, vector<16xf32>,
          %sub3A_268 = vector.broadcast %reduce_min3A_30 : f32 to vector<16xf32>
          %sub3A_269 = arith.subf %get3A_267, %sub3A_268 : vector<16xf32>
          %mul3A_270 = arith.mulf %sub3A_269, %div3A : vector<16xf32>
          %mul3A_271 = arith.constant 5.120000e+02 : f32
          %mul3A_272 = vector.broadcast %mul3A_271 : f32 to vector<16xf32>
          %mul3A_273 = arith.mulf %mul3A_270, %mul3A_272 : vector<16xf32>
          %convert_element_type3A_274 = arith.fptosi %mul3A_273 : vector<16xf32> to vector<16xi32>
          %jit3A_275 = arith.constant 0 : i32
          %jit3A_276 = arith.constant 511 : i32
          %max3A_277 = vector.broadcast %jit3A_275 : i32 to vector<16xi32>
          %max3A_278 = arith.maxsi %max3A_277, %convert_element_type3A_274 : vector<16xi32>
          %min3A_279 = vector.broadcast %jit3A_276 : i32 to vector<16xi32>
          %min3A_280 = arith.minsi %min3A_279, %max3A_278 : vector<16xi32>
          %mul3A_281 = arith.constant 16 : i32
          %mul3A_282 = vector.broadcast %mul3A_281 : i32 to vector<16xi32>
          %mul3A_283 = arith.muli %min3A_280, %mul3A_282 : vector<16xi32>
          %add3A_284 = arith.addi %mul3A_283, %iota3A : vector<16xi32>
          tpu.vector_store_idx %arg8[%add3A_284], %broadcast_in_dim3A_6 {add = true} : memref<8192xf32, #tpu.memory_space<vmem>>[vector<16xi32>], vector<16xf32>,
          %scan3A_285 = arith.constant 0 : i32
          %scan3A_286 = arith.constant 6 : i32
          %scan3A_287 = arith.addi %scan3A_146, %scan3A_286 : i32
          %mul3A_288 = arith.constant 16 : i32
          %mul3A_289 = arith.muli %scan3A_287, %mul3A_288 : i32
          %get3A_290 = arith.index_cast %mul3A_289 : i32 to index
          %get3A_291 = tpu.vector_load %arg4[%get3A_290] {strides = array<i32>} : memref<16384xf32, #tpu.memory_space<vmem>>, vector<16xf32>,
          %sub3A_292 = vector.broadcast %reduce_min3A_30 : f32 to vector<16xf32>
          %sub3A_293 = arith.subf %get3A_291, %sub3A_292 : vector<16xf32>
          %mul3A_294 = arith.mulf %sub3A_293, %div3A : vector<16xf32>
          %mul3A_295 = arith.constant 5.120000e+02 : f32
          %mul3A_296 = vector.broadcast %mul3A_295 : f32 to vector<16xf32>
          %mul3A_297 = arith.mulf %mul3A_294, %mul3A_296 : vector<16xf32>
          %convert_element_type3A_298 = arith.fptosi %mul3A_297 : vector<16xf32> to vector<16xi32>
          %jit3A_299 = arith.constant 0 : i32
          %jit3A_300 = arith.constant 511 : i32
          %max3A_301 = vector.broadcast %jit3A_299 : i32 to vector<16xi32>
          %max3A_302 = arith.maxsi %max3A_301, %convert_element_type3A_298 : vector<16xi32>
          %min3A_303 = vector.broadcast %jit3A_300 : i32 to vector<16xi32>
          %min3A_304 = arith.minsi %min3A_303, %max3A_302 : vector<16xi32>
          %mul3A_305 = arith.constant 16 : i32
          %mul3A_306 = vector.broadcast %mul3A_305 : i32 to vector<16xi32>
          %mul3A_307 = arith.muli %min3A_304, %mul3A_306 : vector<16xi32>
          %add3A_308 = arith.addi %mul3A_307, %iota3A : vector<16xi32>
          tpu.vector_store_idx %arg8[%add3A_308], %broadcast_in_dim3A_6 {add = true} : memref<8192xf32, #tpu.memory_space<vmem>>[vector<16xi32>], vector<16xf32>,
          %scan3A_309 = arith.constant 0 : i32
          %scan3A_310 = arith.constant 7 : i32
          %scan3A_311 = arith.addi %scan3A_146, %scan3A_310 : i32
          %mul3A_312 = arith.constant 16 : i32
          %mul3A_313 = arith.muli %scan3A_311, %mul3A_312 : i32
          %get3A_314 = arith.index_cast %mul3A_313 : i32 to index
          %get3A_315 = tpu.vector_load %arg4[%get3A_314] {strides = array<i32>} : memref<16384xf32, #tpu.memory_space<vmem>>, vector<16xf32>,
          %sub3A_316 = vector.broadcast %reduce_min3A_30 : f32 to vector<16xf32>
          %sub3A_317 = arith.subf %get3A_315, %sub3A_316 : vector<16xf32>
          %mul3A_318 = arith.mulf %sub3A_317, %div3A : vector<16xf32>
          %mul3A_319 = arith.constant 5.120000e+02 : f32
          %mul3A_320 = vector.broadcast %mul3A_319 : f32 to vector<16xf32>
          %mul3A_321 = arith.mulf %mul3A_318, %mul3A_320 : vector<16xf32>
          %convert_element_type3A_322 = arith.fptosi %mul3A_321 : vector<16xf32> to vector<16xi32>
          %jit3A_323 = arith.constant 0 : i32
          %jit3A_324 = arith.constant 511 : i32
          %max3A_325 = vector.broadcast %jit3A_323 : i32 to vector<16xi32>
          %max3A_326 = arith.maxsi %max3A_325, %convert_element_type3A_322 : vector<16xi32>
          %min3A_327 = vector.broadcast %jit3A_324 : i32 to vector<16xi32>
          %min3A_328 = arith.minsi %min3A_327, %max3A_326 : vector<16xi32>
          %mul3A_329 = arith.constant 16 : i32
          %mul3A_330 = vector.broadcast %mul3A_329 : i32 to vector<16xi32>
          %mul3A_331 = arith.muli %min3A_328, %mul3A_330 : vector<16xi32>
          %add3A_332 = arith.addi %mul3A_331, %iota3A : vector<16xi32>
          tpu.vector_store_idx %arg8[%add3A_332], %broadcast_in_dim3A_6 {add = true} : memref<8192xf32, #tpu.memory_space<vmem>>[vector<16xi32>], vector<16xf32>,
          %scan3A_333 = arith.constant 0 : i32
          scf.yield %scan3A_333 : i32
        }
        %scan3A_122 = arith.constant 1024 : i32
        %mul3A_123 = arith.constant 2 : i32
        %mul3A_124 = arith.muli %mul3A_123, %scan3A_98 : i32
        %add3A_125 = arith.constant 1 : i32
        %add3A_126 = arith.addi %mul3A_124, %add3A_125 : i32
        %mul3A_127 = arith.constant 16384 : i32
        %mul3A_128 = arith.muli %add3A_126, %mul3A_127 : i32
        %add3A_129 = arith.addi %mul3A_4, %mul3A_128 : i32
        %dma_wait3A_130 = tpu.memref_slice %arg2[%add3A_129] : memref<12582912xf32, #tpu.memory_space<hbm>> -> memref<16384xf32, #tpu.memory_space<hbm>>
        %dma_wait3A_131 = tpu.memref_slice %arg2[%add3A_129] : memref<12582912xf32, #tpu.memory_space<hbm>> -> memref<16384xf32, #tpu.memory_space<hbm>>
        tpu.wait_dma2 semaphore(%arg14 : memref<!tpu.dma_semaphore, #tpu.memory_space<semaphore_mem>>) src(%dma_wait3A_131 : memref<16384xf32, #tpu.memory_space<hbm>>) dst(%arg5 : memref<16384xf32, #tpu.memory_space<vmem>>)
        %add3A_132 = arith.constant 1 : i32
        %add3A_133 = arith.addi %add3A_126, %add3A_132 : i32
        %lt3A_134 = arith.constant 48 : i32
        %lt3A_135 = arith.cmpi slt, %add3A_133, %lt3A_134 : i32
        %convert_element_type3A_136 = arith.extui %lt3A_135 : i1 to i32
        %cond3A_137 = arith.constant 0 : i32
        %cond3A_138 = arith.cmpi ne, %convert_element_type3A_136, %cond3A_137 : i32
        scf.if %cond3A_138 {
          %add3A_146 = arith.constant 1 : i32
          %add3A_147 = arith.addi %add3A_126, %add3A_146 : i32
          %mul3A_148 = arith.constant 16384 : i32
          %mul3A_149 = arith.muli %add3A_147, %mul3A_148 : i32
          %add3A_150 = arith.addi %mul3A_4, %mul3A_149 : i32
          %dma_start3A_151 = tpu.memref_slice %arg2[%add3A_150] : memref<12582912xf32, #tpu.memory_space<hbm>> -> memref<16384xf32, #tpu.memory_space<hbm>>
          %dma_start3A_152 = tpu.memref_slice %arg2[%add3A_150] : memref<12582912xf32, #tpu.memory_space<hbm>> -> memref<16384xf32, #tpu.memory_space<hbm>>
          tpu.enqueue_dma source(%dma_start3A_152 : memref<16384xf32, #tpu.memory_space<hbm>>) target(%arg4 : memref<16384xf32, #tpu.memory_space<vmem>>) target_semaphore(%arg13 : memref<!tpu.dma_semaphore, #tpu.memory_space<semaphore_mem>>)
        } else {
        }
        %scan3A_139 = arith.constant 0 : i32
        %scan3A_140 = arith.constant 0 : i32
        %scan3A_141 = arith.constant 1024 : i32
        %scan3A_142 = arith.addi %scan3A_140, %scan3A_141 : i32
        %scan3A_143 = arith.constant 8 : i32
        %scan3A_144 = scf.for %scan3A_146 = %scan3A_140 to %scan3A_142 step %scan3A_143 iter_args(%scan3A_147 = %scan3A_139) -> (i32)  : i32 {
          %mul3A_148 = arith.constant 16 : i32
          %mul3A_149 = arith.muli %scan3A_146, %mul3A_148 : i32
          %get3A = arith.index_cast %mul3A_149 : i32 to index
          %get3A_150 = tpu.vector_load %arg5[%get3A] {strides = array<i32>} : memref<16384xf32, #tpu.memory_space<vmem>>, vector<16xf32>,
          %sub3A_151 = vector.broadcast %reduce_min3A_30 : f32 to vector<16xf32>
          %sub3A_152 = arith.subf %get3A_150, %sub3A_151 : vector<16xf32>
          %mul3A_153 = arith.mulf %sub3A_152, %div3A : vector<16xf32>
          %mul3A_154 = arith.constant 5.120000e+02 : f32
          %mul3A_155 = vector.broadcast %mul3A_154 : f32 to vector<16xf32>
          %mul3A_156 = arith.mulf %mul3A_153, %mul3A_155 : vector<16xf32>
          %convert_element_type3A_157 = arith.fptosi %mul3A_156 : vector<16xf32> to vector<16xi32>
          %jit3A = arith.constant 0 : i32
          %jit3A_158 = arith.constant 511 : i32
          %max3A = vector.broadcast %jit3A : i32 to vector<16xi32>
          %max3A_159 = arith.maxsi %max3A, %convert_element_type3A_157 : vector<16xi32>
          %min3A = vector.broadcast %jit3A_158 : i32 to vector<16xi32>
          %min3A_160 = arith.minsi %min3A, %max3A_159 : vector<16xi32>
          %mul3A_161 = arith.constant 16 : i32
          %mul3A_162 = vector.broadcast %mul3A_161 : i32 to vector<16xi32>
          %mul3A_163 = arith.muli %min3A_160, %mul3A_162 : vector<16xi32>
          %add3A_164 = arith.addi %mul3A_163, %iota3A : vector<16xi32>
          tpu.vector_store_idx %arg8[%add3A_164], %broadcast_in_dim3A_6 {add = true} : memref<8192xf32, #tpu.memory_space<vmem>>[vector<16xi32>], vector<16xf32>,
          %scan3A_165 = arith.constant 0 : i32
          %scan3A_166 = arith.constant 1 : i32
          %scan3A_167 = arith.addi %scan3A_146, %scan3A_166 : i32
          %mul3A_168 = arith.constant 16 : i32
          %mul3A_169 = arith.muli %scan3A_167, %mul3A_168 : i32
          %get3A_170 = arith.index_cast %mul3A_169 : i32 to index
          %get3A_171 = tpu.vector_load %arg5[%get3A_170] {strides = array<i32>} : memref<16384xf32, #tpu.memory_space<vmem>>, vector<16xf32>,
          %sub3A_172 = vector.broadcast %reduce_min3A_30 : f32 to vector<16xf32>
          %sub3A_173 = arith.subf %get3A_171, %sub3A_172 : vector<16xf32>
          %mul3A_174 = arith.mulf %sub3A_173, %div3A : vector<16xf32>
          %mul3A_175 = arith.constant 5.120000e+02 : f32
          %mul3A_176 = vector.broadcast %mul3A_175 : f32 to vector<16xf32>
          %mul3A_177 = arith.mulf %mul3A_174, %mul3A_176 : vector<16xf32>
          %convert_element_type3A_178 = arith.fptosi %mul3A_177 : vector<16xf32> to vector<16xi32>
          %jit3A_179 = arith.constant 0 : i32
          %jit3A_180 = arith.constant 511 : i32
          %max3A_181 = vector.broadcast %jit3A_179 : i32 to vector<16xi32>
          %max3A_182 = arith.maxsi %max3A_181, %convert_element_type3A_178 : vector<16xi32>
          %min3A_183 = vector.broadcast %jit3A_180 : i32 to vector<16xi32>
          %min3A_184 = arith.minsi %min3A_183, %max3A_182 : vector<16xi32>
          %mul3A_185 = arith.constant 16 : i32
          %mul3A_186 = vector.broadcast %mul3A_185 : i32 to vector<16xi32>
          %mul3A_187 = arith.muli %min3A_184, %mul3A_186 : vector<16xi32>
          %add3A_188 = arith.addi %mul3A_187, %iota3A : vector<16xi32>
          tpu.vector_store_idx %arg8[%add3A_188], %broadcast_in_dim3A_6 {add = true} : memref<8192xf32, #tpu.memory_space<vmem>>[vector<16xi32>], vector<16xf32>,
          %scan3A_189 = arith.constant 0 : i32
          %scan3A_190 = arith.constant 2 : i32
          %scan3A_191 = arith.addi %scan3A_146, %scan3A_190 : i32
          %mul3A_192 = arith.constant 16 : i32
          %mul3A_193 = arith.muli %scan3A_191, %mul3A_192 : i32
          %get3A_194 = arith.index_cast %mul3A_193 : i32 to index
          %get3A_195 = tpu.vector_load %arg5[%get3A_194] {strides = array<i32>} : memref<16384xf32, #tpu.memory_space<vmem>>, vector<16xf32>,
          %sub3A_196 = vector.broadcast %reduce_min3A_30 : f32 to vector<16xf32>
          %sub3A_197 = arith.subf %get3A_195, %sub3A_196 : vector<16xf32>
          %mul3A_198 = arith.mulf %sub3A_197, %div3A : vector<16xf32>
          %mul3A_199 = arith.constant 5.120000e+02 : f32
          %mul3A_200 = vector.broadcast %mul3A_199 : f32 to vector<16xf32>
          %mul3A_201 = arith.mulf %mul3A_198, %mul3A_200 : vector<16xf32>
          %convert_element_type3A_202 = arith.fptosi %mul3A_201 : vector<16xf32> to vector<16xi32>
          %jit3A_203 = arith.constant 0 : i32
          %jit3A_204 = arith.constant 511 : i32
          %max3A_205 = vector.broadcast %jit3A_203 : i32 to vector<16xi32>
          %max3A_206 = arith.maxsi %max3A_205, %convert_element_type3A_202 : vector<16xi32>
          %min3A_207 = vector.broadcast %jit3A_204 : i32 to vector<16xi32>
          %min3A_208 = arith.minsi %min3A_207, %max3A_206 : vector<16xi32>
          %mul3A_209 = arith.constant 16 : i32
          %mul3A_210 = vector.broadcast %mul3A_209 : i32 to vector<16xi32>
          %mul3A_211 = arith.muli %min3A_208, %mul3A_210 : vector<16xi32>
          %add3A_212 = arith.addi %mul3A_211, %iota3A : vector<16xi32>
          tpu.vector_store_idx %arg8[%add3A_212], %broadcast_in_dim3A_6 {add = true} : memref<8192xf32, #tpu.memory_space<vmem>>[vector<16xi32>], vector<16xf32>,
          %scan3A_213 = arith.constant 0 : i32
          %scan3A_214 = arith.constant 3 : i32
          %scan3A_215 = arith.addi %scan3A_146, %scan3A_214 : i32
          %mul3A_216 = arith.constant 16 : i32
          %mul3A_217 = arith.muli %scan3A_215, %mul3A_216 : i32
          %get3A_218 = arith.index_cast %mul3A_217 : i32 to index
          %get3A_219 = tpu.vector_load %arg5[%get3A_218] {strides = array<i32>} : memref<16384xf32, #tpu.memory_space<vmem>>, vector<16xf32>,
          %sub3A_220 = vector.broadcast %reduce_min3A_30 : f32 to vector<16xf32>
          %sub3A_221 = arith.subf %get3A_219, %sub3A_220 : vector<16xf32>
          %mul3A_222 = arith.mulf %sub3A_221, %div3A : vector<16xf32>
          %mul3A_223 = arith.constant 5.120000e+02 : f32
          %mul3A_224 = vector.broadcast %mul3A_223 : f32 to vector<16xf32>
          %mul3A_225 = arith.mulf %mul3A_222, %mul3A_224 : vector<16xf32>
          %convert_element_type3A_226 = arith.fptosi %mul3A_225 : vector<16xf32> to vector<16xi32>
          %jit3A_227 = arith.constant 0 : i32
          %jit3A_228 = arith.constant 511 : i32
          %max3A_229 = vector.broadcast %jit3A_227 : i32 to vector<16xi32>
          %max3A_230 = arith.maxsi %max3A_229, %convert_element_type3A_226 : vector<16xi32>
          %min3A_231 = vector.broadcast %jit3A_228 : i32 to vector<16xi32>
          %min3A_232 = arith.minsi %min3A_231, %max3A_230 : vector<16xi32>
          %mul3A_233 = arith.constant 16 : i32
          %mul3A_234 = vector.broadcast %mul3A_233 : i32 to vector<16xi32>
          %mul3A_235 = arith.muli %min3A_232, %mul3A_234 : vector<16xi32>
          %add3A_236 = arith.addi %mul3A_235, %iota3A : vector<16xi32>
          tpu.vector_store_idx %arg8[%add3A_236], %broadcast_in_dim3A_6 {add = true} : memref<8192xf32, #tpu.memory_space<vmem>>[vector<16xi32>], vector<16xf32>,
          %scan3A_237 = arith.constant 0 : i32
          %scan3A_238 = arith.constant 4 : i32
          %scan3A_239 = arith.addi %scan3A_146, %scan3A_238 : i32
          %mul3A_240 = arith.constant 16 : i32
          %mul3A_241 = arith.muli %scan3A_239, %mul3A_240 : i32
          %get3A_242 = arith.index_cast %mul3A_241 : i32 to index
          %get3A_243 = tpu.vector_load %arg5[%get3A_242] {strides = array<i32>} : memref<16384xf32, #tpu.memory_space<vmem>>, vector<16xf32>,
          %sub3A_244 = vector.broadcast %reduce_min3A_30 : f32 to vector<16xf32>
          %sub3A_245 = arith.subf %get3A_243, %sub3A_244 : vector<16xf32>
          %mul3A_246 = arith.mulf %sub3A_245, %div3A : vector<16xf32>
          %mul3A_247 = arith.constant 5.120000e+02 : f32
          %mul3A_248 = vector.broadcast %mul3A_247 : f32 to vector<16xf32>
          %mul3A_249 = arith.mulf %mul3A_246, %mul3A_248 : vector<16xf32>
          %convert_element_type3A_250 = arith.fptosi %mul3A_249 : vector<16xf32> to vector<16xi32>
          %jit3A_251 = arith.constant 0 : i32
          %jit3A_252 = arith.constant 511 : i32
          %max3A_253 = vector.broadcast %jit3A_251 : i32 to vector<16xi32>
          %max3A_254 = arith.maxsi %max3A_253, %convert_element_type3A_250 : vector<16xi32>
          %min3A_255 = vector.broadcast %jit3A_252 : i32 to vector<16xi32>
          %min3A_256 = arith.minsi %min3A_255, %max3A_254 : vector<16xi32>
          %mul3A_257 = arith.constant 16 : i32
          %mul3A_258 = vector.broadcast %mul3A_257 : i32 to vector<16xi32>
          %mul3A_259 = arith.muli %min3A_256, %mul3A_258 : vector<16xi32>
          %add3A_260 = arith.addi %mul3A_259, %iota3A : vector<16xi32>
          tpu.vector_store_idx %arg8[%add3A_260], %broadcast_in_dim3A_6 {add = true} : memref<8192xf32, #tpu.memory_space<vmem>>[vector<16xi32>], vector<16xf32>,
          %scan3A_261 = arith.constant 0 : i32
          %scan3A_262 = arith.constant 5 : i32
          %scan3A_263 = arith.addi %scan3A_146, %scan3A_262 : i32
          %mul3A_264 = arith.constant 16 : i32
          %mul3A_265 = arith.muli %scan3A_263, %mul3A_264 : i32
          %get3A_266 = arith.index_cast %mul3A_265 : i32 to index
          %get3A_267 = tpu.vector_load %arg5[%get3A_266] {strides = array<i32>} : memref<16384xf32, #tpu.memory_space<vmem>>, vector<16xf32>,
          %sub3A_268 = vector.broadcast %reduce_min3A_30 : f32 to vector<16xf32>
          %sub3A_269 = arith.subf %get3A_267, %sub3A_268 : vector<16xf32>
          %mul3A_270 = arith.mulf %sub3A_269, %div3A : vector<16xf32>
          %mul3A_271 = arith.constant 5.120000e+02 : f32
          %mul3A_272 = vector.broadcast %mul3A_271 : f32 to vector<16xf32>
          %mul3A_273 = arith.mulf %mul3A_270, %mul3A_272 : vector<16xf32>
          %convert_element_type3A_274 = arith.fptosi %mul3A_273 : vector<16xf32> to vector<16xi32>
          %jit3A_275 = arith.constant 0 : i32
          %jit3A_276 = arith.constant 511 : i32
          %max3A_277 = vector.broadcast %jit3A_275 : i32 to vector<16xi32>
          %max3A_278 = arith.maxsi %max3A_277, %convert_element_type3A_274 : vector<16xi32>
          %min3A_279 = vector.broadcast %jit3A_276 : i32 to vector<16xi32>
          %min3A_280 = arith.minsi %min3A_279, %max3A_278 : vector<16xi32>
          %mul3A_281 = arith.constant 16 : i32
          %mul3A_282 = vector.broadcast %mul3A_281 : i32 to vector<16xi32>
          %mul3A_283 = arith.muli %min3A_280, %mul3A_282 : vector<16xi32>
          %add3A_284 = arith.addi %mul3A_283, %iota3A : vector<16xi32>
          tpu.vector_store_idx %arg8[%add3A_284], %broadcast_in_dim3A_6 {add = true} : memref<8192xf32, #tpu.memory_space<vmem>>[vector<16xi32>], vector<16xf32>,
          %scan3A_285 = arith.constant 0 : i32
          %scan3A_286 = arith.constant 6 : i32
          %scan3A_287 = arith.addi %scan3A_146, %scan3A_286 : i32
          %mul3A_288 = arith.constant 16 : i32
          %mul3A_289 = arith.muli %scan3A_287, %mul3A_288 : i32
          %get3A_290 = arith.index_cast %mul3A_289 : i32 to index
          %get3A_291 = tpu.vector_load %arg5[%get3A_290] {strides = array<i32>} : memref<16384xf32, #tpu.memory_space<vmem>>, vector<16xf32>,
          %sub3A_292 = vector.broadcast %reduce_min3A_30 : f32 to vector<16xf32>
          %sub3A_293 = arith.subf %get3A_291, %sub3A_292 : vector<16xf32>
          %mul3A_294 = arith.mulf %sub3A_293, %div3A : vector<16xf32>
          %mul3A_295 = arith.constant 5.120000e+02 : f32
          %mul3A_296 = vector.broadcast %mul3A_295 : f32 to vector<16xf32>
          %mul3A_297 = arith.mulf %mul3A_294, %mul3A_296 : vector<16xf32>
          %convert_element_type3A_298 = arith.fptosi %mul3A_297 : vector<16xf32> to vector<16xi32>
          %jit3A_299 = arith.constant 0 : i32
          %jit3A_300 = arith.constant 511 : i32
          %max3A_301 = vector.broadcast %jit3A_299 : i32 to vector<16xi32>
          %max3A_302 = arith.maxsi %max3A_301, %convert_element_type3A_298 : vector<16xi32>
          %min3A_303 = vector.broadcast %jit3A_300 : i32 to vector<16xi32>
          %min3A_304 = arith.minsi %min3A_303, %max3A_302 : vector<16xi32>
          %mul3A_305 = arith.constant 16 : i32
          %mul3A_306 = vector.broadcast %mul3A_305 : i32 to vector<16xi32>
          %mul3A_307 = arith.muli %min3A_304, %mul3A_306 : vector<16xi32>
          %add3A_308 = arith.addi %mul3A_307, %iota3A : vector<16xi32>
          tpu.vector_store_idx %arg8[%add3A_308], %broadcast_in_dim3A_6 {add = true} : memref<8192xf32, #tpu.memory_space<vmem>>[vector<16xi32>], vector<16xf32>,
          %scan3A_309 = arith.constant 0 : i32
          %scan3A_310 = arith.constant 7 : i32
          %scan3A_311 = arith.addi %scan3A_146, %scan3A_310 : i32
          %mul3A_312 = arith.constant 16 : i32
          %mul3A_313 = arith.muli %scan3A_311, %mul3A_312 : i32
          %get3A_314 = arith.index_cast %mul3A_313 : i32 to index
          %get3A_315 = tpu.vector_load %arg5[%get3A_314] {strides = array<i32>} : memref<16384xf32, #tpu.memory_space<vmem>>, vector<16xf32>,
          %sub3A_316 = vector.broadcast %reduce_min3A_30 : f32 to vector<16xf32>
          %sub3A_317 = arith.subf %get3A_315, %sub3A_316 : vector<16xf32>
          %mul3A_318 = arith.mulf %sub3A_317, %div3A : vector<16xf32>
          %mul3A_319 = arith.constant 5.120000e+02 : f32
          %mul3A_320 = vector.broadcast %mul3A_319 : f32 to vector<16xf32>
          %mul3A_321 = arith.mulf %mul3A_318, %mul3A_320 : vector<16xf32>
          %convert_element_type3A_322 = arith.fptosi %mul3A_321 : vector<16xf32> to vector<16xi32>
          %jit3A_323 = arith.constant 0 : i32
          %jit3A_324 = arith.constant 511 : i32
          %max3A_325 = vector.broadcast %jit3A_323 : i32 to vector<16xi32>
          %max3A_326 = arith.maxsi %max3A_325, %convert_element_type3A_322 : vector<16xi32>
          %min3A_327 = vector.broadcast %jit3A_324 : i32 to vector<16xi32>
          %min3A_328 = arith.minsi %min3A_327, %max3A_326 : vector<16xi32>
          %mul3A_329 = arith.constant 16 : i32
          %mul3A_330 = vector.broadcast %mul3A_329 : i32 to vector<16xi32>
          %mul3A_331 = arith.muli %min3A_328, %mul3A_330 : vector<16xi32>
          %add3A_332 = arith.addi %mul3A_331, %iota3A : vector<16xi32>
          tpu.vector_store_idx %arg8[%add3A_332], %broadcast_in_dim3A_6 {add = true} : memref<8192xf32, #tpu.memory_space<vmem>>[vector<16xi32>], vector<16xf32>,
          %scan3A_333 = arith.constant 0 : i32
          scf.yield %scan3A_333 : i32
        }
        %scan3A_145 = arith.constant 1024 : i32
        scf.yield %scan3A_144 : i32
      }
      %scan3A_45 = arith.constant 24 : i32
      %scan3A_46 = arith.constant 0 : i32
      %scan3A_47 = arith.constant 0 : i32
      %scan3A_48 = arith.constant 32 : i32
      %scan3A_49 = arith.addi %scan3A_47, %scan3A_48 : i32
      %scan3A_50 = arith.constant 1 : i32
      %scan3A_51 = scf.for %scan3A_98 = %scan3A_47 to %scan3A_49 step %scan3A_50 iter_args(%scan3A_99 = %scan3A_46) -> (i32)  : i32 {
        %mul3A_100 = arith.constant 16 : i32
        %mul3A_101 = arith.muli %scan3A_98, %mul3A_100 : i32
        %add3A_102 = vector.broadcast %mul3A_101 : i32 to vector<16xi32>
        %add3A_103 = arith.addi %add3A_102, %iota3A : vector<16xi32>
        %mul3A_104 = arith.constant 16 : i32
        %mul3A_105 = vector.broadcast %mul3A_104 : i32 to vector<16xi32>
        %mul3A_106 = arith.muli %add3A_103, %mul3A_105 : vector<16xi32>
        %add3A_107 = arith.constant 0 : i32
        %add3A_108 = vector.broadcast %add3A_107 : i32 to vector<16xi32>
        %add3A_109 = arith.addi %mul3A_106, %add3A_108 : vector<16xi32>
        %gather3A = tpu.vector_load_idx %arg8[%add3A_109] : memref<8192xf32, #tpu.memory_space<vmem>>[vector<16xi32>], vector<16xf32>,
        %add3A_110 = arith.addf %broadcast_in_dim3A_8, %gather3A : vector<16xf32>
        %add3A_111 = arith.constant 1 : i32
        %add3A_112 = vector.broadcast %add3A_111 : i32 to vector<16xi32>
        %add3A_113 = arith.addi %mul3A_106, %add3A_112 : vector<16xi32>
        %gather3A_114 = tpu.vector_load_idx %arg8[%add3A_113] : memref<8192xf32, #tpu.memory_space<vmem>>[vector<16xi32>], vector<16xf32>,
        %add3A_115 = arith.addf %add3A_110, %gather3A_114 : vector<16xf32>
        %add3A_116 = arith.constant 2 : i32
        %add3A_117 = vector.broadcast %add3A_116 : i32 to vector<16xi32>
        %add3A_118 = arith.addi %mul3A_106, %add3A_117 : vector<16xi32>
        %gather3A_119 = tpu.vector_load_idx %arg8[%add3A_118] : memref<8192xf32, #tpu.memory_space<vmem>>[vector<16xi32>], vector<16xf32>,
        %add3A_120 = arith.addf %add3A_115, %gather3A_119 : vector<16xf32>
        %add3A_121 = arith.constant 3 : i32
        %add3A_122 = vector.broadcast %add3A_121 : i32 to vector<16xi32>
        %add3A_123 = arith.addi %mul3A_106, %add3A_122 : vector<16xi32>
        %gather3A_124 = tpu.vector_load_idx %arg8[%add3A_123] : memref<8192xf32, #tpu.memory_space<vmem>>[vector<16xi32>], vector<16xf32>,
        %add3A_125 = arith.addf %add3A_120, %gather3A_124 : vector<16xf32>
        %add3A_126 = arith.constant 4 : i32
        %add3A_127 = vector.broadcast %add3A_126 : i32 to vector<16xi32>
        %add3A_128 = arith.addi %mul3A_106, %add3A_127 : vector<16xi32>
        %gather3A_129 = tpu.vector_load_idx %arg8[%add3A_128] : memref<8192xf32, #tpu.memory_space<vmem>>[vector<16xi32>], vector<16xf32>,
        %add3A_130 = arith.addf %add3A_125, %gather3A_129 : vector<16xf32>
        %add3A_131 = arith.constant 5 : i32
        %add3A_132 = vector.broadcast %add3A_131 : i32 to vector<16xi32>
        %add3A_133 = arith.addi %mul3A_106, %add3A_132 : vector<16xi32>
        %gather3A_134 = tpu.vector_load_idx %arg8[%add3A_133] : memref<8192xf32, #tpu.memory_space<vmem>>[vector<16xi32>], vector<16xf32>,
        %add3A_135 = arith.addf %add3A_130, %gather3A_134 : vector<16xf32>
        %add3A_136 = arith.constant 6 : i32
        %add3A_137 = vector.broadcast %add3A_136 : i32 to vector<16xi32>
        %add3A_138 = arith.addi %mul3A_106, %add3A_137 : vector<16xi32>
        %gather3A_139 = tpu.vector_load_idx %arg8[%add3A_138] : memref<8192xf32, #tpu.memory_space<vmem>>[vector<16xi32>], vector<16xf32>,
        %add3A_140 = arith.addf %add3A_135, %gather3A_139 : vector<16xf32>
        %add3A_141 = arith.constant 7 : i32
        %add3A_142 = vector.broadcast %add3A_141 : i32 to vector<16xi32>
        %add3A_143 = arith.addi %mul3A_106, %add3A_142 : vector<16xi32>
        %gather3A_144 = tpu.vector_load_idx %arg8[%add3A_143] : memref<8192xf32, #tpu.memory_space<vmem>>[vector<16xi32>], vector<16xf32>,
        %add3A_145 = arith.addf %add3A_140, %gather3A_144 : vector<16xf32>
        %add3A_146 = arith.constant 8 : i32
        %add3A_147 = vector.broadcast %add3A_146 : i32 to vector<16xi32>
        %add3A_148 = arith.addi %mul3A_106, %add3A_147 : vector<16xi32>
        %gather3A_149 = tpu.vector_load_idx %arg8[%add3A_148] : memref<8192xf32, #tpu.memory_space<vmem>>[vector<16xi32>], vector<16xf32>,
        %add3A_150 = arith.addf %add3A_145, %gather3A_149 : vector<16xf32>
        %add3A_151 = arith.constant 9 : i32
        %add3A_152 = vector.broadcast %add3A_151 : i32 to vector<16xi32>
        %add3A_153 = arith.addi %mul3A_106, %add3A_152 : vector<16xi32>
        %gather3A_154 = tpu.vector_load_idx %arg8[%add3A_153] : memref<8192xf32, #tpu.memory_space<vmem>>[vector<16xi32>], vector<16xf32>,
        %add3A_155 = arith.addf %add3A_150, %gather3A_154 : vector<16xf32>
        %add3A_156 = arith.constant 10 : i32
        %add3A_157 = vector.broadcast %add3A_156 : i32 to vector<16xi32>
        %add3A_158 = arith.addi %mul3A_106, %add3A_157 : vector<16xi32>
        %gather3A_159 = tpu.vector_load_idx %arg8[%add3A_158] : memref<8192xf32, #tpu.memory_space<vmem>>[vector<16xi32>], vector<16xf32>,
        %add3A_160 = arith.addf %add3A_155, %gather3A_159 : vector<16xf32>
        %add3A_161 = arith.constant 11 : i32
        %add3A_162 = vector.broadcast %add3A_161 : i32 to vector<16xi32>
        %add3A_163 = arith.addi %mul3A_106, %add3A_162 : vector<16xi32>
        %gather3A_164 = tpu.vector_load_idx %arg8[%add3A_163] : memref<8192xf32, #tpu.memory_space<vmem>>[vector<16xi32>], vector<16xf32>,
        %add3A_165 = arith.addf %add3A_160, %gather3A_164 : vector<16xf32>
        %add3A_166 = arith.constant 12 : i32
        %add3A_167 = vector.broadcast %add3A_166 : i32 to vector<16xi32>
        %add3A_168 = arith.addi %mul3A_106, %add3A_167 : vector<16xi32>
        %gather3A_169 = tpu.vector_load_idx %arg8[%add3A_168] : memref<8192xf32, #tpu.memory_space<vmem>>[vector<16xi32>], vector<16xf32>,
        %add3A_170 = arith.addf %add3A_165, %gather3A_169 : vector<16xf32>
        %add3A_171 = arith.constant 13 : i32
        %add3A_172 = vector.broadcast %add3A_171 : i32 to vector<16xi32>
        %add3A_173 = arith.addi %mul3A_106, %add3A_172 : vector<16xi32>
        %gather3A_174 = tpu.vector_load_idx %arg8[%add3A_173] : memref<8192xf32, #tpu.memory_space<vmem>>[vector<16xi32>], vector<16xf32>,
        %add3A_175 = arith.addf %add3A_170, %gather3A_174 : vector<16xf32>
        %add3A_176 = arith.constant 14 : i32
        %add3A_177 = vector.broadcast %add3A_176 : i32 to vector<16xi32>
        %add3A_178 = arith.addi %mul3A_106, %add3A_177 : vector<16xi32>
        %gather3A_179 = tpu.vector_load_idx %arg8[%add3A_178] : memref<8192xf32, #tpu.memory_space<vmem>>[vector<16xi32>], vector<16xf32>,
        %add3A_180 = arith.addf %add3A_175, %gather3A_179 : vector<16xf32>
        %add3A_181 = arith.constant 15 : i32
        %add3A_182 = vector.broadcast %add3A_181 : i32 to vector<16xi32>
        %add3A_183 = arith.addi %mul3A_106, %add3A_182 : vector<16xi32>
        %gather3A_184 = tpu.vector_load_idx %arg8[%add3A_183] : memref<8192xf32, #tpu.memory_space<vmem>>[vector<16xi32>], vector<16xf32>,
        %add3A_185 = arith.addf %add3A_180, %gather3A_184 : vector<16xf32>
        %mul3A_186 = arith.constant 16 : i32
        %mul3A_187 = arith.muli %scan3A_98, %mul3A_186 : i32
        %swap3A_188 = arith.index_cast %mul3A_187 : i32 to index
        %swap3A_189 = tpu.vector_load %arg9[%swap3A_188] {strides = array<i32>} : memref<512xf32, #tpu.memory_space<vmem>>, vector<16xf32>,
        tpu.vector_store %arg9[%swap3A_188], %add3A_185 {strides = array<i32>} : memref<512xf32, #tpu.memory_space<vmem>>, vector<16xf32>,
        %scan3A_190 = arith.constant 0 : i32
        scf.yield %scan3A_190 : i32
      }
      %scan3A_52 = arith.constant 32 : i32
      %scan3A_53 = arith.constant 0.000000e+00 : f32
      %scan3A_54 = arith.constant 0 : i32
      %scan3A_55 = arith.constant 32 : i32
      %scan3A_56 = arith.addi %scan3A_54, %scan3A_55 : i32
      %scan3A_57 = arith.constant 1 : i32
      %scan3A_58 = scf.for %scan3A_98 = %scan3A_54 to %scan3A_56 step %scan3A_57 iter_args(%scan3A_99 = %scan3A_53) -> (f32)  : i32 {
        %mul3A_100 = arith.constant 16 : i32
        %mul3A_101 = arith.muli %scan3A_98, %mul3A_100 : i32
        %get3A = arith.index_cast %mul3A_101 : i32 to index
        %get3A_102 = tpu.vector_load %arg9[%get3A] {strides = array<i32>} : memref<512xf32, #tpu.memory_space<vmem>>, vector<16xf32>,
        %broadcast_in_dim3A_103 = arith.constant true
        %broadcast_in_dim3A_104 = vector.broadcast %broadcast_in_dim3A_103 : i1 to vector<16xi1>
        %masked_cumsum3A = tpu.scan <sum>, %get3A_102 masked %broadcast_in_dim3A_104 : vector<16xf32>, vector<16xi1> -> vector<16xf32>
        %add3A_105 = vector.broadcast %scan3A_99 : f32 to vector<16xf32>
        %add3A_106 = arith.addf %masked_cumsum3A, %add3A_105 : vector<16xf32>
        %mul3A_107 = arith.constant 16 : i32
        %mul3A_108 = arith.muli %scan3A_98, %mul3A_107 : i32
        %swap3A_109 = arith.index_cast %mul3A_108 : i32 to index
        %swap3A_110 = tpu.vector_load %arg10[%swap3A_109] {strides = array<i32>} : memref<528xf32, #tpu.memory_space<vmem>>, vector<16xf32>,
        tpu.vector_store %arg10[%swap3A_109], %add3A_106 {strides = array<i32>} : memref<528xf32, #tpu.memory_space<vmem>>, vector<16xf32>,
        %reduce_sum3A = arith.constant true
        %reduce_sum3A_111 = vector.broadcast %reduce_sum3A : i1 to vector<16xi1>
        %reduce_sum3A_112 = tpu.scan <sum>, %get3A_102 masked %reduce_sum3A_111 : vector<16xf32>, vector<16xi1> -> vector<16xf32>
        %reduce_sum3A_113 = vector.extract %reduce_sum3A_112[15] : f32 from vector<16xf32>
        %add3A_114 = arith.addf %scan3A_99, %reduce_sum3A_113 : f32
        scf.yield %add3A_114 : f32
      }
      %scan3A_59 = arith.constant 32 : i32
      %swap3A = arith.constant 512 : index
      %swap3A_60 = tpu.vector_load %arg10[%swap3A] {strides = array<i32>} : memref<528xf32, #tpu.memory_space<vmem>>, vector<16xf32>,
      tpu.vector_store %arg10[%swap3A], %broadcast_in_dim3A_8 {strides = array<i32>} : memref<528xf32, #tpu.memory_space<vmem>>, vector<16xf32>,
      %sub3A_61 = arith.subf %reduce_max3A_33, %reduce_min3A_30 : f32
      %mul3A_62 = arith.constant 0.001953125 : f32
      %mul3A_63 = arith.mulf %sub3A_61, %mul3A_62 : f32
      %mul3A_64 = arith.constant 5.120000e+02 : f32
      %mul3A_65 = vector.broadcast %mul3A_64 : f32 to vector<16xf32>
      %mul3A_66 = arith.mulf %mul3A_65, %div3A : vector<16xf32>
      %mul3A_67 = arith.constant 2.54313159E-6 : f32
      %mul3A_68 = vector.broadcast %mul3A_67 : f32 to vector<16xf32>
      %mul3A_69 = arith.mulf %mul3A_68, %mul3A_66 : vector<16xf32>
      %scan3A_70 = arith.constant 0 : i32
      %scan3A_71 = arith.constant 0 : i32
      %scan3A_72 = arith.constant 32 : i32
      %scan3A_73 = arith.addi %scan3A_71, %scan3A_72 : i32
      %scan3A_74 = arith.constant 1 : i32
      %scan3A_75 = scf.for %scan3A_98 = %scan3A_71 to %scan3A_73 step %scan3A_74 iter_args(%scan3A_99 = %scan3A_70) -> (i32)  : i32 {
        %mul3A_100 = arith.constant 16 : i32
        %mul3A_101 = arith.muli %scan3A_98, %mul3A_100 : i32
        %get3A = arith.index_cast %mul3A_101 : i32 to index
        %get3A_102 = tpu.vector_load %arg10[%get3A] {strides = array<i32>} : memref<528xf32, #tpu.memory_space<vmem>>, vector<16xf32>,
        %mul3A_103 = arith.constant 16 : i32
        %mul3A_104 = arith.muli %scan3A_98, %mul3A_103 : i32
        %add3A_105 = arith.constant 1 : i32
        %add3A_106 = arith.addi %mul3A_104, %add3A_105 : i32
        %add3A_107 = vector.broadcast %add3A_106 : i32 to vector<16xi32>
        %add3A_108 = arith.addi %iota3A, %add3A_107 : vector<16xi32>
        %gather3A = tpu.vector_load_idx %arg10[%add3A_108] : memref<528xf32, #tpu.memory_space<vmem>>[vector<16xi32>], vector<16xf32>,
        %sub3A_109 = arith.subf %gather3A, %get3A_102 : vector<16xf32>
        %mul3A_110 = arith.mulf %sub3A_109, %mul3A_69 : vector<16xf32>
        %mul3A_111 = arith.constant 16 : i32
        %mul3A_112 = arith.muli %scan3A_98, %mul3A_111 : i32
        %convert_element_type3A_113 = arith.sitofp %mul3A_112 : i32 to f32
        %add3A_114 = vector.broadcast %convert_element_type3A_113 : f32 to vector<16xf32>
        %add3A_115 = arith.addf %convert_element_type3A_5, %add3A_114 : vector<16xf32>
        %add3A_116 = arith.constant 5.000000e-01 : f32
        %add3A_117 = vector.broadcast %add3A_116 : f32 to vector<16xf32>
        %add3A_118 = arith.addf %add3A_115, %add3A_117 : vector<16xf32>
        %mul3A_119 = vector.broadcast %mul3A_63 : f32 to vector<16xf32>
        %mul3A_120 = arith.mulf %add3A_118, %mul3A_119 : vector<16xf32>
        %add3A_121 = vector.broadcast %reduce_min3A_30 : f32 to vector<16xf32>
        %add3A_122 = arith.addf %add3A_121, %mul3A_120 : vector<16xf32>
        %mul3A_123 = arith.constant 2.54313159E-6 : f32
        %mul3A_124 = vector.broadcast %mul3A_123 : f32 to vector<16xf32>
        %mul3A_125 = arith.mulf %get3A_102, %mul3A_124 : vector<16xf32>
        %mul3A_126 = arith.mulf %mul3A_110, %add3A_122 : vector<16xf32>
        %sub3A_127 = arith.subf %mul3A_125, %mul3A_126 : vector<16xf32>
        %sub3A_128 = arith.constant 1.000000e+00 : f32
        %sub3A_129 = vector.broadcast %sub3A_128 : f32 to vector<16xf32>
        %sub3A_130 = arith.subf %sub3A_127, %sub3A_129 : vector<16xf32>
        %mul3A_131 = arith.constant 16 : i32
        %mul3A_132 = arith.muli %scan3A_98, %mul3A_131 : i32
        %swap3A_133 = arith.index_cast %mul3A_132 : i32 to index
        %swap3A_134 = tpu.vector_load %arg11[%swap3A_133] {strides = array<i32>} : memref<512xf32, #tpu.memory_space<vmem>>, vector<16xf32>,
        tpu.vector_store %arg11[%swap3A_133], %mul3A_110 {strides = array<i32>} : memref<512xf32, #tpu.memory_space<vmem>>, vector<16xf32>,
        %mul3A_135 = arith.constant 16 : i32
        %mul3A_136 = arith.muli %scan3A_98, %mul3A_135 : i32
        %swap3A_137 = arith.index_cast %mul3A_136 : i32 to index
        %swap3A_138 = tpu.vector_load %arg12[%swap3A_137] {strides = array<i32>} : memref<512xf32, #tpu.memory_space<vmem>>, vector<16xf32>,
        tpu.vector_store %arg12[%swap3A_137], %sub3A_130 {strides = array<i32>} : memref<512xf32, #tpu.memory_space<vmem>>, vector<16xf32>,
        %scan3A_139 = arith.constant 0 : i32
        scf.yield %scan3A_139 : i32
      }
      %scan3A_76 = arith.constant 32 : i32
      %mul3A_77 = arith.constant 5.120000e+02 : f32
      %mul3A_78 = vector.broadcast %mul3A_77 : f32 to vector<16xf32>
      %mul3A_79 = arith.mulf %mul3A_78, %div3A : vector<16xf32>
      %add3A_80 = arith.constant 0 : i32
      %add3A_81 = arith.addi %mul3A_4, %add3A_80 : i32
      %dma_start3A_82 = tpu.memref_slice %arg2[%add3A_81] : memref<12582912xf32, #tpu.memory_space<hbm>> -> memref<16384xf32, #tpu.memory_space<hbm>>
      %dma_start3A_83 = tpu.memref_slice %arg2[%add3A_81] : memref<12582912xf32, #tpu.memory_space<hbm>> -> memref<16384xf32, #tpu.memory_space<hbm>>
      tpu.enqueue_dma source(%dma_start3A_83 : memref<16384xf32, #tpu.memory_space<hbm>>) target(%arg4 : memref<16384xf32, #tpu.memory_space<vmem>>) target_semaphore(%arg13 : memref<!tpu.dma_semaphore, #tpu.memory_space<semaphore_mem>>)
      %scan3A_84 = arith.constant 0 : i32
      %scan3A_85 = arith.constant 0 : i32
      %scan3A_86 = arith.constant 24 : i32
      %scan3A_87 = arith.addi %scan3A_85, %scan3A_86 : i32
      %scan3A_88 = arith.constant 1 : i32
      %scan3A_89 = scf.for %scan3A_98 = %scan3A_85 to %scan3A_87 step %scan3A_88 iter_args(%scan3A_99 = %scan3A_84) -> (i32)  : i32 {
        %mul3A_100 = arith.constant 2 : i32
        %mul3A_101 = arith.muli %mul3A_100, %scan3A_98 : i32
        %add3A_102 = arith.constant 0 : i32
        %add3A_103 = arith.addi %mul3A_101, %add3A_102 : i32
        %mul3A_104 = arith.constant 16384 : i32
        %mul3A_105 = arith.muli %add3A_103, %mul3A_104 : i32
        %add3A_106 = arith.addi %mul3A_4, %mul3A_105 : i32
        %dma_wait3A_107 = tpu.memref_slice %arg2[%add3A_106] : memref<12582912xf32, #tpu.memory_space<hbm>> -> memref<16384xf32, #tpu.memory_space<hbm>>
        %dma_wait3A_108 = tpu.memref_slice %arg2[%add3A_106] : memref<12582912xf32, #tpu.memory_space<hbm>> -> memref<16384xf32, #tpu.memory_space<hbm>>
        tpu.wait_dma2 semaphore(%arg13 : memref<!tpu.dma_semaphore, #tpu.memory_space<semaphore_mem>>) src(%dma_wait3A_108 : memref<16384xf32, #tpu.memory_space<hbm>>) dst(%arg4 : memref<16384xf32, #tpu.memory_space<vmem>>)
        %add3A_109 = arith.constant 1 : i32
        %add3A_110 = arith.addi %add3A_103, %add3A_109 : i32
        %lt3A_111 = arith.constant 48 : i32
        %lt3A_112 = arith.cmpi slt, %add3A_110, %lt3A_111 : i32
        %convert_element_type3A_113 = arith.extui %lt3A_112 : i1 to i32
        %cond3A_114 = arith.constant 0 : i32
        %cond3A_115 = arith.cmpi ne, %convert_element_type3A_113, %cond3A_114 : i32
        scf.if %cond3A_115 {
          %add3A_166 = arith.constant 1 : i32
          %add3A_167 = arith.addi %add3A_103, %add3A_166 : i32
          %mul3A_168 = arith.constant 16384 : i32
          %mul3A_169 = arith.muli %add3A_167, %mul3A_168 : i32
          %add3A_170 = arith.addi %mul3A_4, %mul3A_169 : i32
          %dma_start3A_171 = tpu.memref_slice %arg2[%add3A_170] : memref<12582912xf32, #tpu.memory_space<hbm>> -> memref<16384xf32, #tpu.memory_space<hbm>>
          %dma_start3A_172 = tpu.memref_slice %arg2[%add3A_170] : memref<12582912xf32, #tpu.memory_space<hbm>> -> memref<16384xf32, #tpu.memory_space<hbm>>
          tpu.enqueue_dma source(%dma_start3A_172 : memref<16384xf32, #tpu.memory_space<hbm>>) target(%arg5 : memref<16384xf32, #tpu.memory_space<vmem>>) target_semaphore(%arg14 : memref<!tpu.dma_semaphore, #tpu.memory_space<semaphore_mem>>)
        } else {
        }
        %ge3A = arith.constant 2 : i32
        %ge3A_116 = arith.cmpi sge, %add3A_103, %ge3A : i32
        %convert_element_type3A_117 = arith.extui %ge3A_116 : i1 to i32
        %cond3A_118 = arith.constant 0 : i32
        %cond3A_119 = arith.cmpi ne, %convert_element_type3A_117, %cond3A_118 : i32
        scf.if %cond3A_119 {
          %sub3A_166 = arith.constant 2 : i32
          %sub3A_167 = arith.subi %add3A_103, %sub3A_166 : i32
          %mul3A_168 = arith.constant 16384 : i32
          %mul3A_169 = arith.muli %sub3A_167, %mul3A_168 : i32
          %add3A_170 = arith.addi %mul3A_4, %mul3A_169 : i32
          %dma_wait3A_171 = tpu.memref_slice %arg3[%add3A_170] : memref<12582912xf32, #tpu.memory_space<hbm>> -> memref<16384xf32, #tpu.memory_space<hbm>>
          %dma_wait3A_172 = tpu.memref_slice %arg3[%add3A_170] : memref<12582912xf32, #tpu.memory_space<hbm>> -> memref<16384xf32, #tpu.memory_space<hbm>>
          tpu.wait_dma2 semaphore(%arg15 : memref<!tpu.dma_semaphore, #tpu.memory_space<semaphore_mem>>) src(%arg6 : memref<16384xf32, #tpu.memory_space<vmem>>) dst(%dma_wait3A_172 : memref<16384xf32, #tpu.memory_space<hbm>>)
        } else {
        }
        %scan3A_120 = arith.constant 0 : i32
        %scan3A_121 = arith.constant 0 : i32
        %scan3A_122 = arith.constant 1024 : i32
        %scan3A_123 = arith.addi %scan3A_121, %scan3A_122 : i32
        %scan3A_124 = arith.constant 8 : i32
        %scan3A_125 = scf.for %scan3A_166 = %scan3A_121 to %scan3A_123 step %scan3A_124 iter_args(%scan3A_167 = %scan3A_120) -> (i32)  : i32 {
          %mul3A_168 = arith.constant 16 : i32
          %mul3A_169 = arith.muli %scan3A_166, %mul3A_168 : i32
          %get3A = arith.index_cast %mul3A_169 : i32 to index
          %get3A_170 = tpu.vector_load %arg4[%get3A] {strides = array<i32>} : memref<16384xf32, #tpu.memory_space<vmem>>, vector<16xf32>,
          %sub3A_171 = vector.broadcast %reduce_min3A_30 : f32 to vector<16xf32>
          %sub3A_172 = arith.subf %get3A_170, %sub3A_171 : vector<16xf32>
          %mul3A_173 = arith.mulf %sub3A_172, %mul3A_79 : vector<16xf32>
          %sub3A_174 = arith.constant 5.000000e-01 : f32
          %sub3A_175 = vector.broadcast %sub3A_174 : f32 to vector<16xf32>
          %sub3A_176 = arith.subf %mul3A_173, %sub3A_175 : vector<16xf32>
          %convert_element_type3A_177 = arith.fptosi %sub3A_176 : vector<16xf32> to vector<16xi32>
          %jit3A = arith.constant 0 : i32
          %jit3A_178 = arith.constant 510 : i32
          %max3A = vector.broadcast %jit3A : i32 to vector<16xi32>
          %max3A_179 = arith.maxsi %max3A, %convert_element_type3A_177 : vector<16xi32>
          %min3A = vector.broadcast %jit3A_178 : i32 to vector<16xi32>
          %min3A_180 = arith.minsi %min3A, %max3A_179 : vector<16xi32>
          %gather3A = tpu.vector_load_idx %arg11[%min3A_180] : memref<512xf32, #tpu.memory_space<vmem>>[vector<16xi32>], vector<16xf32>,
          %gather3A_181 = tpu.vector_load_idx %arg12[%min3A_180] : memref<512xf32, #tpu.memory_space<vmem>>[vector<16xi32>], vector<16xf32>,
          %mul3A_182 = arith.mulf %gather3A, %get3A_170 : vector<16xf32>
          %add3A_183 = arith.addf %mul3A_182, %gather3A_181 : vector<16xf32>
          %mul3A_184 = arith.constant 16 : i32
          %mul3A_185 = arith.muli %scan3A_166, %mul3A_184 : i32
          %swap3A_186 = arith.index_cast %mul3A_185 : i32 to index
          %swap3A_187 = tpu.vector_load %arg6[%swap3A_186] {strides = array<i32>} : memref<16384xf32, #tpu.memory_space<vmem>>, vector<16xf32>,
          tpu.vector_store %arg6[%swap3A_186], %add3A_183 {strides = array<i32>} : memref<16384xf32, #tpu.memory_space<vmem>>, vector<16xf32>,
          %scan3A_188 = arith.constant 0 : i32
          %scan3A_189 = arith.constant 1 : i32
          %scan3A_190 = arith.addi %scan3A_166, %scan3A_189 : i32
          %mul3A_191 = arith.constant 16 : i32
          %mul3A_192 = arith.muli %scan3A_190, %mul3A_191 : i32
          %get3A_193 = arith.index_cast %mul3A_192 : i32 to index
          %get3A_194 = tpu.vector_load %arg4[%get3A_193] {strides = array<i32>} : memref<16384xf32, #tpu.memory_space<vmem>>, vector<16xf32>,
          %sub3A_195 = vector.broadcast %reduce_min3A_30 : f32 to vector<16xf32>
          %sub3A_196 = arith.subf %get3A_194, %sub3A_195 : vector<16xf32>
          %mul3A_197 = arith.mulf %sub3A_196, %mul3A_79 : vector<16xf32>
          %sub3A_198 = arith.constant 5.000000e-01 : f32
          %sub3A_199 = vector.broadcast %sub3A_198 : f32 to vector<16xf32>
          %sub3A_200 = arith.subf %mul3A_197, %sub3A_199 : vector<16xf32>
          %convert_element_type3A_201 = arith.fptosi %sub3A_200 : vector<16xf32> to vector<16xi32>
          %jit3A_202 = arith.constant 0 : i32
          %jit3A_203 = arith.constant 510 : i32
          %max3A_204 = vector.broadcast %jit3A_202 : i32 to vector<16xi32>
          %max3A_205 = arith.maxsi %max3A_204, %convert_element_type3A_201 : vector<16xi32>
          %min3A_206 = vector.broadcast %jit3A_203 : i32 to vector<16xi32>
          %min3A_207 = arith.minsi %min3A_206, %max3A_205 : vector<16xi32>
          %gather3A_208 = tpu.vector_load_idx %arg11[%min3A_207] : memref<512xf32, #tpu.memory_space<vmem>>[vector<16xi32>], vector<16xf32>,
          %gather3A_209 = tpu.vector_load_idx %arg12[%min3A_207] : memref<512xf32, #tpu.memory_space<vmem>>[vector<16xi32>], vector<16xf32>,
          %mul3A_210 = arith.mulf %gather3A_208, %get3A_194 : vector<16xf32>
          %add3A_211 = arith.addf %mul3A_210, %gather3A_209 : vector<16xf32>
          %mul3A_212 = arith.constant 16 : i32
          %mul3A_213 = arith.muli %scan3A_190, %mul3A_212 : i32
          %swap3A_214 = arith.index_cast %mul3A_213 : i32 to index
          %swap3A_215 = tpu.vector_load %arg6[%swap3A_214] {strides = array<i32>} : memref<16384xf32, #tpu.memory_space<vmem>>, vector<16xf32>,
          tpu.vector_store %arg6[%swap3A_214], %add3A_211 {strides = array<i32>} : memref<16384xf32, #tpu.memory_space<vmem>>, vector<16xf32>,
          %scan3A_216 = arith.constant 0 : i32
          %scan3A_217 = arith.constant 2 : i32
          %scan3A_218 = arith.addi %scan3A_166, %scan3A_217 : i32
          %mul3A_219 = arith.constant 16 : i32
          %mul3A_220 = arith.muli %scan3A_218, %mul3A_219 : i32
          %get3A_221 = arith.index_cast %mul3A_220 : i32 to index
          %get3A_222 = tpu.vector_load %arg4[%get3A_221] {strides = array<i32>} : memref<16384xf32, #tpu.memory_space<vmem>>, vector<16xf32>,
          %sub3A_223 = vector.broadcast %reduce_min3A_30 : f32 to vector<16xf32>
          %sub3A_224 = arith.subf %get3A_222, %sub3A_223 : vector<16xf32>
          %mul3A_225 = arith.mulf %sub3A_224, %mul3A_79 : vector<16xf32>
          %sub3A_226 = arith.constant 5.000000e-01 : f32
          %sub3A_227 = vector.broadcast %sub3A_226 : f32 to vector<16xf32>
          %sub3A_228 = arith.subf %mul3A_225, %sub3A_227 : vector<16xf32>
          %convert_element_type3A_229 = arith.fptosi %sub3A_228 : vector<16xf32> to vector<16xi32>
          %jit3A_230 = arith.constant 0 : i32
          %jit3A_231 = arith.constant 510 : i32
          %max3A_232 = vector.broadcast %jit3A_230 : i32 to vector<16xi32>
          %max3A_233 = arith.maxsi %max3A_232, %convert_element_type3A_229 : vector<16xi32>
          %min3A_234 = vector.broadcast %jit3A_231 : i32 to vector<16xi32>
          %min3A_235 = arith.minsi %min3A_234, %max3A_233 : vector<16xi32>
          %gather3A_236 = tpu.vector_load_idx %arg11[%min3A_235] : memref<512xf32, #tpu.memory_space<vmem>>[vector<16xi32>], vector<16xf32>,
          %gather3A_237 = tpu.vector_load_idx %arg12[%min3A_235] : memref<512xf32, #tpu.memory_space<vmem>>[vector<16xi32>], vector<16xf32>,
          %mul3A_238 = arith.mulf %gather3A_236, %get3A_222 : vector<16xf32>
          %add3A_239 = arith.addf %mul3A_238, %gather3A_237 : vector<16xf32>
          %mul3A_240 = arith.constant 16 : i32
          %mul3A_241 = arith.muli %scan3A_218, %mul3A_240 : i32
          %swap3A_242 = arith.index_cast %mul3A_241 : i32 to index
          %swap3A_243 = tpu.vector_load %arg6[%swap3A_242] {strides = array<i32>} : memref<16384xf32, #tpu.memory_space<vmem>>, vector<16xf32>,
          tpu.vector_store %arg6[%swap3A_242], %add3A_239 {strides = array<i32>} : memref<16384xf32, #tpu.memory_space<vmem>>, vector<16xf32>,
          %scan3A_244 = arith.constant 0 : i32
          %scan3A_245 = arith.constant 3 : i32
          %scan3A_246 = arith.addi %scan3A_166, %scan3A_245 : i32
          %mul3A_247 = arith.constant 16 : i32
          %mul3A_248 = arith.muli %scan3A_246, %mul3A_247 : i32
          %get3A_249 = arith.index_cast %mul3A_248 : i32 to index
          %get3A_250 = tpu.vector_load %arg4[%get3A_249] {strides = array<i32>} : memref<16384xf32, #tpu.memory_space<vmem>>, vector<16xf32>,
          %sub3A_251 = vector.broadcast %reduce_min3A_30 : f32 to vector<16xf32>
          %sub3A_252 = arith.subf %get3A_250, %sub3A_251 : vector<16xf32>
          %mul3A_253 = arith.mulf %sub3A_252, %mul3A_79 : vector<16xf32>
          %sub3A_254 = arith.constant 5.000000e-01 : f32
          %sub3A_255 = vector.broadcast %sub3A_254 : f32 to vector<16xf32>
          %sub3A_256 = arith.subf %mul3A_253, %sub3A_255 : vector<16xf32>
          %convert_element_type3A_257 = arith.fptosi %sub3A_256 : vector<16xf32> to vector<16xi32>
          %jit3A_258 = arith.constant 0 : i32
          %jit3A_259 = arith.constant 510 : i32
          %max3A_260 = vector.broadcast %jit3A_258 : i32 to vector<16xi32>
          %max3A_261 = arith.maxsi %max3A_260, %convert_element_type3A_257 : vector<16xi32>
          %min3A_262 = vector.broadcast %jit3A_259 : i32 to vector<16xi32>
          %min3A_263 = arith.minsi %min3A_262, %max3A_261 : vector<16xi32>
          %gather3A_264 = tpu.vector_load_idx %arg11[%min3A_263] : memref<512xf32, #tpu.memory_space<vmem>>[vector<16xi32>], vector<16xf32>,
          %gather3A_265 = tpu.vector_load_idx %arg12[%min3A_263] : memref<512xf32, #tpu.memory_space<vmem>>[vector<16xi32>], vector<16xf32>,
          %mul3A_266 = arith.mulf %gather3A_264, %get3A_250 : vector<16xf32>
          %add3A_267 = arith.addf %mul3A_266, %gather3A_265 : vector<16xf32>
          %mul3A_268 = arith.constant 16 : i32
          %mul3A_269 = arith.muli %scan3A_246, %mul3A_268 : i32
          %swap3A_270 = arith.index_cast %mul3A_269 : i32 to index
          %swap3A_271 = tpu.vector_load %arg6[%swap3A_270] {strides = array<i32>} : memref<16384xf32, #tpu.memory_space<vmem>>, vector<16xf32>,
          tpu.vector_store %arg6[%swap3A_270], %add3A_267 {strides = array<i32>} : memref<16384xf32, #tpu.memory_space<vmem>>, vector<16xf32>,
          %scan3A_272 = arith.constant 0 : i32
          %scan3A_273 = arith.constant 4 : i32
          %scan3A_274 = arith.addi %scan3A_166, %scan3A_273 : i32
          %mul3A_275 = arith.constant 16 : i32
          %mul3A_276 = arith.muli %scan3A_274, %mul3A_275 : i32
          %get3A_277 = arith.index_cast %mul3A_276 : i32 to index
          %get3A_278 = tpu.vector_load %arg4[%get3A_277] {strides = array<i32>} : memref<16384xf32, #tpu.memory_space<vmem>>, vector<16xf32>,
          %sub3A_279 = vector.broadcast %reduce_min3A_30 : f32 to vector<16xf32>
          %sub3A_280 = arith.subf %get3A_278, %sub3A_279 : vector<16xf32>
          %mul3A_281 = arith.mulf %sub3A_280, %mul3A_79 : vector<16xf32>
          %sub3A_282 = arith.constant 5.000000e-01 : f32
          %sub3A_283 = vector.broadcast %sub3A_282 : f32 to vector<16xf32>
          %sub3A_284 = arith.subf %mul3A_281, %sub3A_283 : vector<16xf32>
          %convert_element_type3A_285 = arith.fptosi %sub3A_284 : vector<16xf32> to vector<16xi32>
          %jit3A_286 = arith.constant 0 : i32
          %jit3A_287 = arith.constant 510 : i32
          %max3A_288 = vector.broadcast %jit3A_286 : i32 to vector<16xi32>
          %max3A_289 = arith.maxsi %max3A_288, %convert_element_type3A_285 : vector<16xi32>
          %min3A_290 = vector.broadcast %jit3A_287 : i32 to vector<16xi32>
          %min3A_291 = arith.minsi %min3A_290, %max3A_289 : vector<16xi32>
          %gather3A_292 = tpu.vector_load_idx %arg11[%min3A_291] : memref<512xf32, #tpu.memory_space<vmem>>[vector<16xi32>], vector<16xf32>,
          %gather3A_293 = tpu.vector_load_idx %arg12[%min3A_291] : memref<512xf32, #tpu.memory_space<vmem>>[vector<16xi32>], vector<16xf32>,
          %mul3A_294 = arith.mulf %gather3A_292, %get3A_278 : vector<16xf32>
          %add3A_295 = arith.addf %mul3A_294, %gather3A_293 : vector<16xf32>
          %mul3A_296 = arith.constant 16 : i32
          %mul3A_297 = arith.muli %scan3A_274, %mul3A_296 : i32
          %swap3A_298 = arith.index_cast %mul3A_297 : i32 to index
          %swap3A_299 = tpu.vector_load %arg6[%swap3A_298] {strides = array<i32>} : memref<16384xf32, #tpu.memory_space<vmem>>, vector<16xf32>,
          tpu.vector_store %arg6[%swap3A_298], %add3A_295 {strides = array<i32>} : memref<16384xf32, #tpu.memory_space<vmem>>, vector<16xf32>,
          %scan3A_300 = arith.constant 0 : i32
          %scan3A_301 = arith.constant 5 : i32
          %scan3A_302 = arith.addi %scan3A_166, %scan3A_301 : i32
          %mul3A_303 = arith.constant 16 : i32
          %mul3A_304 = arith.muli %scan3A_302, %mul3A_303 : i32
          %get3A_305 = arith.index_cast %mul3A_304 : i32 to index
          %get3A_306 = tpu.vector_load %arg4[%get3A_305] {strides = array<i32>} : memref<16384xf32, #tpu.memory_space<vmem>>, vector<16xf32>,
          %sub3A_307 = vector.broadcast %reduce_min3A_30 : f32 to vector<16xf32>
          %sub3A_308 = arith.subf %get3A_306, %sub3A_307 : vector<16xf32>
          %mul3A_309 = arith.mulf %sub3A_308, %mul3A_79 : vector<16xf32>
          %sub3A_310 = arith.constant 5.000000e-01 : f32
          %sub3A_311 = vector.broadcast %sub3A_310 : f32 to vector<16xf32>
          %sub3A_312 = arith.subf %mul3A_309, %sub3A_311 : vector<16xf32>
          %convert_element_type3A_313 = arith.fptosi %sub3A_312 : vector<16xf32> to vector<16xi32>
          %jit3A_314 = arith.constant 0 : i32
          %jit3A_315 = arith.constant 510 : i32
          %max3A_316 = vector.broadcast %jit3A_314 : i32 to vector<16xi32>
          %max3A_317 = arith.maxsi %max3A_316, %convert_element_type3A_313 : vector<16xi32>
          %min3A_318 = vector.broadcast %jit3A_315 : i32 to vector<16xi32>
          %min3A_319 = arith.minsi %min3A_318, %max3A_317 : vector<16xi32>
          %gather3A_320 = tpu.vector_load_idx %arg11[%min3A_319] : memref<512xf32, #tpu.memory_space<vmem>>[vector<16xi32>], vector<16xf32>,
          %gather3A_321 = tpu.vector_load_idx %arg12[%min3A_319] : memref<512xf32, #tpu.memory_space<vmem>>[vector<16xi32>], vector<16xf32>,
          %mul3A_322 = arith.mulf %gather3A_320, %get3A_306 : vector<16xf32>
          %add3A_323 = arith.addf %mul3A_322, %gather3A_321 : vector<16xf32>
          %mul3A_324 = arith.constant 16 : i32
          %mul3A_325 = arith.muli %scan3A_302, %mul3A_324 : i32
          %swap3A_326 = arith.index_cast %mul3A_325 : i32 to index
          %swap3A_327 = tpu.vector_load %arg6[%swap3A_326] {strides = array<i32>} : memref<16384xf32, #tpu.memory_space<vmem>>, vector<16xf32>,
          tpu.vector_store %arg6[%swap3A_326], %add3A_323 {strides = array<i32>} : memref<16384xf32, #tpu.memory_space<vmem>>, vector<16xf32>,
          %scan3A_328 = arith.constant 0 : i32
          %scan3A_329 = arith.constant 6 : i32
          %scan3A_330 = arith.addi %scan3A_166, %scan3A_329 : i32
          %mul3A_331 = arith.constant 16 : i32
          %mul3A_332 = arith.muli %scan3A_330, %mul3A_331 : i32
          %get3A_333 = arith.index_cast %mul3A_332 : i32 to index
          %get3A_334 = tpu.vector_load %arg4[%get3A_333] {strides = array<i32>} : memref<16384xf32, #tpu.memory_space<vmem>>, vector<16xf32>,
          %sub3A_335 = vector.broadcast %reduce_min3A_30 : f32 to vector<16xf32>
          %sub3A_336 = arith.subf %get3A_334, %sub3A_335 : vector<16xf32>
          %mul3A_337 = arith.mulf %sub3A_336, %mul3A_79 : vector<16xf32>
          %sub3A_338 = arith.constant 5.000000e-01 : f32
          %sub3A_339 = vector.broadcast %sub3A_338 : f32 to vector<16xf32>
          %sub3A_340 = arith.subf %mul3A_337, %sub3A_339 : vector<16xf32>
          %convert_element_type3A_341 = arith.fptosi %sub3A_340 : vector<16xf32> to vector<16xi32>
          %jit3A_342 = arith.constant 0 : i32
          %jit3A_343 = arith.constant 510 : i32
          %max3A_344 = vector.broadcast %jit3A_342 : i32 to vector<16xi32>
          %max3A_345 = arith.maxsi %max3A_344, %convert_element_type3A_341 : vector<16xi32>
          %min3A_346 = vector.broadcast %jit3A_343 : i32 to vector<16xi32>
          %min3A_347 = arith.minsi %min3A_346, %max3A_345 : vector<16xi32>
          %gather3A_348 = tpu.vector_load_idx %arg11[%min3A_347] : memref<512xf32, #tpu.memory_space<vmem>>[vector<16xi32>], vector<16xf32>,
          %gather3A_349 = tpu.vector_load_idx %arg12[%min3A_347] : memref<512xf32, #tpu.memory_space<vmem>>[vector<16xi32>], vector<16xf32>,
          %mul3A_350 = arith.mulf %gather3A_348, %get3A_334 : vector<16xf32>
          %add3A_351 = arith.addf %mul3A_350, %gather3A_349 : vector<16xf32>
          %mul3A_352 = arith.constant 16 : i32
          %mul3A_353 = arith.muli %scan3A_330, %mul3A_352 : i32
          %swap3A_354 = arith.index_cast %mul3A_353 : i32 to index
          %swap3A_355 = tpu.vector_load %arg6[%swap3A_354] {strides = array<i32>} : memref<16384xf32, #tpu.memory_space<vmem>>, vector<16xf32>,
          tpu.vector_store %arg6[%swap3A_354], %add3A_351 {strides = array<i32>} : memref<16384xf32, #tpu.memory_space<vmem>>, vector<16xf32>,
          %scan3A_356 = arith.constant 0 : i32
          %scan3A_357 = arith.constant 7 : i32
          %scan3A_358 = arith.addi %scan3A_166, %scan3A_357 : i32
          %mul3A_359 = arith.constant 16 : i32
          %mul3A_360 = arith.muli %scan3A_358, %mul3A_359 : i32
          %get3A_361 = arith.index_cast %mul3A_360 : i32 to index
          %get3A_362 = tpu.vector_load %arg4[%get3A_361] {strides = array<i32>} : memref<16384xf32, #tpu.memory_space<vmem>>, vector<16xf32>,
          %sub3A_363 = vector.broadcast %reduce_min3A_30 : f32 to vector<16xf32>
          %sub3A_364 = arith.subf %get3A_362, %sub3A_363 : vector<16xf32>
          %mul3A_365 = arith.mulf %sub3A_364, %mul3A_79 : vector<16xf32>
          %sub3A_366 = arith.constant 5.000000e-01 : f32
          %sub3A_367 = vector.broadcast %sub3A_366 : f32 to vector<16xf32>
          %sub3A_368 = arith.subf %mul3A_365, %sub3A_367 : vector<16xf32>
          %convert_element_type3A_369 = arith.fptosi %sub3A_368 : vector<16xf32> to vector<16xi32>
          %jit3A_370 = arith.constant 0 : i32
          %jit3A_371 = arith.constant 510 : i32
          %max3A_372 = vector.broadcast %jit3A_370 : i32 to vector<16xi32>
          %max3A_373 = arith.maxsi %max3A_372, %convert_element_type3A_369 : vector<16xi32>
          %min3A_374 = vector.broadcast %jit3A_371 : i32 to vector<16xi32>
          %min3A_375 = arith.minsi %min3A_374, %max3A_373 : vector<16xi32>
          %gather3A_376 = tpu.vector_load_idx %arg11[%min3A_375] : memref<512xf32, #tpu.memory_space<vmem>>[vector<16xi32>], vector<16xf32>,
          %gather3A_377 = tpu.vector_load_idx %arg12[%min3A_375] : memref<512xf32, #tpu.memory_space<vmem>>[vector<16xi32>], vector<16xf32>,
          %mul3A_378 = arith.mulf %gather3A_376, %get3A_362 : vector<16xf32>
          %add3A_379 = arith.addf %mul3A_378, %gather3A_377 : vector<16xf32>
          %mul3A_380 = arith.constant 16 : i32
          %mul3A_381 = arith.muli %scan3A_358, %mul3A_380 : i32
          %swap3A_382 = arith.index_cast %mul3A_381 : i32 to index
          %swap3A_383 = tpu.vector_load %arg6[%swap3A_382] {strides = array<i32>} : memref<16384xf32, #tpu.memory_space<vmem>>, vector<16xf32>,
          tpu.vector_store %arg6[%swap3A_382], %add3A_379 {strides = array<i32>} : memref<16384xf32, #tpu.memory_space<vmem>>, vector<16xf32>,
          %scan3A_384 = arith.constant 0 : i32
          scf.yield %scan3A_384 : i32
        }
        %scan3A_126 = arith.constant 1024 : i32
        %mul3A_127 = arith.constant 16384 : i32
        %mul3A_128 = arith.muli %add3A_103, %mul3A_127 : i32
        %add3A_129 = arith.addi %mul3A_4, %mul3A_128 : i32
        %dma_start3A_130 = tpu.memref_slice %arg3[%add3A_129] : memref<12582912xf32, #tpu.memory_space<hbm>> -> memref<16384xf32, #tpu.memory_space<hbm>>
        %dma_start3A_131 = tpu.memref_slice %arg3[%add3A_129] : memref<12582912xf32, #tpu.memory_space<hbm>> -> memref<16384xf32, #tpu.memory_space<hbm>>
        tpu.enqueue_dma source(%arg6 : memref<16384xf32, #tpu.memory_space<vmem>>) target(%dma_start3A_131 : memref<16384xf32, #tpu.memory_space<hbm>>) target_semaphore(%arg15 : memref<!tpu.dma_semaphore, #tpu.memory_space<semaphore_mem>>)
        %mul3A_132 = arith.constant 2 : i32
        %mul3A_133 = arith.muli %mul3A_132, %scan3A_98 : i32
        %add3A_134 = arith.constant 1 : i32
        %add3A_135 = arith.addi %mul3A_133, %add3A_134 : i32
        %mul3A_136 = arith.constant 16384 : i32
        %mul3A_137 = arith.muli %add3A_135, %mul3A_136 : i32
        %add3A_138 = arith.addi %mul3A_4, %mul3A_137 : i32
        %dma_wait3A_139 = tpu.memref_slice %arg2[%add3A_138] : memref<12582912xf32, #tpu.memory_space<hbm>> -> memref<16384xf32, #tpu.memory_space<hbm>>
        %dma_wait3A_140 = tpu.memref_slice %arg2[%add3A_138] : memref<12582912xf32, #tpu.memory_space<hbm>> -> memref<16384xf32, #tpu.memory_space<hbm>>
        tpu.wait_dma2 semaphore(%arg14 : memref<!tpu.dma_semaphore, #tpu.memory_space<semaphore_mem>>) src(%dma_wait3A_140 : memref<16384xf32, #tpu.memory_space<hbm>>) dst(%arg5 : memref<16384xf32, #tpu.memory_space<vmem>>)
        %add3A_141 = arith.constant 1 : i32
        %add3A_142 = arith.addi %add3A_135, %add3A_141 : i32
        %lt3A_143 = arith.constant 48 : i32
        %lt3A_144 = arith.cmpi slt, %add3A_142, %lt3A_143 : i32
        %convert_element_type3A_145 = arith.extui %lt3A_144 : i1 to i32
        %cond3A_146 = arith.constant 0 : i32
        %cond3A_147 = arith.cmpi ne, %convert_element_type3A_145, %cond3A_146 : i32
        scf.if %cond3A_147 {
          %add3A_166 = arith.constant 1 : i32
          %add3A_167 = arith.addi %add3A_135, %add3A_166 : i32
          %mul3A_168 = arith.constant 16384 : i32
          %mul3A_169 = arith.muli %add3A_167, %mul3A_168 : i32
          %add3A_170 = arith.addi %mul3A_4, %mul3A_169 : i32
          %dma_start3A_171 = tpu.memref_slice %arg2[%add3A_170] : memref<12582912xf32, #tpu.memory_space<hbm>> -> memref<16384xf32, #tpu.memory_space<hbm>>
          %dma_start3A_172 = tpu.memref_slice %arg2[%add3A_170] : memref<12582912xf32, #tpu.memory_space<hbm>> -> memref<16384xf32, #tpu.memory_space<hbm>>
          tpu.enqueue_dma source(%dma_start3A_172 : memref<16384xf32, #tpu.memory_space<hbm>>) target(%arg4 : memref<16384xf32, #tpu.memory_space<vmem>>) target_semaphore(%arg13 : memref<!tpu.dma_semaphore, #tpu.memory_space<semaphore_mem>>)
        } else {
        }
        %ge3A_148 = arith.constant 2 : i32
        %ge3A_149 = arith.cmpi sge, %add3A_135, %ge3A_148 : i32
        %convert_element_type3A_150 = arith.extui %ge3A_149 : i1 to i32
        %cond3A_151 = arith.constant 0 : i32
        %cond3A_152 = arith.cmpi ne, %convert_element_type3A_150, %cond3A_151 : i32
        scf.if %cond3A_152 {
          %sub3A_166 = arith.constant 2 : i32
          %sub3A_167 = arith.subi %add3A_135, %sub3A_166 : i32
          %mul3A_168 = arith.constant 16384 : i32
          %mul3A_169 = arith.muli %sub3A_167, %mul3A_168 : i32
          %add3A_170 = arith.addi %mul3A_4, %mul3A_169 : i32
          %dma_wait3A_171 = tpu.memref_slice %arg3[%add3A_170] : memref<12582912xf32, #tpu.memory_space<hbm>> -> memref<16384xf32, #tpu.memory_space<hbm>>
          %dma_wait3A_172 = tpu.memref_slice %arg3[%add3A_170] : memref<12582912xf32, #tpu.memory_space<hbm>> -> memref<16384xf32, #tpu.memory_space<hbm>>
          tpu.wait_dma2 semaphore(%arg16 : memref<!tpu.dma_semaphore, #tpu.memory_space<semaphore_mem>>) src(%arg7 : memref<16384xf32, #tpu.memory_space<vmem>>) dst(%dma_wait3A_172 : memref<16384xf32, #tpu.memory_space<hbm>>)
        } else {
        }
        %scan3A_153 = arith.constant 0 : i32
        %scan3A_154 = arith.constant 0 : i32
        %scan3A_155 = arith.constant 1024 : i32
        %scan3A_156 = arith.addi %scan3A_154, %scan3A_155 : i32
        %scan3A_157 = arith.constant 8 : i32
        %scan3A_158 = scf.for %scan3A_166 = %scan3A_154 to %scan3A_156 step %scan3A_157 iter_args(%scan3A_167 = %scan3A_153) -> (i32)  : i32 {
          %mul3A_168 = arith.constant 16 : i32
          %mul3A_169 = arith.muli %scan3A_166, %mul3A_168 : i32
          %get3A = arith.index_cast %mul3A_169 : i32 to index
          %get3A_170 = tpu.vector_load %arg5[%get3A] {strides = array<i32>} : memref<16384xf32, #tpu.memory_space<vmem>>, vector<16xf32>,
          %sub3A_171 = vector.broadcast %reduce_min3A_30 : f32 to vector<16xf32>
          %sub3A_172 = arith.subf %get3A_170, %sub3A_171 : vector<16xf32>
          %mul3A_173 = arith.mulf %sub3A_172, %mul3A_79 : vector<16xf32>
          %sub3A_174 = arith.constant 5.000000e-01 : f32
          %sub3A_175 = vector.broadcast %sub3A_174 : f32 to vector<16xf32>
          %sub3A_176 = arith.subf %mul3A_173, %sub3A_175 : vector<16xf32>
          %convert_element_type3A_177 = arith.fptosi %sub3A_176 : vector<16xf32> to vector<16xi32>
          %jit3A = arith.constant 0 : i32
          %jit3A_178 = arith.constant 510 : i32
          %max3A = vector.broadcast %jit3A : i32 to vector<16xi32>
          %max3A_179 = arith.maxsi %max3A, %convert_element_type3A_177 : vector<16xi32>
          %min3A = vector.broadcast %jit3A_178 : i32 to vector<16xi32>
          %min3A_180 = arith.minsi %min3A, %max3A_179 : vector<16xi32>
          %gather3A = tpu.vector_load_idx %arg11[%min3A_180] : memref<512xf32, #tpu.memory_space<vmem>>[vector<16xi32>], vector<16xf32>,
          %gather3A_181 = tpu.vector_load_idx %arg12[%min3A_180] : memref<512xf32, #tpu.memory_space<vmem>>[vector<16xi32>], vector<16xf32>,
          %mul3A_182 = arith.mulf %gather3A, %get3A_170 : vector<16xf32>
          %add3A_183 = arith.addf %mul3A_182, %gather3A_181 : vector<16xf32>
          %mul3A_184 = arith.constant 16 : i32
          %mul3A_185 = arith.muli %scan3A_166, %mul3A_184 : i32
          %swap3A_186 = arith.index_cast %mul3A_185 : i32 to index
          %swap3A_187 = tpu.vector_load %arg7[%swap3A_186] {strides = array<i32>} : memref<16384xf32, #tpu.memory_space<vmem>>, vector<16xf32>,
          tpu.vector_store %arg7[%swap3A_186], %add3A_183 {strides = array<i32>} : memref<16384xf32, #tpu.memory_space<vmem>>, vector<16xf32>,
          %scan3A_188 = arith.constant 0 : i32
          %scan3A_189 = arith.constant 1 : i32
          %scan3A_190 = arith.addi %scan3A_166, %scan3A_189 : i32
          %mul3A_191 = arith.constant 16 : i32
          %mul3A_192 = arith.muli %scan3A_190, %mul3A_191 : i32
          %get3A_193 = arith.index_cast %mul3A_192 : i32 to index
          %get3A_194 = tpu.vector_load %arg5[%get3A_193] {strides = array<i32>} : memref<16384xf32, #tpu.memory_space<vmem>>, vector<16xf32>,
          %sub3A_195 = vector.broadcast %reduce_min3A_30 : f32 to vector<16xf32>
          %sub3A_196 = arith.subf %get3A_194, %sub3A_195 : vector<16xf32>
          %mul3A_197 = arith.mulf %sub3A_196, %mul3A_79 : vector<16xf32>
          %sub3A_198 = arith.constant 5.000000e-01 : f32
          %sub3A_199 = vector.broadcast %sub3A_198 : f32 to vector<16xf32>
          %sub3A_200 = arith.subf %mul3A_197, %sub3A_199 : vector<16xf32>
          %convert_element_type3A_201 = arith.fptosi %sub3A_200 : vector<16xf32> to vector<16xi32>
          %jit3A_202 = arith.constant 0 : i32
          %jit3A_203 = arith.constant 510 : i32
          %max3A_204 = vector.broadcast %jit3A_202 : i32 to vector<16xi32>
          %max3A_205 = arith.maxsi %max3A_204, %convert_element_type3A_201 : vector<16xi32>
          %min3A_206 = vector.broadcast %jit3A_203 : i32 to vector<16xi32>
          %min3A_207 = arith.minsi %min3A_206, %max3A_205 : vector<16xi32>
          %gather3A_208 = tpu.vector_load_idx %arg11[%min3A_207] : memref<512xf32, #tpu.memory_space<vmem>>[vector<16xi32>], vector<16xf32>,
          %gather3A_209 = tpu.vector_load_idx %arg12[%min3A_207] : memref<512xf32, #tpu.memory_space<vmem>>[vector<16xi32>], vector<16xf32>,
          %mul3A_210 = arith.mulf %gather3A_208, %get3A_194 : vector<16xf32>
          %add3A_211 = arith.addf %mul3A_210, %gather3A_209 : vector<16xf32>
          %mul3A_212 = arith.constant 16 : i32
          %mul3A_213 = arith.muli %scan3A_190, %mul3A_212 : i32
          %swap3A_214 = arith.index_cast %mul3A_213 : i32 to index
          %swap3A_215 = tpu.vector_load %arg7[%swap3A_214] {strides = array<i32>} : memref<16384xf32, #tpu.memory_space<vmem>>, vector<16xf32>,
          tpu.vector_store %arg7[%swap3A_214], %add3A_211 {strides = array<i32>} : memref<16384xf32, #tpu.memory_space<vmem>>, vector<16xf32>,
          %scan3A_216 = arith.constant 0 : i32
          %scan3A_217 = arith.constant 2 : i32
          %scan3A_218 = arith.addi %scan3A_166, %scan3A_217 : i32
          %mul3A_219 = arith.constant 16 : i32
          %mul3A_220 = arith.muli %scan3A_218, %mul3A_219 : i32
          %get3A_221 = arith.index_cast %mul3A_220 : i32 to index
          %get3A_222 = tpu.vector_load %arg5[%get3A_221] {strides = array<i32>} : memref<16384xf32, #tpu.memory_space<vmem>>, vector<16xf32>,
          %sub3A_223 = vector.broadcast %reduce_min3A_30 : f32 to vector<16xf32>
          %sub3A_224 = arith.subf %get3A_222, %sub3A_223 : vector<16xf32>
          %mul3A_225 = arith.mulf %sub3A_224, %mul3A_79 : vector<16xf32>
          %sub3A_226 = arith.constant 5.000000e-01 : f32
          %sub3A_227 = vector.broadcast %sub3A_226 : f32 to vector<16xf32>
          %sub3A_228 = arith.subf %mul3A_225, %sub3A_227 : vector<16xf32>
          %convert_element_type3A_229 = arith.fptosi %sub3A_228 : vector<16xf32> to vector<16xi32>
          %jit3A_230 = arith.constant 0 : i32
          %jit3A_231 = arith.constant 510 : i32
          %max3A_232 = vector.broadcast %jit3A_230 : i32 to vector<16xi32>
          %max3A_233 = arith.maxsi %max3A_232, %convert_element_type3A_229 : vector<16xi32>
          %min3A_234 = vector.broadcast %jit3A_231 : i32 to vector<16xi32>
          %min3A_235 = arith.minsi %min3A_234, %max3A_233 : vector<16xi32>
          %gather3A_236 = tpu.vector_load_idx %arg11[%min3A_235] : memref<512xf32, #tpu.memory_space<vmem>>[vector<16xi32>], vector<16xf32>,
          %gather3A_237 = tpu.vector_load_idx %arg12[%min3A_235] : memref<512xf32, #tpu.memory_space<vmem>>[vector<16xi32>], vector<16xf32>,
          %mul3A_238 = arith.mulf %gather3A_236, %get3A_222 : vector<16xf32>
          %add3A_239 = arith.addf %mul3A_238, %gather3A_237 : vector<16xf32>
          %mul3A_240 = arith.constant 16 : i32
          %mul3A_241 = arith.muli %scan3A_218, %mul3A_240 : i32
          %swap3A_242 = arith.index_cast %mul3A_241 : i32 to index
          %swap3A_243 = tpu.vector_load %arg7[%swap3A_242] {strides = array<i32>} : memref<16384xf32, #tpu.memory_space<vmem>>, vector<16xf32>,
          tpu.vector_store %arg7[%swap3A_242], %add3A_239 {strides = array<i32>} : memref<16384xf32, #tpu.memory_space<vmem>>, vector<16xf32>,
          %scan3A_244 = arith.constant 0 : i32
          %scan3A_245 = arith.constant 3 : i32
          %scan3A_246 = arith.addi %scan3A_166, %scan3A_245 : i32
          %mul3A_247 = arith.constant 16 : i32
          %mul3A_248 = arith.muli %scan3A_246, %mul3A_247 : i32
          %get3A_249 = arith.index_cast %mul3A_248 : i32 to index
          %get3A_250 = tpu.vector_load %arg5[%get3A_249] {strides = array<i32>} : memref<16384xf32, #tpu.memory_space<vmem>>, vector<16xf32>,
          %sub3A_251 = vector.broadcast %reduce_min3A_30 : f32 to vector<16xf32>
          %sub3A_252 = arith.subf %get3A_250, %sub3A_251 : vector<16xf32>
          %mul3A_253 = arith.mulf %sub3A_252, %mul3A_79 : vector<16xf32>
          %sub3A_254 = arith.constant 5.000000e-01 : f32
          %sub3A_255 = vector.broadcast %sub3A_254 : f32 to vector<16xf32>
          %sub3A_256 = arith.subf %mul3A_253, %sub3A_255 : vector<16xf32>
          %convert_element_type3A_257 = arith.fptosi %sub3A_256 : vector<16xf32> to vector<16xi32>
          %jit3A_258 = arith.constant 0 : i32
          %jit3A_259 = arith.constant 510 : i32
          %max3A_260 = vector.broadcast %jit3A_258 : i32 to vector<16xi32>
          %max3A_261 = arith.maxsi %max3A_260, %convert_element_type3A_257 : vector<16xi32>
          %min3A_262 = vector.broadcast %jit3A_259 : i32 to vector<16xi32>
          %min3A_263 = arith.minsi %min3A_262, %max3A_261 : vector<16xi32>
          %gather3A_264 = tpu.vector_load_idx %arg11[%min3A_263] : memref<512xf32, #tpu.memory_space<vmem>>[vector<16xi32>], vector<16xf32>,
          %gather3A_265 = tpu.vector_load_idx %arg12[%min3A_263] : memref<512xf32, #tpu.memory_space<vmem>>[vector<16xi32>], vector<16xf32>,
          %mul3A_266 = arith.mulf %gather3A_264, %get3A_250 : vector<16xf32>
          %add3A_267 = arith.addf %mul3A_266, %gather3A_265 : vector<16xf32>
          %mul3A_268 = arith.constant 16 : i32
          %mul3A_269 = arith.muli %scan3A_246, %mul3A_268 : i32
          %swap3A_270 = arith.index_cast %mul3A_269 : i32 to index
          %swap3A_271 = tpu.vector_load %arg7[%swap3A_270] {strides = array<i32>} : memref<16384xf32, #tpu.memory_space<vmem>>, vector<16xf32>,
          tpu.vector_store %arg7[%swap3A_270], %add3A_267 {strides = array<i32>} : memref<16384xf32, #tpu.memory_space<vmem>>, vector<16xf32>,
          %scan3A_272 = arith.constant 0 : i32
          %scan3A_273 = arith.constant 4 : i32
          %scan3A_274 = arith.addi %scan3A_166, %scan3A_273 : i32
          %mul3A_275 = arith.constant 16 : i32
          %mul3A_276 = arith.muli %scan3A_274, %mul3A_275 : i32
          %get3A_277 = arith.index_cast %mul3A_276 : i32 to index
          %get3A_278 = tpu.vector_load %arg5[%get3A_277] {strides = array<i32>} : memref<16384xf32, #tpu.memory_space<vmem>>, vector<16xf32>,
          %sub3A_279 = vector.broadcast %reduce_min3A_30 : f32 to vector<16xf32>
          %sub3A_280 = arith.subf %get3A_278, %sub3A_279 : vector<16xf32>
          %mul3A_281 = arith.mulf %sub3A_280, %mul3A_79 : vector<16xf32>
          %sub3A_282 = arith.constant 5.000000e-01 : f32
          %sub3A_283 = vector.broadcast %sub3A_282 : f32 to vector<16xf32>
          %sub3A_284 = arith.subf %mul3A_281, %sub3A_283 : vector<16xf32>
          %convert_element_type3A_285 = arith.fptosi %sub3A_284 : vector<16xf32> to vector<16xi32>
          %jit3A_286 = arith.constant 0 : i32
          %jit3A_287 = arith.constant 510 : i32
          %max3A_288 = vector.broadcast %jit3A_286 : i32 to vector<16xi32>
          %max3A_289 = arith.maxsi %max3A_288, %convert_element_type3A_285 : vector<16xi32>
          %min3A_290 = vector.broadcast %jit3A_287 : i32 to vector<16xi32>
          %min3A_291 = arith.minsi %min3A_290, %max3A_289 : vector<16xi32>
          %gather3A_292 = tpu.vector_load_idx %arg11[%min3A_291] : memref<512xf32, #tpu.memory_space<vmem>>[vector<16xi32>], vector<16xf32>,
          %gather3A_293 = tpu.vector_load_idx %arg12[%min3A_291] : memref<512xf32, #tpu.memory_space<vmem>>[vector<16xi32>], vector<16xf32>,
          %mul3A_294 = arith.mulf %gather3A_292, %get3A_278 : vector<16xf32>
          %add3A_295 = arith.addf %mul3A_294, %gather3A_293 : vector<16xf32>
          %mul3A_296 = arith.constant 16 : i32
          %mul3A_297 = arith.muli %scan3A_274, %mul3A_296 : i32
          %swap3A_298 = arith.index_cast %mul3A_297 : i32 to index
          %swap3A_299 = tpu.vector_load %arg7[%swap3A_298] {strides = array<i32>} : memref<16384xf32, #tpu.memory_space<vmem>>, vector<16xf32>,
          tpu.vector_store %arg7[%swap3A_298], %add3A_295 {strides = array<i32>} : memref<16384xf32, #tpu.memory_space<vmem>>, vector<16xf32>,
          %scan3A_300 = arith.constant 0 : i32
          %scan3A_301 = arith.constant 5 : i32
          %scan3A_302 = arith.addi %scan3A_166, %scan3A_301 : i32
          %mul3A_303 = arith.constant 16 : i32
          %mul3A_304 = arith.muli %scan3A_302, %mul3A_303 : i32
          %get3A_305 = arith.index_cast %mul3A_304 : i32 to index
          %get3A_306 = tpu.vector_load %arg5[%get3A_305] {strides = array<i32>} : memref<16384xf32, #tpu.memory_space<vmem>>, vector<16xf32>,
          %sub3A_307 = vector.broadcast %reduce_min3A_30 : f32 to vector<16xf32>
          %sub3A_308 = arith.subf %get3A_306, %sub3A_307 : vector<16xf32>
          %mul3A_309 = arith.mulf %sub3A_308, %mul3A_79 : vector<16xf32>
          %sub3A_310 = arith.constant 5.000000e-01 : f32
          %sub3A_311 = vector.broadcast %sub3A_310 : f32 to vector<16xf32>
          %sub3A_312 = arith.subf %mul3A_309, %sub3A_311 : vector<16xf32>
          %convert_element_type3A_313 = arith.fptosi %sub3A_312 : vector<16xf32> to vector<16xi32>
          %jit3A_314 = arith.constant 0 : i32
          %jit3A_315 = arith.constant 510 : i32
          %max3A_316 = vector.broadcast %jit3A_314 : i32 to vector<16xi32>
          %max3A_317 = arith.maxsi %max3A_316, %convert_element_type3A_313 : vector<16xi32>
          %min3A_318 = vector.broadcast %jit3A_315 : i32 to vector<16xi32>
          %min3A_319 = arith.minsi %min3A_318, %max3A_317 : vector<16xi32>
          %gather3A_320 = tpu.vector_load_idx %arg11[%min3A_319] : memref<512xf32, #tpu.memory_space<vmem>>[vector<16xi32>], vector<16xf32>,
          %gather3A_321 = tpu.vector_load_idx %arg12[%min3A_319] : memref<512xf32, #tpu.memory_space<vmem>>[vector<16xi32>], vector<16xf32>,
          %mul3A_322 = arith.mulf %gather3A_320, %get3A_306 : vector<16xf32>
          %add3A_323 = arith.addf %mul3A_322, %gather3A_321 : vector<16xf32>
          %mul3A_324 = arith.constant 16 : i32
          %mul3A_325 = arith.muli %scan3A_302, %mul3A_324 : i32
          %swap3A_326 = arith.index_cast %mul3A_325 : i32 to index
          %swap3A_327 = tpu.vector_load %arg7[%swap3A_326] {strides = array<i32>} : memref<16384xf32, #tpu.memory_space<vmem>>, vector<16xf32>,
          tpu.vector_store %arg7[%swap3A_326], %add3A_323 {strides = array<i32>} : memref<16384xf32, #tpu.memory_space<vmem>>, vector<16xf32>,
          %scan3A_328 = arith.constant 0 : i32
          %scan3A_329 = arith.constant 6 : i32
          %scan3A_330 = arith.addi %scan3A_166, %scan3A_329 : i32
          %mul3A_331 = arith.constant 16 : i32
          %mul3A_332 = arith.muli %scan3A_330, %mul3A_331 : i32
          %get3A_333 = arith.index_cast %mul3A_332 : i32 to index
          %get3A_334 = tpu.vector_load %arg5[%get3A_333] {strides = array<i32>} : memref<16384xf32, #tpu.memory_space<vmem>>, vector<16xf32>,
          %sub3A_335 = vector.broadcast %reduce_min3A_30 : f32 to vector<16xf32>
          %sub3A_336 = arith.subf %get3A_334, %sub3A_335 : vector<16xf32>
          %mul3A_337 = arith.mulf %sub3A_336, %mul3A_79 : vector<16xf32>
          %sub3A_338 = arith.constant 5.000000e-01 : f32
          %sub3A_339 = vector.broadcast %sub3A_338 : f32 to vector<16xf32>
          %sub3A_340 = arith.subf %mul3A_337, %sub3A_339 : vector<16xf32>
          %convert_element_type3A_341 = arith.fptosi %sub3A_340 : vector<16xf32> to vector<16xi32>
          %jit3A_342 = arith.constant 0 : i32
          %jit3A_343 = arith.constant 510 : i32
          %max3A_344 = vector.broadcast %jit3A_342 : i32 to vector<16xi32>
          %max3A_345 = arith.maxsi %max3A_344, %convert_element_type3A_341 : vector<16xi32>
          %min3A_346 = vector.broadcast %jit3A_343 : i32 to vector<16xi32>
          %min3A_347 = arith.minsi %min3A_346, %max3A_345 : vector<16xi32>
          %gather3A_348 = tpu.vector_load_idx %arg11[%min3A_347] : memref<512xf32, #tpu.memory_space<vmem>>[vector<16xi32>], vector<16xf32>,
          %gather3A_349 = tpu.vector_load_idx %arg12[%min3A_347] : memref<512xf32, #tpu.memory_space<vmem>>[vector<16xi32>], vector<16xf32>,
          %mul3A_350 = arith.mulf %gather3A_348, %get3A_334 : vector<16xf32>
          %add3A_351 = arith.addf %mul3A_350, %gather3A_349 : vector<16xf32>
          %mul3A_352 = arith.constant 16 : i32
          %mul3A_353 = arith.muli %scan3A_330, %mul3A_352 : i32
          %swap3A_354 = arith.index_cast %mul3A_353 : i32 to index
          %swap3A_355 = tpu.vector_load %arg7[%swap3A_354] {strides = array<i32>} : memref<16384xf32, #tpu.memory_space<vmem>>, vector<16xf32>,
          tpu.vector_store %arg7[%swap3A_354], %add3A_351 {strides = array<i32>} : memref<16384xf32, #tpu.memory_space<vmem>>, vector<16xf32>,
          %scan3A_356 = arith.constant 0 : i32
          %scan3A_357 = arith.constant 7 : i32
          %scan3A_358 = arith.addi %scan3A_166, %scan3A_357 : i32
          %mul3A_359 = arith.constant 16 : i32
          %mul3A_360 = arith.muli %scan3A_358, %mul3A_359 : i32
          %get3A_361 = arith.index_cast %mul3A_360 : i32 to index
          %get3A_362 = tpu.vector_load %arg5[%get3A_361] {strides = array<i32>} : memref<16384xf32, #tpu.memory_space<vmem>>, vector<16xf32>,
          %sub3A_363 = vector.broadcast %reduce_min3A_30 : f32 to vector<16xf32>
          %sub3A_364 = arith.subf %get3A_362, %sub3A_363 : vector<16xf32>
          %mul3A_365 = arith.mulf %sub3A_364, %mul3A_79 : vector<16xf32>
          %sub3A_366 = arith.constant 5.000000e-01 : f32
          %sub3A_367 = vector.broadcast %sub3A_366 : f32 to vector<16xf32>
          %sub3A_368 = arith.subf %mul3A_365, %sub3A_367 : vector<16xf32>
          %convert_element_type3A_369 = arith.fptosi %sub3A_368 : vector<16xf32> to vector<16xi32>
          %jit3A_370 = arith.constant 0 : i32
          %jit3A_371 = arith.constant 510 : i32
          %max3A_372 = vector.broadcast %jit3A_370 : i32 to vector<16xi32>
          %max3A_373 = arith.maxsi %max3A_372, %convert_element_type3A_369 : vector<16xi32>
          %min3A_374 = vector.broadcast %jit3A_371 : i32 to vector<16xi32>
          %min3A_375 = arith.minsi %min3A_374, %max3A_373 : vector<16xi32>
          %gather3A_376 = tpu.vector_load_idx %arg11[%min3A_375] : memref<512xf32, #tpu.memory_space<vmem>>[vector<16xi32>], vector<16xf32>,
          %gather3A_377 = tpu.vector_load_idx %arg12[%min3A_375] : memref<512xf32, #tpu.memory_space<vmem>>[vector<16xi32>], vector<16xf32>,
          %mul3A_378 = arith.mulf %gather3A_376, %get3A_362 : vector<16xf32>
          %add3A_379 = arith.addf %mul3A_378, %gather3A_377 : vector<16xf32>
          %mul3A_380 = arith.constant 16 : i32
          %mul3A_381 = arith.muli %scan3A_358, %mul3A_380 : i32
          %swap3A_382 = arith.index_cast %mul3A_381 : i32 to index
          %swap3A_383 = tpu.vector_load %arg7[%swap3A_382] {strides = array<i32>} : memref<16384xf32, #tpu.memory_space<vmem>>, vector<16xf32>,
          tpu.vector_store %arg7[%swap3A_382], %add3A_379 {strides = array<i32>} : memref<16384xf32, #tpu.memory_space<vmem>>, vector<16xf32>,
          %scan3A_384 = arith.constant 0 : i32
          scf.yield %scan3A_384 : i32
        }
        %scan3A_159 = arith.constant 1024 : i32
        %mul3A_160 = arith.constant 16384 : i32
        %mul3A_161 = arith.muli %add3A_135, %mul3A_160 : i32
        %add3A_162 = arith.addi %mul3A_4, %mul3A_161 : i32
        %dma_start3A_163 = tpu.memref_slice %arg3[%add3A_162] : memref<12582912xf32, #tpu.memory_space<hbm>> -> memref<16384xf32, #tpu.memory_space<hbm>>
        %dma_start3A_164 = tpu.memref_slice %arg3[%add3A_162] : memref<12582912xf32, #tpu.memory_space<hbm>> -> memref<16384xf32, #tpu.memory_space<hbm>>
        tpu.enqueue_dma source(%arg7 : memref<16384xf32, #tpu.memory_space<vmem>>) target(%dma_start3A_164 : memref<16384xf32, #tpu.memory_space<hbm>>) target_semaphore(%arg16 : memref<!tpu.dma_semaphore, #tpu.memory_space<semaphore_mem>>)
        %scan3A_165 = arith.constant 0 : i32
        scf.yield %scan3A_165 : i32
      }
      %scan3A_90 = arith.constant 24 : i32
      %add3A_91 = arith.constant 753664 : i32
      %add3A_92 = arith.addi %mul3A_4, %add3A_91 : i32
      %dma_wait3A = tpu.memref_slice %arg3[%add3A_92] : memref<12582912xf32, #tpu.memory_space<hbm>> -> memref<16384xf32, #tpu.memory_space<hbm>>
      %dma_wait3A_93 = tpu.memref_slice %arg3[%add3A_92] : memref<12582912xf32, #tpu.memory_space<hbm>> -> memref<16384xf32, #tpu.memory_space<hbm>>
      tpu.wait_dma2 semaphore(%arg15 : memref<!tpu.dma_semaphore, #tpu.memory_space<semaphore_mem>>) src(%arg6 : memref<16384xf32, #tpu.memory_space<vmem>>) dst(%dma_wait3A_93 : memref<16384xf32, #tpu.memory_space<hbm>>)
      %add3A_94 = arith.constant 770048 : i32
      %add3A_95 = arith.addi %mul3A_4, %add3A_94 : i32
      %dma_wait3A_96 = tpu.memref_slice %arg3[%add3A_95] : memref<12582912xf32, #tpu.memory_space<hbm>> -> memref<16384xf32, #tpu.memory_space<hbm>>
      %dma_wait3A_97 = tpu.memref_slice %arg3[%add3A_95] : memref<12582912xf32, #tpu.memory_space<hbm>> -> memref<16384xf32, #tpu.memory_space<hbm>>
      tpu.wait_dma2 semaphore(%arg16 : memref<!tpu.dma_semaphore, #tpu.memory_space<semaphore_mem>>) src(%arg7 : memref<16384xf32, #tpu.memory_space<vmem>>) dst(%dma_wait3A_97 : memref<16384xf32, #tpu.memory_space<hbm>>)
    } else {
    }
    return
  }
}

</mosaic_0001>

<sc_bundles>
// kernel: kernel.3.cloned.1.call-start
scs
__scs_entry_jumppad:
0x0: {  	(pc) =	sbr.rel $0x88, $3  }
0x1: {  	(tag) =	ssettag $0x0;
	lr =	simm.s32 $0x1  }
0x2: {  	[smem:$0x3FA0] =	sst lr;
	_ =	strace $0xD0000000  }
0x3: {  	_ = 	snop  }
0x4: {  	_ = 	snop  }
0x5: {  	_ = 	snop  }
0x6: {  	_ = 	snop  }
0x7: {  	_ = 	snop  }
__scs_overlays_trampoline_lowered:
0x8: {  	[smem:$0x3FAF] =	sst s0  }
0x9: {  	[smem:$0x3FB0] =	sst s1  }
0xa: {  	[smem:$0x3FB1] =	sst s2  }
0xb: {  	[smem:$0x3FB2] =	sst s3  }
0xc: {  	[smem:$0x3FB3] =	sst s4  }
0xd: {  	[smem:$0x3FB4] =	sst s5  }
0xe: {  	[smem:$0x3FB5] =	sst s6  }
0xf: {  	[smem:$0x3FB6] =	sst s7  }
0x10: {  	[smem:$0x3FB7] =	sst s8  }
0x11: {  	[smem:$0x3FB8] =	sst s9;
	s0 =	simm.s32 @!p0 $0x0  }
0x12: {  	s1 =	sld [smem:$0x3F9E];
	s0 =	simm.s32 @p0 $0x1  }
0x13: {  	[smem:$0x3FB9] =	sst s0;
	s0 =	simm.s32 @!p1 $0x0  }
0x14: {  	s2 =	sld [smem:$0x3F9D];
	s0 =	simm.s32 @p1 $0x1  }
0x15: {  	[smem:$0x3FBA] =	sst s0;
	s0 =	simm.s32 @!p2 $0x0  }
0x16: {  	s3 =	sld [smem:$0x3FDB];
	s0 =	simm.s32 @p2 $0x1  }
0x17: {  	s4 =	simm.s32 $0x1BF5;
	[smem:$0x3FBC] =	sst s0  }
0x18: {  	s0 =	sld [smem:$0x3F9F];
	_ =	swait.ge [sflag:s4], $0x0  }
0x19: {  	s7 =	sld [smem:$0x3FA0]  }
0x1a: {  	s8 =	sadd.s32 $0xFFFFE003, lr  }
0x1b: {  	s9 =	sadd.s32 $0xFFFFFEF7, lr;
	s5 =	simm.s32 $0xFFFFFFFF;
	p2 =	slt.u32 s8, $0xFFFFF086  }
0x1c: {  	p1 =	slt.u32 s9, $0xF7A;
	s5 =	simm.s32 @!p2 $0x0  }
0x1d: {  	s5 =	simm.s32 @p1 $0x1;
	p0 =	seq.s32 s7, s2  }
0x1e: {  	s7 =	smul.u32 @!p0 $0xF7A, s2;
	p2 =	seq.s32 @!p0 s5, $0x0  }
0x1f: {  	s9 =	smul.u32 $0xF7A, s1;
	s8 =	simm.s32 @!p0 $0x1BF5;
	p2 =	por !p2, p0  }
0x20: {  	[sflag:s8] =	ssyncset.s32 @!p0 $0xFFFFF086;
	s6 =	sadd.s32 @!p0 s3, s7;
	s7 =	simm.s32 @!p0 $0x108  }
0x21: {  	s3 =	sadd.s32 s3, s9;
	s6 =	sadd.s32 @!p0 $0x88, s6;
	s7 =	simm.s32 @p2 $0x1082  }
0x22: {  	[simem:s7], [sflag:s8] =	dma.local @!p0 [hbm:s6], $0xF7A  }
0x23: {  	s9 =	sor.u32 $0xD0000000, s2;
	s6 =	simm.s32 $0x108;
	_ =	swait.ge @!p0 [sflag:s8], $0x0  }
0x24: {  	s3 =	sadd.s32 $0x88, s3;
	s6 =	simm.s32 @!p1 $0x1082;
	[sflag:s4] =	ssyncset.s32 $0xFFFFF086  }
0x25: {  	[simem:s6], [sflag:s4] =	dma.local [hbm:s3], $0xF7A  }
0x26: {  	[smem:$0x3FA0] =	sst s1;
	(tag) =	ssettag s2;
	_ =	strace s9  }
0x27: {  	s1 =	sld [smem:$0x3FB0]  }
0x28: {  	s2 =	sld [smem:$0x3FB1]  }
0x29: {  	s4 =	sld [smem:$0x3FB3]  }
0x2a: {  	p0 =	seq.s32 s5, $0x0;
	s5 =	sld [smem:$0x3FB4]  }
0x2b: {  	s6 =	sld [smem:$0x3FB5]  }
0x2c: {  	s7 =	sld [smem:$0x3FB6]  }
0x2d: {  	s3 =	simm.s32 $0x108;
	s8 =	sld [smem:$0x3FB7]  }
0x2e: {  	s3 =	simm.s32 @!p0 $0x1082;
	s9 =	sld [smem:$0x3FB8]  }
0x2f: {  	lr =	sadd.s32 s0, s3;
	s0 =	sld [smem:$0x3FAF]  }
0x30: {  	s3 =	sld [smem:$0x3FB2]  }
0x31: {  	[smem:$0x3FBB] =	sst s10  }
0x32: {  	s10 =	sld [smem:$0x3FB9];
	_ =	sdelay $0x3  }
0x33: {  	p0 =	seq.s32 s10, $0x1;
	s10 =	sld [smem:$0x3FBB];
	_ =	sdelay $0x3  }
0x34: {  	[smem:$0x3FBB] =	sst s10  }
0x35: {  	s10 =	sld [smem:$0x3FBA];
	_ =	sdelay $0x3  }
0x36: {  	p1 =	seq.s32 s10, $0x1;
	s10 =	sld [smem:$0x3FBB];
	_ =	sdelay $0x3  }
0x37: {  	[smem:$0x3FBB] =	sst s10  }
0x38: {  	s10 =	sld [smem:$0x3FBC]  }
0x39: {  	_ = 	snop;
	(pc) =	sbr.ind lr, $3  }
0x3a: {  	_ = 	snop  }
0x3b: {  	_ = 	snop  }
0x3c: {  	p2 =	seq.s32 s10, $0x1;
	s10 =	sld [smem:$0x3FBB]  }
0x3d: {  	_ =	shalt  }
0x3e: {  	_ =	shalt  }
0x3f: {  	_ =	shalt  }
0x40: {  	_ =	shalt  }
0x41: {  	_ =	shalt  }
0x42: {  	_ =	shalt  }
0x43: {  	_ =	shalt  }
0x44: {  	_ =	shalt  }
0x45: {  	_ =	shalt  }
0x46: {  	_ =	shalt  }
0x47: {  	_ =	shalt  }
0x48: {  	_ =	shalt  }
0x49: {  	_ =	shalt  }
0x4a: {  	_ =	shalt  }
0x4b: {  	_ =	shalt  }
0x4c: {  	_ =	shalt  }
0x4d: {  	_ =	shalt  }
0x4e: {  	_ =	shalt  }
0x4f: {  	_ =	shalt  }
0x50: {  	_ =	shalt  }
0x51: {  	_ =	shalt  }
0x52: {  	_ =	shalt  }
0x53: {  	_ =	shalt  }
0x54: {  	_ =	shalt  }
0x55: {  	_ =	shalt  }
0x56: {  	_ =	shalt  }
0x57: {  	_ =	shalt  }
0x58: {  	_ =	shalt  }
0x59: {  	_ =	shalt  }
0x5a: {  	_ =	shalt  }
0x5b: {  	_ =	shalt  }
0x5c: {  	_ =	shalt  }
0x5d: {  	_ =	shalt  }
0x5e: {  	_ =	shalt  }
0x5f: {  	_ =	shalt  }
0x60: {  	_ =	shalt  }
0x61: {  	_ =	shalt  }
0x62: {  	_ =	shalt  }
0x63: {  	_ =	shalt  }
0x64: {  	_ =	shalt  }
0x65: {  	_ =	shalt  }
0x66: {  	_ =	shalt  }
0x67: {  	_ =	shalt  }
0x68: {  	_ =	shalt  }
0x69: {  	_ =	shalt  }
0x6a: {  	_ =	shalt  }
0x6b: {  	_ =	shalt  }
0x6c: {  	_ =	shalt  }
0x6d: {  	_ =	shalt  }
0x6e: {  	_ =	shalt  }
0x6f: {  	_ =	shalt  }
0x70: {  	_ =	shalt  }
0x71: {  	_ =	shalt  }
0x72: {  	_ =	shalt  }
0x73: {  	_ =	shalt  }
0x74: {  	_ =	shalt  }
0x75: {  	_ =	shalt  }
0x76: {  	_ =	shalt  }
0x77: {  	_ =	shalt  }
0x78: {  	_ =	shalt  }
0x79: {  	_ =	shalt  }
0x7a: {  	_ =	shalt  }
0x7b: {  	_ =	shalt  }
0x7c: {  	_ =	shalt  }
0x7d: {  	_ =	shalt  }
0x7e: {  	_ =	shalt  }
0x7f: {  	_ =	shalt  }
0x80: {  	_ =	shalt  }
0x81: {  	_ =	shalt  }
0x82: {  	_ =	shalt  }
0x83: {  	_ =	shalt  }
0x84: {  	_ =	shalt  }
0x85: {  	_ =	shalt  }
0x86: {  	_ =	shalt  }
0x87: {  	_ =	shalt  }
.Lfunc_end0:
.L_simem_size_0:
called_computation.1_lowered:
.L_overlay_start_0:
0x88: {  	s2 =	sld [smem:$0x3FD9]  }
0x89: {  	s3 =	sld [smem:$0x3FFE];
	_ =	sdelay $0x1  }
0x8a: {  	s1 =	srdreg.scid  }
0x8b: {  	s0 =	sand.u32 $0x1, s1  }
0x8c: {  	s17 =	sshll.u32 s0, $0xA;
	s2 =	sadd.s32 s3, s2  }
0x8d: {  	s2 =	sadd.s32 s2, s17  }
0x8e: {  	[smem:$0x3FC7] =	sst s2  }
0x8f: {  	_ = 	snop  }
0x90: {  	s2 =	sld [smem:$0x3FD0];
	(tm) =	ssettm $0x1  }
0x91: {  	s18 =	sld [smem:$0x3FFB];
	_ =	sdelay $0x3  }
0x92: {  	_ =	strace s18  }
0x93: {  	s3 =	sld [smem:$0x3FFC];
	_ =	sdelay $0x3  }
0x94: {  	_ =	strace s3  }
0x95: {  	s3 =	sld [smem:$0x3FFD];
	_ =	sdelay $0x3  }
0x96: {  	_ =	strace s3  }
0x97: {  	_ =	strace $0x8FFFFFFF  }
0x98: {  	s19 =	sld [smem:$0x3FDB];
	_ =	sdelay $0x1  }
0x99: {  	s4 =	simm.s32 $_scs_section_size  }
0x9a: {  	s5 =	simm.s32 $_size__tile_overlayer_lowered;
	s6 =	simm.s32 $_tile_overlayer_lowered  }
0x9b: {  	s22 =	simm.s32 $0x1BFF;
	s21 =	sshll.u32 s6, $0x1;
	s3 =	sadd.s32 s4, s19  }
0x9c: {  	s7 =	simm.s32 $0x0;
	s20 =	sshll.u32 s5, $0x1;
	s5 =	sadd.s32 s21, s3  }
0x9d: {  	[timem:s7], [sflag:s22] =	dma.local [hbm:s5], s20  }
0x9e: {  	_ =	swait.ge [sflag:s22], s20  }
0x9f: {  	s4 =	ssub.s32 $0x0, s20;
	[sflag:s22] =	ssyncset.done $0x0  }
0xa0: {  	[sflag:s22] =	ssyncadd.s32 s4;
	_ =	sdelay $0x1  }
0xa1: {  	s23 =	simm.s32 $0x1B8B  }
0xa2: {  	_ =	swait.ge [sflag:s23], $0x1  }
0xa3: {  	[sflag:s23] =	ssyncset.done $0x0  }
0xa4: {  	s25 =	simm.s32 $0x1B8E;
	s24 =	sld [smem:$0x3FFE];
	[sflag:s23] =	ssyncadd.s32 $0xFFFFFFFF  }
0xa5: {  	s26 =	simm.s32 $execute0_lowered;
	[smem:$0x3FD2] =	sst s25  }
0xa6: {  	s5 =	sshll.u32 s26, $0x1;
	_ =	strace $0x80000049;
	[dreg:$0x1] =	wrdreg $0xFFFFFFFF  }
0xa7: {  	s28 =	simm.s32 $_size_execute0_lowered;
	s3 =	sadd.s32 s3, s5;
	[dreg:$0x0] =	wrdreg $0x0  }
0xa8: {  	s5 =	sshll.u32 s28, $0x1;
	[dreg:$0x2] =	wrdreg s3  }
0xa9: {  	[dreg:$0x3] =	wrdreg s5  }
0xaa: {  	[dreg:$0x4] =	wrdreg $0xC0  }
0xab: {  	_ =	task [dreg:s7], $0x5FFFF  }
0xac: {  	[dreg:$0x1] =	wrdreg $0xFFFFFFFF  }
0xad: {  	[dreg:$0x0] =	wrdreg $0x60  }
0xae: {  	[dreg:$0x2] =	wrdreg s2  }
0xaf: {  	[dreg:$0x3] =	wrdreg s24  }
0xb0: {  	[dreg:$0x4] =	wrdreg $0x9  }
0xb1: {  	_ =	task.clear_ibuf [dreg:s7], $0x5FFFF;
	_ =	strace $0x90000049  }
0xb2: {  	s29 =	simm.s32 $0x9;
	_ =	strace $0x8000004B  }
0xb3: {  	_ =	swait.ge [sflag:s29], $0x1  }
0xb4: {  	[sflag:s29] =	ssyncadd.s32 $0xFFFFFFFF  }
0xb5: {  	_ =	strace $0x9000004B  }
0xb6: {  	_ =	sfence  }
0xb7: {  	s30 =	sld [smem:$0x0];
	_ =	sdelay $0x2  }
0xb8: {  	s31 =	sshll.u32 s1, $0xD;
	s1 =	sshrl.u32 s1, $0x2  }
0xb9: {  	s3 =	sand.u32 $0x4000, s31;
	s1 =	sadd.s32 s1, s30  }
0xba: {  	s0 =	sor.u32 s3, s0;
	s1 =	sshll.u32 s1, $0x11  }
0xbb: {  	s0 =	sor.u32 s1, s0  }
0xbc: {  	s0 =	sadd.s32 $0x8F2B, s0  }
0xbd: {  	[sflag:s0] =	ssyncadd.remote.s32 $0x1  }
0xbe: {  	_ =	sfence.sel $0xFFFF  }
0xbf: {  	[dreg:$0x0] =	wrdreg $0xFFFFFFFF;
	(pc) =	sbr.abs _section_cstart, $3  }
0xc0: {  	[dreg:$0x1] =	wrdreg $0xFFFFFFFF  }
0xc1: {  	_ =	task.clear_ibuf [dreg:s7], $0x2FFFF;
	_ =	strace $0x9FFFFFFF  }
0xc2: {  	(tm) =	ssettm $0x7FFFFFFF  }
0xc3: {  	_ =	shalt  }
tec
execute0_lowered:
.L_overlay_start_1:
0x0: {  	(tag) =	ssettag $0x1  }
0x1: {  	s1 =	stileid.u32  }
0x2: {  	p0 =	sgt.u32 s1, $0x7  }
.Ltmp0:
0x3: {  	_ = 	snop;
	(pc) =	sbr.rel @p0 .LBB2_29-.Ltmp0, $4  }
0x4: {  	_ = 	snop  }
0x5: {  	s2 =	rddreg [dreg:$0x0];
	s3 =	simm.s32 $0x0  }
0x6: {  	[smem:$0x7FF] =	sst s3  }
0x7: {  	s5 =	rddreg [dreg:$0x1];
	_ =	strace $0x8000004A  }
0x8: {  	v0 =	vimm.f32 $1.500000000e+01;
	vm0 =	vcmask $0x300  }
0x9: {  	vm14 =	vcmask $0x704;
	v0 =	vsel vm0, $0x0, v0  }
0xa: {  	vm15 =	vcmask $0xB08;
	v0 =	vsel vm14, $0x3F800000, v0  }
0xb: {  	vm4 =	vcmask $0xF0C;
	v0 =	vsel vm15, $0x40000000, v0  }
0xc: {  	vm5 =	vcmask $0x1310;
	v0 =	vsel vm4, $0x40400000, v0  }
0xd: {  	vm6 =	vcmask $0x1714;
	v0 =	vsel vm5, $0x40800000, v0  }
0xe: {  	vm7 =	vcmask $0x1B18;
	v0 =	vsel vm6, $0x40A00000, v0  }
0xf: {  	s4 =	srdreg.scid;
	vm8 =	vcmask $0x1F1C;
	s5 =	sadd.s32 $0x800, s5;
	v0 =	vsel vm7, $0x40C00000, v0  }
0x10: {  	vm9 =	vcmask $0x2320;
	s10 =	simm.s32 $0x1;
	s11 =	simm.s32 $0x4000;
	s12 =	simm.s32 $0x2;
	v0 =	vsel vm8, $0x40E00000, v0  }
0x11: {  	vm10 =	vcmask $0x2724;
	s13 =	simm.s32 $0x10000;
	s14 =	simm.s32 $0x12200;
	s6 =	sand.u32 $0x1, s4;
	v0 =	vsel vm9, $0x41000000, v0  }
0x12: {  	vm11 =	vcmask $0x2B28;
	s15 =	simm.s32 $0x12480;
	s16 =	simm.s32 $0x12680;
	s4 =	sshll.u32 s6, $0x3;
	v0 =	vsel vm10, $0x41100000, v0  }
0x13: {  	vm12 =	vcmask $0x2F2C;
	s17 =	simm.s32 $0x8000;
	s7 =	ssub.s32 $0x2, s6;
	s4 =	sadd.s32 s1, s4;
	v0 =	vsel vm11, $0x41200000, v0  }
0x14: {  	vm13 =	vcmask $0x3330;
	s18 =	simm.s32 $0xC000;
	s8 =	sshrl.u32 s7, $0x1;
	s4 =	smul.u32 $0xC0000, s4;
	v1 =	vsel vm12, $0x41300000, v0  }
0x15: {  	s19 =	simm.s32 $0x3;
	s20 =	simm.s32 $0x4;
	vm14 =	vcmask $0x3734;
	vm15 =	vcmask $0x3B38;
	s9 =	ssub.s32 s7, s8;
	v2 =	vsel vm13, $0x41400000, v1  }
0x16: {  	s21 =	simm.s32 $0x0;
	s9 =	smax.u32 s9, $0x1;
	s31 =	sshrl.u32 s4, $0x3;
	v0 =	vimm.f32 $0.0e+00;
	v1 =	vlaneseq.u32;
	v4 =	vsel vm14, $0x41500000, v2  }
0x17: {  	s6 =	sor.u32 $0x4000, s4;
	s7 =	sor.u32 $0x8000, s4;
	s8 =	sadd.s32 s2, s31;
	v2 =	vimm.f32 $1.000000000e+00;
	v3 =	vmul.u32 $0x10, v1;
	v4 =	vsel vm15, $0x41600000, v4  }
.LBB2_2:
0x18: {  	s22 =	simm.s32 $0x10040  }
0x19: {  	[tilespmem:s22+$0xFFFFFFC0] =	vst v0  }
0x1a: {  	[tilespmem:s22+$0x30] =	vst v0  }
0x1b: {  	[tilespmem:s22+$0x20] =	vst v0  }
0x1c: {  	[tilespmem:s22+$0x10] =	vst v0  }
0x1d: {  	[tilespmem:s22+$0x0] =	vst v0  }
0x1e: {  	[tilespmem:s22+$0xFFFFFFF0] =	vst v0  }
0x1f: {  	s23 =	simm.s32 $0x0;
	[tilespmem:s22+$0xFFFFFFE0] =	vst v0  }
.LBB2_3:
0x20: {  	s23 =	sadd.s32 $0x8, s23;
	[tilespmem:s22+$0xFFFFFFD0] =	vst v0;
	s22 =	sadd.s32 $0x80, s22  }
0x21: {  	[tilespmem:s22+$0xFFFFFFC0] =	vst v0;
	p0 =	slt.u32 s23, $0x1F8  }
0x22: {  	[tilespmem:s22+$0x30] =	vst v0  }
.Ltmp1:
0x23: {  	[tilespmem:s22+$0x20] =	vst v0;
	(pc) =	sbr.rel @p0 .LBB2_3-.Ltmp1, $4  }
0x24: {  	[tilespmem:s22+$0x10] =	vst v0  }
0x25: {  	[tilespmem:s22+$0x0] =	vst v0  }
0x26: {  	[tilespmem:s22+$0xFFFFFFF0] =	vst v0  }
0x27: {  	[tilespmem:s22+$0xFFFFFFE0] =	vst v0  }
0x28: {  	[tilespmem:s22+$0xFFFFFFD0] =	vst v0;
	s22 =	simm.s32 $0x0  }
0x29: {  	v7 =	vimm.f32 $+Inf;
	v6 =	vimm.f32 $-Inf;
	[tilespmem:s22], [sflag:$0x1] =	stream.linear.gather [hbm4b:s8+s22], $0x4000, $0x38;
	[tilespmem:$0x12880] =	vst v63  }
.LBB2_5:
0x2a: {  	s23 =	sshll.u32 s22, $0xF  }
0x2b: {  	_ =	swait.ge [sflag:s10], $0x4000;
	s24 =	sadd.s32 s23, s6  }
0x2c: {  	[sflag:s10] =	ssyncset.done $0x0;
	s24 =	sshrl.u32 s24, $0x3  }
0x2d: {  	s25 =	simm.s32 $0x40;
	[sflag:s10] =	ssyncadd.s32 $0xFFFFC000;
	s24 =	sadd.s32 s2, s24  }
0x2e: {  	[tilespmem:s11], [sflag:$0x2] =	stream.linear.gather [hbm4b:s24+s3], $0x4000, $0x38;
	[tilespmem:$0x12880] =	vst v63  }
0x2f: {  	v9 =	vld [tilespmem:s25+$0xFFFFFFC0]  }
0x30: {  	v10 =	vld [tilespmem:s25+$0xFFFFFFD0]  }
0x31: {  	v11 =	vld [tilespmem:s25+$0xFFFFFFE0]  }
0x32: {  	v8 =	vld [tilespmem:s25+$0xFFFFFFF0]  }
0x33: {  	v5 =	vld [tilespmem:s25+$0x0]  }
0x34: {  	v7 =	vmin.f32 v7, v9;
	v9 =	vmax.f32 v6, v9;
	v6 =	vld [tilespmem:s25+$0x10]  }
0x35: {  	v12 =	vmin.f32 v7, v10;
	v9 =	vmax.f32 v9, v10;
	v7 =	vld [tilespmem:s25+$0x20]  }
0x36: {  	s24 =	simm.s32 $0x0;
	v10 =	vmin.f32 v12, v11;
	v11 =	vmax.f32 v9, v11;
	v9 =	vld [tilespmem:s25+$0x30];
	s25 =	simm.s32 $0xC0  }
.LBB2_6:
0x37: {  	v12 =	vld [tilespmem:s25+$0xFFFFFFC0];
	s24 =	sadd.s32 $0x8, s24;
	v10 =	vmin.f32 v10, v8;
	v8 =	vmax.f32 v11, v8  }
0x38: {  	v11 =	vld [tilespmem:s25+$0xFFFFFFD0];
	p0 =	slt.u32 s24, $0x3F8;
	v10 =	vmin.f32 v10, v5;
	v5 =	vmax.f32 v8, v5  }
0x39: {  	v13 =	vld [tilespmem:s25+$0xFFFFFFE0];
	v10 =	vmin.f32 v10, v6;
	v5 =	vmax.f32 v5, v6  }
.Ltmp2:
0x3a: {  	v8 =	vld [tilespmem:s25+$0xFFFFFFF0];
	v6 =	vmin.f32 v10, v7;
	v7 =	vmax.f32 v5, v7;
	(pc) =	sbr.rel @p0 .LBB2_6-.Ltmp2, $4  }
0x3b: {  	v5 =	vld [tilespmem:s25+$0x0];
	v6 =	vmin.f32 v6, v9;
	v7 =	vmax.f32 v7, v9  }
0x3c: {  	v9 =	vmin.f32 v6, v12;
	v7 =	vmax.f32 v7, v12;
	v6 =	vld [tilespmem:s25+$0x10]  }
0x3d: {  	v9 =	vmin.f32 v9, v11;
	v11 =	vmax.f32 v7, v11;
	v7 =	vld [tilespmem:s25+$0x20]  }
0x3e: {  	v10 =	vmin.f32 v9, v13;
	v11 =	vmax.f32 v11, v13;
	v9 =	vld [tilespmem:s25+$0x30];
	s25 =	sadd.s32 $0x80, s25  }
0x3f: {  	p0 =	seq.s32 s22, $0x17  }
0x40: {  	_ =	swait.ge [sflag:s12], $0x4000;
	s23 =	sadd.s32 @!p0 s23, s7  }
0x41: {  	s31 =	simm.s32 $0x4040;
	[sflag:s12] =	ssyncset.done $0x0;
	s23 =	sshrl.u32 @!p0 s23, $0x3  }
0x42: {  	s24 =	simm.s32 @!p0 $0x0;
	[sflag:s12] =	ssyncadd.s32 $0xFFFFC000;
	s23 =	sadd.s32 @!p0 s2, s23  }
0x43: {  	[tilespmem:s24], [sflag:$0x1] =	stream.linear.gather @!p0 [hbm4b:s23+s24], $0x4000, $0x38;
	[tilespmem:$0x12880] =	vst v63  }
0x44: {  	v10 =	vmin.f32 v10, v8;
	v8 =	vmax.f32 v11, v8;
	v11 =	vld [tilespmem:s31+$0xFFFFFFC0]  }
0x45: {  	v10 =	vmin.f32 v10, v5;
	v5 =	vmax.f32 v8, v5;
	v8 =	vld [tilespmem:s31+$0xFFFFFFD0]  }
0x46: {  	v10 =	vmin.f32 v10, v6;
	v5 =	vmax.f32 v5, v6;
	v12 =	vld [tilespmem:s31+$0xFFFFFFE0]  }
0x47: {  	v6 =	vmin.f32 v10, v7;
	v7 =	vmax.f32 v5, v7;
	v5 =	vld [tilespmem:s31+$0xFFFFFFF0]  }
0x48: {  	v10 =	vmin.f32 v6, v9;
	v7 =	vmax.f32 v7, v9;
	v6 =	vld [tilespmem:s31+$0x0]  }
0x49: {  	v9 =	vmin.f32 v10, v11;
	v10 =	vmax.f32 v7, v11;
	v7 =	vld [tilespmem:s31+$0x10]  }
0x4a: {  	v9 =	vmin.f32 v9, v8;
	v11 =	vmax.f32 v10, v8;
	v8 =	vld [tilespmem:s31+$0x20]  }
0x4b: {  	s23 =	simm.s32 $0x0;
	s24 =	simm.s32 $0x40C0;
	v10 =	vmin.f32 v9, v12;
	v11 =	vmax.f32 v11, v12;
	v9 =	vld [tilespmem:s31+$0x30]  }
.LBB2_8:
0x4c: {  	v12 =	vld [tilespmem:s24+$0xFFFFFFC0];
	s23 =	sadd.s32 $0x8, s23;
	v10 =	vmin.f32 v10, v5;
	v5 =	vmax.f32 v11, v5  }
0x4d: {  	v11 =	vld [tilespmem:s24+$0xFFFFFFD0];
	p0 =	slt.u32 s23, $0x3F8;
	v10 =	vmin.f32 v10, v6;
	v5 =	vmax.f32 v5, v6  }
0x4e: {  	v13 =	vld [tilespmem:s24+$0xFFFFFFE0];
	v6 =	vmin.f32 v10, v7;
	v7 =	vmax.f32 v5, v7  }
.Ltmp3:
0x4f: {  	v5 =	vld [tilespmem:s24+$0xFFFFFFF0];
	v10 =	vmin.f32 v6, v8;
	v7 =	vmax.f32 v7, v8;
	(pc) =	sbr.rel @p0 .LBB2_8-.Ltmp3, $4  }
0x50: {  	v6 =	vld [tilespmem:s24+$0x0];
	v8 =	vmin.f32 v10, v9;
	v7 =	vmax.f32 v7, v9  }
0x51: {  	v8 =	vmin.f32 v8, v12;
	v9 =	vmax.f32 v7, v12;
	v7 =	vld [tilespmem:s24+$0x10]  }
0x52: {  	v10 =	vmin.f32 v8, v11;
	v9 =	vmax.f32 v9, v11;
	v8 =	vld [tilespmem:s24+$0x20]  }
0x53: {  	v10 =	vmin.f32 v10, v13;
	v11 =	vmax.f32 v9, v13;
	v9 =	vld [tilespmem:s24+$0x30];
	s24 =	sadd.s32 $0x80, s24  }
0x54: {  	s22 =	sadd.s32 $0x1, s22  }
0x55: {  	p0 =	sne.s32 s22, $0x18  }
.Ltmp4:
0x56: {  	v10 =	vmin.f32 v10, v5;
	v5 =	vmax.f32 v11, v5;
	(pc) =	sbr.rel @p0 .LBB2_5-.Ltmp4, $4  }
0x57: {  	v10 =	vmin.f32 v10, v6;
	v5 =	vmax.f32 v5, v6  }
0x58: {  	v6 =	vmin.f32 v10, v7;
	v5 =	vmax.f32 v5, v7  }
0x59: {  	v6 =	vmin.f32 v6, v8;
	v5 =	vmax.f32 v5, v8  }
0x5a: {  	v7 =	vmin.f32 v6, v9;
	v6 =	vmax.f32 v5, v9  }
0x5b: {  	(xrf0) =	vmin.scan.msk.f32 $0xffff, v7  }
0x5c: {  	(xrf0) =	vmax.scan.msk.f32 $0xffff, v6;
	_ =	sdelay $0x4  }
0x5d: {  	v5, _, _ =	vpop (xrf0)  }
0x5e: {  	(v2sf) =	vpush v5, $0xF;
	v6, _, _ =	vpop (xrf0)  }
0x5f: {  	(v2sf) =	vpush v6, $0xF;
	_ =	sdelay $0xd  }
0x60: {  	s22 =	spop (v2sf)  }
0x61: {  	s23 =	spop (v2sf)  }
0x62: {  	s22 =	ssub.f32 s23, s22;
	_ =	sdelay $0x1  }
0x63: {  	v6 =	vmov s22  }
0x64: {  	(erf) = vrcp.f32 v6;
	_ =	sdelay $0x7  }
0x65: {  	s23 =	simm.s32 $0x0  }
0x66: {  	v5 =	vbroadcast v5, $0xF;
	[tilespmem:s23], [sflag:$0x1] =	stream.linear.gather [hbm4b:s8+s23], $0x4000, $0x38;
	v6 =	vpop (erf);
	[tilespmem:$0x12880] =	vst v63  }
.LBB2_11:
0x67: {  	s24 =	sshll.u32 s23, $0xF  }
0x68: {  	_ =	swait.ge [sflag:s10], $0x4000;
	s25 =	sadd.s32 s24, s6  }
0x69: {  	[sflag:s10] =	ssyncset.done $0x0;
	s25 =	sshrl.u32 s25, $0x3  }
0x6a: {  	[sflag:s10] =	ssyncadd.s32 $0xFFFFC000;
	s25 =	sadd.s32 s2, s25  }
0x6b: {  	[tilespmem:s11], [sflag:$0x2] =	stream.linear.gather [hbm4b:s25+s3], $0x4000, $0x38;
	[tilespmem:$0x12880] =	vst v63  }
0x6c: {  	s26 =	simm.s32 $0x40;
	s25 =	simm.s32 $0xFFFFFFF8  }
.LBB2_12:
0x6d: {  	v7 =	vld [tilespmem:s26+$0xFFFFFFC0];
	_ =	sdelay $0x4  }
0x6e: {  	v7 =	vsub.f32 v7, v5;
	_ =	sdelay $0x1  }
0x6f: {  	v7 =	vmul.f32 v7, v6;
	_ =	sdelay $0x1  }
0x70: {  	v7 =	vmul.f32 $5.120000000e+02, v7;
	_ =	sdelay $0x1  }
0x71: {  	v7 =	vtrunc.f32 v7  }
0x72: {  	v7 =	vcvt.f32.s32 v7;
	_ =	sdelay $0x1  }
0x73: {  	vm0 =	vgt.s32 v7, $0x0  }
0x74: {  	v7 =	vnsel vm0, $0x0, v7  }
0x75: {  	v7 =	vmin.u32 v7, $0x1FF  }
0x76: {  	v7 =	vshll.u32 v7, $0x4  }
0x77: {  	v7 =	vor.u32 v1, v7;
	_ =	sdelay $0x4  }
0x78: {  	[tilespmem:v7+s13+$0x0] =	vst.idx.add.f32.msk $0xffff, v2  }
0x79: {  	v7 =	vld [tilespmem:s26+$0xFFFFFFD0];
	_ =	sdelay $0x4  }
0x7a: {  	v7 =	vsub.f32 v7, v5;
	_ =	sdelay $0x1  }
0x7b: {  	v7 =	vmul.f32 v7, v6;
	_ =	sdelay $0x1  }
0x7c: {  	v7 =	vmul.f32 $5.120000000e+02, v7;
	_ =	sdelay $0x1  }
0x7d: {  	v7 =	vtrunc.f32 v7  }
0x7e: {  	v7 =	vcvt.f32.s32 v7;
	_ =	sdelay $0x1  }
0x7f: {  	vm9 =	vgt.s32 v7, $0x0  }
0x80: {  	v7 =	vnsel vm9, $0x0, v7  }
0x81: {  	v7 =	vmin.u32 v7, $0x1FF  }
0x82: {  	v7 =	vshll.u32 v7, $0x4  }
0x83: {  	v7 =	vor.u32 v1, v7;
	_ =	sdelay $0x4  }
0x84: {  	[tilespmem:v7+s13+$0x0] =	vst.idx.add.f32.msk $0xffff, v2  }
0x85: {  	v7 =	vld [tilespmem:s26+$0xFFFFFFE0];
	_ =	sdelay $0x4  }
0x86: {  	v7 =	vsub.f32 v7, v5;
	_ =	sdelay $0x1  }
0x87: {  	v7 =	vmul.f32 v7, v6;
	_ =	sdelay $0x1  }
0x88: {  	v7 =	vmul.f32 $5.120000000e+02, v7;
	_ =	sdelay $0x1  }
0x89: {  	v7 =	vtrunc.f32 v7  }
0x8a: {  	v7 =	vcvt.f32.s32 v7;
	_ =	sdelay $0x1  }
0x8b: {  	vm10 =	vgt.s32 v7, $0x0  }
0x8c: {  	v7 =	vnsel vm10, $0x0, v7  }
0x8d: {  	v7 =	vmin.u32 v7, $0x1FF  }
0x8e: {  	v7 =	vshll.u32 v7, $0x4  }
0x8f: {  	v7 =	vor.u32 v1, v7;
	_ =	sdelay $0x4  }
0x90: {  	[tilespmem:v7+s13+$0x0] =	vst.idx.add.f32.msk $0xffff, v2  }
0x91: {  	v7 =	vld [tilespmem:s26+$0xFFFFFFF0];
	_ =	sdelay $0x4  }
0x92: {  	v7 =	vsub.f32 v7, v5;
	_ =	sdelay $0x1  }
0x93: {  	v7 =	vmul.f32 v7, v6;
	_ =	sdelay $0x1  }
0x94: {  	v7 =	vmul.f32 $5.120000000e+02, v7;
	_ =	sdelay $0x1  }
0x95: {  	v7 =	vtrunc.f32 v7  }
0x96: {  	v7 =	vcvt.f32.s32 v7;
	_ =	sdelay $0x1  }
0x97: {  	vm11 =	vgt.s32 v7, $0x0  }
0x98: {  	v7 =	vnsel vm11, $0x0, v7  }
0x99: {  	v7 =	vmin.u32 v7, $0x1FF  }
0x9a: {  	v7 =	vshll.u32 v7, $0x4  }
0x9b: {  	v7 =	vor.u32 v1, v7;
	_ =	sdelay $0x4  }
0x9c: {  	[tilespmem:v7+s13+$0x0] =	vst.idx.add.f32.msk $0xffff, v2  }
0x9d: {  	v7 =	vld [tilespmem:s26+$0x0];
	_ =	sdelay $0x4  }
0x9e: {  	v7 =	vsub.f32 v7, v5;
	_ =	sdelay $0x1  }
0x9f: {  	v7 =	vmul.f32 v7, v6;
	_ =	sdelay $0x1  }
0xa0: {  	v7 =	vmul.f32 $5.120000000e+02, v7;
	_ =	sdelay $0x1  }
0xa1: {  	v7 =	vtrunc.f32 v7  }
0xa2: {  	v7 =	vcvt.f32.s32 v7;
	_ =	sdelay $0x1  }
0xa3: {  	vm12 =	vgt.s32 v7, $0x0  }
0xa4: {  	v7 =	vnsel vm12, $0x0, v7  }
0xa5: {  	v7 =	vmin.u32 v7, $0x1FF  }
0xa6: {  	v7 =	vshll.u32 v7, $0x4  }
0xa7: {  	v7 =	vor.u32 v1, v7;
	_ =	sdelay $0x4  }
0xa8: {  	[tilespmem:v7+s13+$0x0] =	vst.idx.add.f32.msk $0xffff, v2  }
0xa9: {  	v7 =	vld [tilespmem:s26+$0x10];
	_ =	sdelay $0x4  }
0xaa: {  	v7 =	vsub.f32 v7, v5;
	_ =	sdelay $0x1  }
0xab: {  	v7 =	vmul.f32 v7, v6;
	_ =	sdelay $0x1  }
0xac: {  	v7 =	vmul.f32 $5.120000000e+02, v7;
	_ =	sdelay $0x1  }
0xad: {  	v7 =	vtrunc.f32 v7  }
0xae: {  	v7 =	vcvt.f32.s32 v7;
	_ =	sdelay $0x1  }
0xaf: {  	vm13 =	vgt.s32 v7, $0x0  }
0xb0: {  	v7 =	vnsel vm13, $0x0, v7  }
0xb1: {  	v7 =	vmin.u32 v7, $0x1FF  }
0xb2: {  	v7 =	vshll.u32 v7, $0x4  }
0xb3: {  	v7 =	vor.u32 v1, v7;
	_ =	sdelay $0x4  }
0xb4: {  	[tilespmem:v7+s13+$0x0] =	vst.idx.add.f32.msk $0xffff, v2  }
0xb5: {  	v7 =	vld [tilespmem:s26+$0x20];
	_ =	sdelay $0x4  }
0xb6: {  	v7 =	vsub.f32 v7, v5;
	_ =	sdelay $0x1  }
0xb7: {  	v7 =	vmul.f32 v7, v6;
	_ =	sdelay $0x1  }
0xb8: {  	v7 =	vmul.f32 $5.120000000e+02, v7;
	_ =	sdelay $0x1  }
0xb9: {  	v7 =	vtrunc.f32 v7  }
0xba: {  	v7 =	vcvt.f32.s32 v7;
	_ =	sdelay $0x1  }
0xbb: {  	vm14 =	vgt.s32 v7, $0x0  }
0xbc: {  	v7 =	vnsel vm14, $0x0, v7  }
0xbd: {  	v7 =	vmin.u32 v7, $0x1FF  }
0xbe: {  	v7 =	vshll.u32 v7, $0x4  }
0xbf: {  	v7 =	vor.u32 v1, v7;
	_ =	sdelay $0x4  }
0xc0: {  	[tilespmem:v7+s13+$0x0] =	vst.idx.add.f32.msk $0xffff, v2  }
0xc1: {  	v7 =	vld [tilespmem:s26+$0x30];
	_ =	sdelay $0x4  }
0xc2: {  	v7 =	vsub.f32 v7, v5;
	_ =	sdelay $0x1  }
0xc3: {  	v7 =	vmul.f32 v7, v6;
	_ =	sdelay $0x1  }
0xc4: {  	v7 =	vmul.f32 $5.120000000e+02, v7;
	_ =	sdelay $0x1  }
0xc5: {  	v7 =	vtrunc.f32 v7  }
0xc6: {  	v7 =	vcvt.f32.s32 v7;
	_ =	sdelay $0x1  }
0xc7: {  	vm15 =	vgt.s32 v7, $0x0  }
0xc8: {  	v7 =	vnsel vm15, $0x0, v7  }
0xc9: {  	v7 =	vmin.u32 v7, $0x1FF  }
0xca: {  	s25 =	sadd.s32 $0x8, s25;
	v7 =	vshll.u32 v7, $0x4  }
0xcb: {  	p0 =	slt.u32 s25, $0x3F8;
	v7 =	vor.u32 v1, v7  }
.Ltmp5:
0xcc: {  	_ = 	snop;
	(pc) =	sbr.rel @p0 .LBB2_12-.Ltmp5, $2  }
0xcd: {  	_ =	sdelay $0x2  }
0xce: {  	s26 =	sadd.s32 $0x80, s26;
	[tilespmem:v7+s13+$0x0] =	vst.idx.add.f32.msk $0xffff, v2  }
0xcf: {  	p0 =	seq.s32 s23, $0x17  }
0xd0: {  	_ =	swait.ge [sflag:s12], $0x4000;
	s24 =	sadd.s32 @!p0 s24, s7  }
0xd1: {  	[sflag:s12] =	ssyncset.done $0x0;
	s24 =	sshrl.u32 @!p0 s24, $0x3  }
0xd2: {  	s25 =	simm.s32 @!p0 $0x0;
	[sflag:s12] =	ssyncadd.s32 $0xFFFFC000;
	s24 =	sadd.s32 @!p0 s2, s24  }
0xd3: {  	[tilespmem:s25], [sflag:$0x1] =	stream.linear.gather @!p0 [hbm4b:s24+s25], $0x4000, $0x38;
	[tilespmem:$0x12880] =	vst v63  }
0xd4: {  	s24 =	simm.s32 $0xFFFFFFF8;
	s25 =	simm.s32 $0x4040  }
.LBB2_14:
0xd5: {  	v7 =	vld [tilespmem:s25+$0xFFFFFFC0];
	_ =	sdelay $0x4  }
0xd6: {  	v7 =	vsub.f32 v7, v5;
	_ =	sdelay $0x1  }
0xd7: {  	v7 =	vmul.f32 v7, v6;
	_ =	sdelay $0x1  }
0xd8: {  	v7 =	vmul.f32 $5.120000000e+02, v7;
	_ =	sdelay $0x1  }
0xd9: {  	v7 =	vtrunc.f32 v7  }
0xda: {  	v7 =	vcvt.f32.s32 v7;
	_ =	sdelay $0x1  }
0xdb: {  	vm0 =	vgt.s32 v7, $0x0  }
0xdc: {  	v7 =	vnsel vm0, $0x0, v7  }
0xdd: {  	v7 =	vmin.u32 v7, $0x1FF  }
0xde: {  	v7 =	vshll.u32 v7, $0x4  }
0xdf: {  	v7 =	vor.u32 v1, v7;
	_ =	sdelay $0x4  }
0xe0: {  	[tilespmem:v7+s13+$0x0] =	vst.idx.add.f32.msk $0xffff, v2  }
0xe1: {  	v7 =	vld [tilespmem:s25+$0xFFFFFFD0];
	_ =	sdelay $0x4  }
0xe2: {  	v7 =	vsub.f32 v7, v5;
	_ =	sdelay $0x1  }
0xe3: {  	v7 =	vmul.f32 v7, v6;
	_ =	sdelay $0x1  }
0xe4: {  	v7 =	vmul.f32 $5.120000000e+02, v7;
	_ =	sdelay $0x1  }
0xe5: {  	v7 =	vtrunc.f32 v7  }
0xe6: {  	v7 =	vcvt.f32.s32 v7;
	_ =	sdelay $0x1  }
0xe7: {  	vm9 =	vgt.s32 v7, $0x0  }
0xe8: {  	v7 =	vnsel vm9, $0x0, v7  }
0xe9: {  	v7 =	vmin.u32 v7, $0x1FF  }
0xea: {  	v7 =	vshll.u32 v7, $0x4  }
0xeb: {  	v7 =	vor.u32 v1, v7;
	_ =	sdelay $0x4  }
0xec: {  	[tilespmem:v7+s13+$0x0] =	vst.idx.add.f32.msk $0xffff, v2  }
0xed: {  	v7 =	vld [tilespmem:s25+$0xFFFFFFE0];
	_ =	sdelay $0x4  }
0xee: {  	v7 =	vsub.f32 v7, v5;
	_ =	sdelay $0x1  }
0xef: {  	v7 =	vmul.f32 v7, v6;
	_ =	sdelay $0x1  }
0xf0: {  	v7 =	vmul.f32 $5.120000000e+02, v7;
	_ =	sdelay $0x1  }
0xf1: {  	v7 =	vtrunc.f32 v7  }
0xf2: {  	v7 =	vcvt.f32.s32 v7;
	_ =	sdelay $0x1  }
0xf3: {  	vm10 =	vgt.s32 v7, $0x0  }
0xf4: {  	v7 =	vnsel vm10, $0x0, v7  }
0xf5: {  	v7 =	vmin.u32 v7, $0x1FF  }
0xf6: {  	v7 =	vshll.u32 v7, $0x4  }
0xf7: {  	v7 =	vor.u32 v1, v7;
	_ =	sdelay $0x4  }
0xf8: {  	[tilespmem:v7+s13+$0x0] =	vst.idx.add.f32.msk $0xffff, v2  }
0xf9: {  	v7 =	vld [tilespmem:s25+$0xFFFFFFF0];
	_ =	sdelay $0x4  }
0xfa: {  	v7 =	vsub.f32 v7, v5;
	_ =	sdelay $0x1  }
0xfb: {  	v7 =	vmul.f32 v7, v6;
	_ =	sdelay $0x1  }
0xfc: {  	v7 =	vmul.f32 $5.120000000e+02, v7;
	_ =	sdelay $0x1  }
0xfd: {  	v7 =	vtrunc.f32 v7  }
0xfe: {  	v7 =	vcvt.f32.s32 v7;
	_ =	sdelay $0x1  }
0xff: {  	vm11 =	vgt.s32 v7, $0x0  }
0x100: {  	v7 =	vnsel vm11, $0x0, v7  }
0x101: {  	v7 =	vmin.u32 v7, $0x1FF  }
0x102: {  	v7 =	vshll.u32 v7, $0x4  }
0x103: {  	v7 =	vor.u32 v1, v7;
	_ =	sdelay $0x4  }
0x104: {  	[tilespmem:v7+s13+$0x0] =	vst.idx.add.f32.msk $0xffff, v2  }
0x105: {  	v7 =	vld [tilespmem:s25+$0x0];
	_ =	sdelay $0x4  }
0x106: {  	v7 =	vsub.f32 v7, v5;
	_ =	sdelay $0x1  }
0x107: {  	v7 =	vmul.f32 v7, v6;
	_ =	sdelay $0x1  }
0x108: {  	v7 =	vmul.f32 $5.120000000e+02, v7;
	_ =	sdelay $0x1  }
0x109: {  	v7 =	vtrunc.f32 v7  }
0x10a: {  	v7 =	vcvt.f32.s32 v7;
	_ =	sdelay $0x1  }
0x10b: {  	vm12 =	vgt.s32 v7, $0x0  }
0x10c: {  	v7 =	vnsel vm12, $0x0, v7  }
0x10d: {  	v7 =	vmin.u32 v7, $0x1FF  }
0x10e: {  	v7 =	vshll.u32 v7, $0x4  }
0x10f: {  	v7 =	vor.u32 v1, v7;
	_ =	sdelay $0x4  }
0x110: {  	[tilespmem:v7+s13+$0x0] =	vst.idx.add.f32.msk $0xffff, v2  }
0x111: {  	v7 =	vld [tilespmem:s25+$0x10];
	_ =	sdelay $0x4  }
0x112: {  	v7 =	vsub.f32 v7, v5;
	_ =	sdelay $0x1  }
0x113: {  	v7 =	vmul.f32 v7, v6;
	_ =	sdelay $0x1  }
0x114: {  	v7 =	vmul.f32 $5.120000000e+02, v7;
	_ =	sdelay $0x1  }
0x115: {  	v7 =	vtrunc.f32 v7  }
0x116: {  	v7 =	vcvt.f32.s32 v7;
	_ =	sdelay $0x1  }
0x117: {  	vm13 =	vgt.s32 v7, $0x0  }
0x118: {  	v7 =	vnsel vm13, $0x0, v7  }
0x119: {  	v7 =	vmin.u32 v7, $0x1FF  }
0x11a: {  	v7 =	vshll.u32 v7, $0x4  }
0x11b: {  	v7 =	vor.u32 v1, v7;
	_ =	sdelay $0x4  }
0x11c: {  	[tilespmem:v7+s13+$0x0] =	vst.idx.add.f32.msk $0xffff, v2  }
0x11d: {  	v7 =	vld [tilespmem:s25+$0x20];
	_ =	sdelay $0x4  }
0x11e: {  	v7 =	vsub.f32 v7, v5;
	_ =	sdelay $0x1  }
0x11f: {  	v7 =	vmul.f32 v7, v6;
	_ =	sdelay $0x1  }
0x120: {  	v7 =	vmul.f32 $5.120000000e+02, v7;
	_ =	sdelay $0x1  }
0x121: {  	v7 =	vtrunc.f32 v7  }
0x122: {  	v7 =	vcvt.f32.s32 v7;
	_ =	sdelay $0x1  }
0x123: {  	vm14 =	vgt.s32 v7, $0x0  }
0x124: {  	v7 =	vnsel vm14, $0x0, v7  }
0x125: {  	v7 =	vmin.u32 v7, $0x1FF  }
0x126: {  	v7 =	vshll.u32 v7, $0x4  }
0x127: {  	v7 =	vor.u32 v1, v7;
	_ =	sdelay $0x4  }
0x128: {  	[tilespmem:v7+s13+$0x0] =	vst.idx.add.f32.msk $0xffff, v2  }
0x129: {  	v7 =	vld [tilespmem:s25+$0x30];
	_ =	sdelay $0x4  }
0x12a: {  	v7 =	vsub.f32 v7, v5;
	_ =	sdelay $0x1  }
0x12b: {  	v7 =	vmul.f32 v7, v6;
	_ =	sdelay $0x1  }
0x12c: {  	v7 =	vmul.f32 $5.120000000e+02, v7;
	_ =	sdelay $0x1  }
0x12d: {  	v7 =	vtrunc.f32 v7  }
0x12e: {  	v7 =	vcvt.f32.s32 v7;
	_ =	sdelay $0x1  }
0x12f: {  	vm15 =	vgt.s32 v7, $0x0  }
0x130: {  	v7 =	vnsel vm15, $0x0, v7  }
0x131: {  	v7 =	vmin.u32 v7, $0x1FF  }
0x132: {  	s24 =	sadd.s32 $0x8, s24;
	v7 =	vshll.u32 v7, $0x4  }
0x133: {  	p0 =	slt.u32 s24, $0x3F8;
	v7 =	vor.u32 v1, v7  }
.Ltmp6:
0x134: {  	_ = 	snop;
	(pc) =	sbr.rel @p0 .LBB2_14-.Ltmp6, $2  }
0x135: {  	_ =	sdelay $0x2  }
0x136: {  	s25 =	sadd.s32 $0x80, s25;
	[tilespmem:v7+s13+$0x0] =	vst.idx.add.f32.msk $0xffff, v2  }
0x137: {  	s23 =	sadd.s32 $0x1, s23  }
0x138: {  	p0 =	sne.s32 s23, $0x18  }
.Ltmp7:
0x139: {  	_ = 	snop;
	(pc) =	sbr.rel @p0 .LBB2_11-.Ltmp7, $1  }
0x13a: {  	_ =	sdelay $0x3  }
0x13b: {  	s23 =	simm.s32 $0x0  }
0x13c: {  	v7 =	vmov s23  }
0x13d: {  	v7 =	vshll.u32 v7, $0x4  }
0x13e: {  	v7 =	vor.u32 v3, v7;
	_ =	sdelay $0x1  }
0x13f: {  	v8 =	vor.u32 $0x1, v7;
	_ =	sdelay $0x1  }
0x140: {  	v9 =	vor.u32 $0x2, v7  }
0x141: {  	v10 =	vld.idx.msk [tilespmem:v7+s13+$0x0], $0xffff  }
0x142: {  	v11 =	vor.u32 $0x3, v7  }
0x143: {  	v8 =	vld.idx.msk [tilespmem:v8+s13+$0x0], $0xffff  }
0x144: {  	v12 =	vor.u32 $0x4, v7  }
0x145: {  	v9 =	vld.idx.msk [tilespmem:v9+s13+$0x0], $0xffff  }
0x146: {  	v13 =	vor.u32 $0x5, v7;
	v10 =	vadd.f32 $0.0e+00, v10  }
0x147: {  	v11 =	vld.idx.msk [tilespmem:v11+s13+$0x0], $0xffff  }
0x148: {  	v14 =	vor.u32 $0x6, v7;
	v8 =	vadd.f32 v8, v10  }
0x149: {  	v10 =	vld.idx.msk [tilespmem:v12+s13+$0x0], $0xffff  }
0x14a: {  	v45 =	vor.u32 $0x7, v7;
	v8 =	vadd.f32 v9, v8  }
0x14b: {  	v9 =	vld.idx.msk [tilespmem:v13+s13+$0x0], $0xffff  }
0x14c: {  	v46 =	vor.u32 $0x8, v7;
	v8 =	vadd.f32 v11, v8  }
0x14d: {  	v11 =	vld.idx.msk [tilespmem:v14+s13+$0x0], $0xffff  }
0x14e: {  	v47 =	vor.u32 $0x9, v7;
	v8 =	vadd.f32 v10, v8  }
0x14f: {  	v10 =	vld.idx.msk [tilespmem:v45+s13+$0x0], $0xffff  }
0x150: {  	v48 =	vor.u32 $0xA, v7;
	v8 =	vadd.f32 v9, v8  }
0x151: {  	v9 =	vld.idx.msk [tilespmem:v46+s13+$0x0], $0xffff  }
0x152: {  	v49 =	vor.u32 $0xB, v7;
	v8 =	vadd.f32 v11, v8  }
0x153: {  	v11 =	vld.idx.msk [tilespmem:v47+s13+$0x0], $0xffff  }
0x154: {  	v50 =	vor.u32 $0xC, v7;
	v8 =	vadd.f32 v10, v8  }
0x155: {  	v10 =	vld.idx.msk [tilespmem:v48+s13+$0x0], $0xffff  }
0x156: {  	v51 =	vor.u32 $0xD, v7;
	v8 =	vadd.f32 v9, v8  }
0x157: {  	v9 =	vld.idx.msk [tilespmem:v49+s13+$0x0], $0xffff  }
0x158: {  	v52 =	vor.u32 $0xE, v7;
	v8 =	vadd.f32 v11, v8  }
0x159: {  	v11 =	vld.idx.msk [tilespmem:v50+s13+$0x0], $0xffff  }
0x15a: {  	v7 =	vor.u32 $0xF, v7;
	v8 =	vadd.f32 v10, v8  }
0x15b: {  	v10 =	vld.idx.msk [tilespmem:v51+s13+$0x0], $0xffff  }
0x15c: {  	v8 =	vadd.f32 v9, v8  }
0x15d: {  	v9 =	vld.idx.msk [tilespmem:v52+s13+$0x0], $0xffff  }
0x15e: {  	v8 =	vadd.f32 v11, v8  }
0x15f: {  	s31 =	simm.s32 $0x10;
	v7 =	vld.idx.msk [tilespmem:v7+s13+$0x0], $0xffff  }
0x160: {  	v11 =	vmov s31;
	v8 =	vadd.f32 v10, v8  }
0x161: {  	v10 =	vshll.u32 v11, $0x4  }
0x162: {  	v10 =	vor.u32 v3, v10;
	v8 =	vadd.f32 v9, v8;
	_ =	sdelay $0x1  }
0x163: {  	v9 =	vor.u32 $0x1, v10;
	v7 =	vadd.f32 v7, v8  }
0x164: {  	s23 =	simm.s32 $0x12000  }
0x165: {  	v8 =	vor.u32 $0x2, v10;
	[tilespmem:s23+$0x0] =	vst v7  }
0x166: {  	v7 =	vld.idx.msk [tilespmem:v10+s13+$0x0], $0xffff  }
0x167: {  	v11 =	vor.u32 $0x3, v10  }
0x168: {  	v9 =	vld.idx.msk [tilespmem:v9+s13+$0x0], $0xffff  }
0x169: {  	v53 =	vor.u32 $0x4, v10  }
0x16a: {  	v8 =	vld.idx.msk [tilespmem:v8+s13+$0x0], $0xffff  }
0x16b: {  	v54 =	vor.u32 $0x5, v10;
	v7 =	vadd.f32 $0.0e+00, v7  }
0x16c: {  	v11 =	vld.idx.msk [tilespmem:v11+s13+$0x0], $0xffff  }
0x16d: {  	v55 =	vor.u32 $0x6, v10;
	v7 =	vadd.f32 v9, v7  }
0x16e: {  	v9 =	vld.idx.msk [tilespmem:v53+s13+$0x0], $0xffff  }
0x16f: {  	v56 =	vor.u32 $0x7, v10;
	v7 =	vadd.f32 v8, v7  }
0x170: {  	v8 =	vld.idx.msk [tilespmem:v54+s13+$0x0], $0xffff  }
0x171: {  	v57 =	vor.u32 $0x8, v10;
	v7 =	vadd.f32 v11, v7  }
0x172: {  	v11 =	vld.idx.msk [tilespmem:v55+s13+$0x0], $0xffff  }
0x173: {  	v58 =	vor.u32 $0x9, v10;
	v7 =	vadd.f32 v9, v7  }
0x174: {  	v9 =	vld.idx.msk [tilespmem:v56+s13+$0x0], $0xffff  }
0x175: {  	v59 =	vor.u32 $0xA, v10;
	v7 =	vadd.f32 v8, v7  }
0x176: {  	v8 =	vld.idx.msk [tilespmem:v57+s13+$0x0], $0xffff  }
0x177: {  	v60 =	vor.u32 $0xB, v10;
	v7 =	vadd.f32 v11, v7  }
0x178: {  	v11 =	vld.idx.msk [tilespmem:v58+s13+$0x0], $0xffff  }
0x179: {  	v61 =	vor.u32 $0xC, v10;
	v7 =	vadd.f32 v9, v7  }
0x17a: {  	v9 =	vld.idx.msk [tilespmem:v59+s13+$0x0], $0xffff  }
0x17b: {  	v62 =	vor.u32 $0xD, v10;
	v7 =	vadd.f32 v8, v7  }
0x17c: {  	v8 =	vld.idx.msk [tilespmem:v60+s13+$0x0], $0xffff  }
0x17d: {  	v63 =	vor.u32 $0xE, v10;
	v7 =	vadd.f32 v11, v7  }
0x17e: {  	v11 =	vld.idx.msk [tilespmem:v61+s13+$0x0], $0xffff  }
0x17f: {  	v7 =	vadd.f32 v9, v7;
	v9 =	vor.u32 $0xF, v10  }
0x180: {  	v12 =	vld.idx.msk [tilespmem:v62+s13+$0x0], $0xffff  }
0x181: {  	v7 =	vadd.f32 v8, v7  }
0x182: {  	v8 =	vld.idx.msk [tilespmem:v63+s13+$0x0], $0xffff  }
0x183: {  	v11 =	vadd.f32 v11, v7  }
0x184: {  	s24 =	simm.s32 $0x20;
	v7 =	vld.idx.msk [tilespmem:v9+s13+$0x0], $0xffff  }
0x185: {  	v10 =	vmov s24;
	s24 =	simm.s32 $0x30;
	v9 =	vadd.f32 v12, v11  }
.LBB2_17:
0x186: {  	p0 =	sne.s32 s24, $0x1F0;
	v10 =	vshll.u32 v10, $0x4  }
0x187: {  	v10 =	vor.u32 v3, v10;
	v8 =	vadd.f32 v8, v9;
	_ =	sdelay $0x1  }
0x188: {  	v9 =	vor.u32 $0x1, v10;
	v7 =	vadd.f32 v7, v8  }
0x189: {  	s23 =	sadd.s32 $0x10, s23  }
0x18a: {  	v8 =	vor.u32 $0x2, v10;
	[tilespmem:s23+$0x0] =	vst v7  }
0x18b: {  	v7 =	vld.idx.msk [tilespmem:v10+s13+$0x0], $0xffff  }
0x18c: {  	v11 =	vor.u32 $0x3, v10  }
0x18d: {  	v9 =	vld.idx.msk [tilespmem:v9+s13+$0x0], $0xffff  }
0x18e: {  	v12 =	vor.u32 $0x4, v10  }
0x18f: {  	v8 =	vld.idx.msk [tilespmem:v8+s13+$0x0], $0xffff  }
0x190: {  	v13 =	vor.u32 $0x5, v10  }
0x191: {  	v7 =	vadd.f32 $0.0e+00, v7;
	v11 =	vld.idx.msk [tilespmem:v11+s13+$0x0], $0xffff  }
0x192: {  	v14 =	vor.u32 $0x6, v10  }
0x193: {  	v7 =	vadd.f32 v9, v7;
	v9 =	vld.idx.msk [tilespmem:v12+s13+$0x0], $0xffff  }
0x194: {  	v12 =	vor.u32 $0x7, v10  }
0x195: {  	v7 =	vadd.f32 v8, v7;
	v8 =	vld.idx.msk [tilespmem:v13+s13+$0x0], $0xffff  }
0x196: {  	v13 =	vor.u32 $0x8, v10  }
0x197: {  	v7 =	vadd.f32 v11, v7;
	v11 =	vld.idx.msk [tilespmem:v14+s13+$0x0], $0xffff  }
0x198: {  	v14 =	vor.u32 $0x9, v10  }
0x199: {  	v7 =	vadd.f32 v9, v7;
	v9 =	vld.idx.msk [tilespmem:v12+s13+$0x0], $0xffff  }
0x19a: {  	v12 =	vor.u32 $0xA, v10  }
0x19b: {  	v7 =	vadd.f32 v8, v7;
	v8 =	vld.idx.msk [tilespmem:v13+s13+$0x0], $0xffff  }
0x19c: {  	v13 =	vor.u32 $0xB, v10  }
0x19d: {  	v7 =	vadd.f32 v11, v7;
	v11 =	vld.idx.msk [tilespmem:v14+s13+$0x0], $0xffff  }
0x19e: {  	v14 =	vor.u32 $0xC, v10  }
0x19f: {  	v7 =	vadd.f32 v9, v7;
	v9 =	vld.idx.msk [tilespmem:v12+s13+$0x0], $0xffff  }
0x1a0: {  	v12 =	vor.u32 $0xD, v10  }
0x1a1: {  	v7 =	vadd.f32 v8, v7;
	v8 =	vld.idx.msk [tilespmem:v13+s13+$0x0], $0xffff  }
0x1a2: {  	v13 =	vor.u32 $0xE, v10  }
0x1a3: {  	v7 =	vadd.f32 v11, v7;
	v11 =	vld.idx.msk [tilespmem:v14+s13+$0x0], $0xffff  }
0x1a4: {  	v10 =	vor.u32 $0xF, v10  }
0x1a5: {  	v7 =	vadd.f32 v9, v7;
	v9 =	vld.idx.msk [tilespmem:v12+s13+$0x0], $0xffff;
	_ =	sdelay $0x1  }
.Ltmp8:
0x1a6: {  	v7 =	vadd.f32 v8, v7;
	v8 =	vld.idx.msk [tilespmem:v13+s13+$0x0], $0xffff;
	(pc) =	sbr.rel @p0 .LBB2_17-.Ltmp8, $3  }
0x1a7: {  	_ = 	snop  }
0x1a8: {  	v11 =	vadd.f32 v11, v7;
	v7 =	vld.idx.msk [tilespmem:v10+s13+$0x0], $0xffff;
	_ =	sdelay $0x1  }
0x1a9: {  	v10 =	vmov s24;
	s24 =	sadd.s32 $0x10, s24;
	v9 =	vadd.f32 v9, v11  }
0x1aa: {  	v10 =	vshll.u32 v10, $0x4  }
0x1ab: {  	v10 =	vor.u32 v3, v10;
	v8 =	vadd.f32 v8, v9;
	_ =	sdelay $0x1  }
0x1ac: {  	v9 =	vor.u32 $0x1, v10;
	v7 =	vadd.f32 v7, v8  }
0x1ad: {  	s23 =	sadd.s32 $0x10, s23  }
0x1ae: {  	v8 =	vor.u32 $0x2, v10;
	[tilespmem:s23+$0x0] =	vst v7  }
0x1af: {  	v7 =	vld.idx.msk [tilespmem:v10+s13+$0x0], $0xffff  }
0x1b0: {  	v11 =	vor.u32 $0x3, v10  }
0x1b1: {  	v9 =	vld.idx.msk [tilespmem:v9+s13+$0x0], $0xffff  }
0x1b2: {  	v12 =	vor.u32 $0x4, v10  }
0x1b3: {  	v8 =	vld.idx.msk [tilespmem:v8+s13+$0x0], $0xffff  }
0x1b4: {  	v13 =	vor.u32 $0x5, v10;
	v7 =	vadd.f32 $0.0e+00, v7  }
0x1b5: {  	v11 =	vld.idx.msk [tilespmem:v11+s13+$0x0], $0xffff  }
0x1b6: {  	v14 =	vor.u32 $0x6, v10;
	v7 =	vadd.f32 v9, v7  }
0x1b7: {  	v9 =	vld.idx.msk [tilespmem:v12+s13+$0x0], $0xffff  }
0x1b8: {  	v56 =	vor.u32 $0x7, v10;
	v7 =	vadd.f32 v8, v7  }
0x1b9: {  	v8 =	vld.idx.msk [tilespmem:v13+s13+$0x0], $0xffff  }
0x1ba: {  	v57 =	vor.u32 $0x8, v10;
	v7 =	vadd.f32 v11, v7  }
0x1bb: {  	v11 =	vld.idx.msk [tilespmem:v14+s13+$0x0], $0xffff  }
0x1bc: {  	v58 =	vor.u32 $0x9, v10;
	v7 =	vadd.f32 v9, v7  }
0x1bd: {  	v9 =	vld.idx.msk [tilespmem:v56+s13+$0x0], $0xffff  }
0x1be: {  	v59 =	vor.u32 $0xA, v10;
	v7 =	vadd.f32 v8, v7  }
0x1bf: {  	v8 =	vld.idx.msk [tilespmem:v57+s13+$0x0], $0xffff  }
0x1c0: {  	v60 =	vor.u32 $0xB, v10;
	v7 =	vadd.f32 v11, v7  }
0x1c1: {  	v11 =	vld.idx.msk [tilespmem:v58+s13+$0x0], $0xffff  }
0x1c2: {  	v61 =	vor.u32 $0xC, v10;
	v7 =	vadd.f32 v9, v7  }
0x1c3: {  	v9 =	vld.idx.msk [tilespmem:v59+s13+$0x0], $0xffff  }
0x1c4: {  	v62 =	vor.u32 $0xD, v10;
	v7 =	vadd.f32 v8, v7  }
0x1c5: {  	v8 =	vld.idx.msk [tilespmem:v60+s13+$0x0], $0xffff  }
0x1c6: {  	v63 =	vor.u32 $0xE, v10;
	v7 =	vadd.f32 v11, v7  }
0x1c7: {  	v11 =	vld.idx.msk [tilespmem:v61+s13+$0x0], $0xffff  }
0x1c8: {  	v10 =	vor.u32 $0xF, v10;
	v7 =	vadd.f32 v9, v7  }
0x1c9: {  	v9 =	vld.idx.msk [tilespmem:v62+s13+$0x0], $0xffff  }
0x1ca: {  	v7 =	vadd.f32 v8, v7  }
0x1cb: {  	v8 =	vld.idx.msk [tilespmem:v63+s13+$0x0], $0xffff  }
0x1cc: {  	v7 =	vadd.f32 v11, v7  }
0x1cd: {  	v10 =	vld.idx.msk [tilespmem:v10+s13+$0x0], $0xffff  }
0x1ce: {  	v7 =	vadd.f32 v9, v7;
	_ =	sdelay $0x1  }
0x1cf: {  	v7 =	vadd.f32 v8, v7;
	_ =	sdelay $0x1  }
0x1d0: {  	v7 =	vadd.f32 v10, v7  }
0x1d1: {  	s23 =	sadd.s32 $0x10, s23  }
0x1d2: {  	s26 =	simm.s32 $0x0;
	[tilespmem:s23+$0x0] =	vst v7  }
0x1d3: {  	v7 =	vld [tilespmem:s26+$0x12000]  }
0x1d4: {  	s23 =	simm.s32 $0x10  }
0x1d5: {  	s24 =	simm.s32 $0x20;
	v8 =	vld [tilespmem:s23+$0x12000]  }
0x1d6: {  	v9 =	vld [tilespmem:s24+$0x12000];
	_ =	sdelay $0x1  }
0x1d7: {  	(xrf2) =	vadd.scan.msk.f32 $0xffff, v7;
	_ =	sdelay $0x1  }
0x1d8: {  	(xrf2) =	vadd.scan.msk.f32 $0xffff, v8  }
0x1d9: {  	(xrf2) =	vadd.scan.msk.f32 $0xffff, v9;
	_ =	sdelay $0x6  }
0x1da: {  	v10, _, _ =	vpop (xrf2)  }
0x1db: {  	(v2sf) =	vpush v10, $0xF  }
0x1dc: {  	s25 =	simm.s32 $0x30;
	v7, _, _ =	vpop (xrf2)  }
0x1dd: {  	v9 =	vld [tilespmem:s25+$0x12000];
	(v2sf) =	vpush v7, $0xF;
	v8, _, _ =	vpop (xrf2)  }
0x1de: {  	(v2sf) =	vpush v8, $0xF;
	_ =	sdelay $0x3  }
0x1df: {  	s28 =	simm.s32 $0x40;
	(xrf2) =	vadd.scan.msk.f32 $0xffff, v9  }
0x1e0: {  	v9 =	vld [tilespmem:s28+$0x12000];
	_ =	sdelay $0x2  }
0x1e1: {  	s29 =	simm.f32 $0.0e+00  }
0x1e2: {  	s30 =	simm.s32 $0x140;
	v10 =	vadd.f32 s29, v10  }
.LBB2_19:
0x1e3: {  	s31 =	sshra.s32 s30, $0x2;
	p0 =	sne.s32 s30, $0x7C0;
	s30 =	sadd.s32 $0x40, s30;
	(xrf2) =	vadd.scan.msk.f32 $0xffff, v9  }
.Ltmp9:
0x1e4: {  	v9 =	vld [tilespmem:s31+$0x12000];
	[tilespmem:s26+$0x12200] =	vst v10;
	s26 =	smov.u32 s23;
	s23 =	smov.u32 s24;
	(pc) =	sbr.rel @p0 .LBB2_19-.Ltmp9, $4  }
0x1e5: {  	s24 =	smov.u32 s25;
	s25 =	smov.u32 s28;
	s0 =	spop (v2sf)  }
0x1e6: {  	s28 =	smov.u32 s31;
	s29 =	sadd.f32 s0, s29  }
0x1e7: {  	v11, _, _ =	vpop (xrf2)  }
0x1e8: {  	(v2sf) =	vpush v11, $0xF;
	v10 =	vadd.f32 s29, v7;
	v7 =	vmovc v8;
	v8 =	vmov v11  }
0x1e9: {  	_ =	sdelay $0x3  }
0x1ea: {  	v11, _, _ =	vpop (xrf2)  }
0x1eb: {  	(v2sf) =	vpush v11, $0xF;
	_ =	sdelay $0x6  }
0x1ec: {  	(xrf2) =	vadd.scan.msk.f32 $0xffff, v9;
	_ =	sdelay $0x1  }
0x1ed: {  	s0 =	spop (v2sf)  }
0x1ee: {  	s0 =	sadd.f32 s0, s29  }
0x1ef: {  	s30 =	spop (v2sf)  }
0x1f0: {  	s29 =	sadd.f32 s30, s0  }
0x1f1: {  	s30 =	spop (v2sf)  }
0x1f2: {  	s30 =	sadd.f32 s30, s29  }
0x1f3: {  	v7 =	vadd.f32 s0, v7;
	s31 =	spop (v2sf)  }
0x1f4: {  	[tilespmem:s26+$0x12200] =	vst v10;
	v8 =	vadd.f32 s29, v8;
	s0 =	sadd.f32 s31, s30;
	s31 =	simm.s32 $0x1  }
0x1f5: {  	[tilespmem:s23+$0x12200] =	vst v7;
	v9, _, _ =	vpop (xrf2);
	v7 =	vadd.f32 s30, v11;
	v10 =	vadd.s32 s31, v1  }
0x1f6: {  	[tilespmem:s24+$0x12200] =	vst v8;
	v8 =	vadd.f32 s0, v9  }
0x1f7: {  	[tilespmem:s25+$0x12200] =	vst v7  }
0x1f8: {  	[tilespmem:s28+$0x12200] =	vst v8  }
0x1f9: {  	s23 =	simm.s32 $0x0;
	[tilespmem:$0x12400] =	vst v0  }
0x1fa: {  	s24 =	simm.s32 $0x12200;
	s0 =	scvt.s32.f32 s23;
	v10 =	vld.idx.msk [tilespmem:v10+s14+$0x0], $0xffff  }
0x1fb: {  	v11 =	vld [tilespmem:s24+$0x0]  }
0x1fc: {  	v7 =	vadd.f32 s0, v4  }
0x1fd: {  	s25 =	smul.f32 $1.953125000e-03, s22  }
0x1fe: {  	v6 =	vmul.f32 $5.120000000e+02, v6;
	v12 =	vadd.f32 $5.000000000e-01, v7  }
0x1ff: {  	v8 =	vmov s25  }
0x200: {  	v7 =	vmul.f32 $2.543131590e-06, v6;
	v12 =	vmul.f32 v12, v8;
	v10 =	vsub.f32 v10, v11;
	_ =	sdelay $0x1  }
0x201: {  	v12 =	vadd.f32 v12, v5;
	v10 =	vmul.f32 v10, v7;
	_ =	sdelay $0x1  }
0x202: {  	v11 =	vmul.f32 $2.543131590e-06, v11;
	v12 =	vmul.f32 v10, v12  }
0x203: {  	s26 =	simm.s32 $0x11  }
0x204: {  	(v2sf) =	vpush v9, $0xF;
	v9 =	vsub.f32 v11, v12;
	v11 =	vadd.s32 s26, v1;
	_ =	sdelay $0x1  }
0x205: {  	s29 =	simm.s32 $0x12480;
	v9 =	vadd.f32 $-1.000000000e+00, v9  }
0x206: {  	s22 =	simm.s32 $0x12680;
	[tilespmem:s29+$0x0] =	vst v10  }
0x207: {  	s30 =	simm.s32 $0x10;
	[tilespmem:s22+$0x0] =	vst v9  }
0x208: {  	s0 =	scvt.s32.f32 s30;
	s24 =	simm.s32 $0x12210;
	v9 =	vld.idx.msk [tilespmem:v11+s14+$0x0], $0xffff  }
0x209: {  	v10 =	vld [tilespmem:s24+$0x0]  }
0x20a: {  	v11 =	vadd.f32 s0, v4;
	_ =	sdelay $0x1  }
0x20b: {  	v11 =	vadd.f32 $5.000000000e-01, v11;
	_ =	sdelay $0x1  }
0x20c: {  	v11 =	vmul.f32 v11, v8;
	v9 =	vsub.f32 v9, v10;
	_ =	sdelay $0x1  }
0x20d: {  	v11 =	vadd.f32 v11, v5;
	v63 =	vmul.f32 v9, v7;
	_ =	sdelay $0x1  }
0x20e: {  	s23 =	simm.s32 $0x12490;
	s25 =	simm.s32 $0x20;
	v9 =	vmul.f32 $2.543131590e-06, v10;
	v10 =	vmul.f32 v63, v11  }
0x20f: {  	s28 =	simm.s32 $0x21;
	s31 =	spop (v2sf);
	s26 =	simm.s32 $0x30;
	[tilespmem:s23+$0x0] =	vst v63  }
.LBB2_21:
0x210: {  	p0 =	sne.s32 s26, $0x1F0;
	v11 =	vadd.s32 s28, v1;
	v9 =	vsub.f32 v9, v10;
	_ =	sdelay $0x1  }
0x211: {  	v9 =	vadd.f32 $-1.000000000e+00, v9  }
0x212: {  	s22 =	sadd.s32 $0x10, s22  }
0x213: {  	[tilespmem:s22+$0x0] =	vst v9  }
0x214: {  	s0 =	scvt.s32.f32 s25;
	s24 =	sadd.s32 $0x10, s24;
	s25 =	smov.u32 s26;
	v9 =	vld.idx.msk [tilespmem:v11+s14+$0x0], $0xffff  }
0x215: {  	v10 =	vld [tilespmem:s24+$0x0]  }
0x216: {  	v11 =	vadd.f32 s0, v4;
	_ =	sdelay $0x1  }
0x217: {  	v11 =	vadd.f32 $5.000000000e-01, v11;
	_ =	sdelay $0x1  }
0x218: {  	v11 =	vmul.f32 v11, v8;
	v9 =	vsub.f32 v9, v10  }
.Ltmp10:
0x219: {  	(pc) =	sbr.rel @p0 .LBB2_21-.Ltmp10, $4  }
0x21a: {  	v11 =	vadd.f32 v11, v5;
	v12 =	vmul.f32 v9, v7  }
0x21b: {  	s23 =	sadd.s32 $0x10, s23  }
0x21c: {  	v9 =	vmul.f32 $2.543131590e-06, v10;
	v10 =	vmul.f32 v12, v11;
	[tilespmem:s23+$0x0] =	vst v12  }
0x21d: {  	s26 =	sadd.s32 $0x10, s26;
	s28 =	sadd.s32 $0x1, s25  }
0x21e: {  	v11 =	vadd.s32 s28, v1;
	v9 =	vsub.f32 v9, v10;
	_ =	sdelay $0x1  }
0x21f: {  	v9 =	vadd.f32 $-1.000000000e+00, v9  }
0x220: {  	s0 =	sadd.s32 $0x10, s22  }
0x221: {  	[tilespmem:s0+$0x0] =	vst v9  }
0x222: {  	s30 =	scvt.s32.f32 s25;
	s24 =	sadd.s32 $0x10, s24;
	v9 =	vld.idx.msk [tilespmem:v11+s14+$0x0], $0xffff  }
0x223: {  	v61 =	vld [tilespmem:s24+$0x0]  }
0x224: {  	v62 =	vadd.f32 s30, v4;
	_ =	sdelay $0x1  }
0x225: {  	v11 =	vadd.f32 $5.000000000e-01, v62;
	_ =	sdelay $0x1  }
0x226: {  	v8 =	vmul.f32 v11, v8;
	v9 =	vsub.f32 v9, v61;
	_ =	sdelay $0x1  }
0x227: {  	v8 =	vadd.f32 v8, v5;
	v7 =	vmul.f32 v9, v7;
	_ =	sdelay $0x1  }
0x228: {  	v63 =	vmul.f32 $2.543131590e-06, v61;
	v8 =	vmul.f32 v7, v8;
	_ =	sdelay $0x1  }
0x229: {  	v8 =	vsub.f32 v63, v8;
	_ =	sdelay $0x1  }
0x22a: {  	s31 =	sadd.s32 $0x10, s23;
	v8 =	vadd.f32 $-1.000000000e+00, v8  }
0x22b: {  	s0 =	sadd.s32 $0x10, s0;
	[tilespmem:s31+$0x0] =	vst v7  }
0x22c: {  	s22 =	simm.s32 $0x0;
	[tilespmem:s0+$0x0] =	vst v8  }
0x22d: {  	[tilespmem:s22], [sflag:$0x1] =	stream.linear.gather [hbm4b:s8+s22], $0x4000, $0x38;
	[tilespmem:$0x12880] =	vst v63  }
.LBB2_23:
0x22e: {  	s24 =	sshll.u32 s22, $0xF  }
0x22f: {  	_ =	swait.ge [sflag:s10], $0x4000;
	s0 =	sadd.s32 s24, s6  }
0x230: {  	[sflag:s10] =	ssyncset.done $0x0;
	s23 =	sshrl.u32 s0, $0x3  }
0x231: {  	p0 =	seq.s32 s22, $0x0;
	[sflag:s10] =	ssyncadd.s32 $0xFFFFC000;
	s0 =	sadd.s32 s2, s23  }
0x232: {  	[tilespmem:s11], [sflag:$0x2] =	stream.linear.gather [hbm4b:s0+s3], $0x4000, $0x38;
	[tilespmem:$0x12880] =	vst v63  }
0x233: {  	s0 =	simm.s32 @!p0 $0x3  }
0x234: {  	_ =	swait.ge @!p0 [sflag:s0], $0x4000  }
0x235: {  	s26 =	simm.s32 $0xFFFFFFF8;
	s28 =	simm.s32 $0x40;
	[sflag:s0] =	ssyncset.done @!p0 $0x0  }
0x236: {  	s29 =	simm.s32 $0x8040;
	s25 =	sadd.s32 s4, s24;
	[sflag:s0] =	ssyncadd.s32 @!p0 $0xFFFFC000  }
.LBB2_24:
0x237: {  	v7 =	vld [tilespmem:s28+$0xFFFFFFC0];
	_ =	sdelay $0x4  }
0x238: {  	v8 =	vsub.f32 v7, v5;
	_ =	sdelay $0x1  }
0x239: {  	v8 =	vmul.f32 v8, v6;
	_ =	sdelay $0x1  }
0x23a: {  	v8 =	vadd.f32 $-5.000000000e-01, v8;
	_ =	sdelay $0x1  }
0x23b: {  	v8 =	vtrunc.f32 v8  }
0x23c: {  	v8 =	vcvt.f32.s32 v8;
	_ =	sdelay $0x1  }
0x23d: {  	vm0 =	vgt.s32 v8, $0x0  }
0x23e: {  	v8 =	vnsel vm0, $0x0, v8  }
0x23f: {  	v8 =	vmin.u32 v8, $0x1FE;
	_ =	sdelay $0x4  }
0x240: {  	v9 =	vld.idx.msk [tilespmem:v8+s15+$0x0], $0xffff;
	_ =	sdelay $0x1  }
0x241: {  	v8 =	vld.idx.msk [tilespmem:v8+s16+$0x0], $0xffff;
	_ =	sdelay $0x2  }
0x242: {  	v7 =	vmul.f32 v9, v7;
	_ =	sdelay $0x1  }
0x243: {  	v7 =	vadd.f32 v8, v7;
	_ =	sdelay $0x1  }
0x244: {  	[tilespmem:s29+$0xFFFFFFC0] =	vst v7  }
0x245: {  	v7 =	vld [tilespmem:s28+$0xFFFFFFD0];
	_ =	sdelay $0x4  }
0x246: {  	v8 =	vsub.f32 v7, v5;
	_ =	sdelay $0x1  }
0x247: {  	v8 =	vmul.f32 v8, v6;
	_ =	sdelay $0x1  }
0x248: {  	v8 =	vadd.f32 $-5.000000000e-01, v8;
	_ =	sdelay $0x1  }
0x249: {  	v8 =	vtrunc.f32 v8  }
0x24a: {  	v8 =	vcvt.f32.s32 v8;
	_ =	sdelay $0x1  }
0x24b: {  	vm9 =	vgt.s32 v8, $0x0  }
0x24c: {  	v8 =	vnsel vm9, $0x0, v8  }
0x24d: {  	v8 =	vmin.u32 v8, $0x1FE;
	_ =	sdelay $0x4  }
0x24e: {  	v57 =	vld.idx.msk [tilespmem:v8+s15+$0x0], $0xffff;
	_ =	sdelay $0x1  }
0x24f: {  	v8 =	vld.idx.msk [tilespmem:v8+s16+$0x0], $0xffff;
	_ =	sdelay $0x2  }
0x250: {  	v7 =	vmul.f32 v57, v7;
	_ =	sdelay $0x1  }
0x251: {  	v7 =	vadd.f32 v8, v7;
	_ =	sdelay $0x1  }
0x252: {  	[tilespmem:s29+$0xFFFFFFD0] =	vst v7  }
0x253: {  	v7 =	vld [tilespmem:s28+$0xFFFFFFE0];
	_ =	sdelay $0x4  }
0x254: {  	v8 =	vsub.f32 v7, v5;
	_ =	sdelay $0x1  }
0x255: {  	v8 =	vmul.f32 v8, v6;
	_ =	sdelay $0x1  }
0x256: {  	v8 =	vadd.f32 $-5.000000000e-01, v8;
	_ =	sdelay $0x1  }
0x257: {  	v8 =	vtrunc.f32 v8  }
0x258: {  	v8 =	vcvt.f32.s32 v8;
	_ =	sdelay $0x1  }
0x259: {  	vm10 =	vgt.s32 v8, $0x0  }
0x25a: {  	v8 =	vnsel vm10, $0x0, v8  }
0x25b: {  	v8 =	vmin.u32 v8, $0x1FE;
	_ =	sdelay $0x4  }
0x25c: {  	v58 =	vld.idx.msk [tilespmem:v8+s15+$0x0], $0xffff;
	_ =	sdelay $0x1  }
0x25d: {  	v8 =	vld.idx.msk [tilespmem:v8+s16+$0x0], $0xffff;
	_ =	sdelay $0x2  }
0x25e: {  	v7 =	vmul.f32 v58, v7;
	_ =	sdelay $0x1  }
0x25f: {  	v7 =	vadd.f32 v8, v7;
	_ =	sdelay $0x1  }
0x260: {  	[tilespmem:s29+$0xFFFFFFE0] =	vst v7  }
0x261: {  	v7 =	vld [tilespmem:s28+$0xFFFFFFF0];
	_ =	sdelay $0x4  }
0x262: {  	v8 =	vsub.f32 v7, v5;
	_ =	sdelay $0x1  }
0x263: {  	v8 =	vmul.f32 v8, v6;
	_ =	sdelay $0x1  }
0x264: {  	v8 =	vadd.f32 $-5.000000000e-01, v8;
	_ =	sdelay $0x1  }
0x265: {  	v8 =	vtrunc.f32 v8  }
0x266: {  	v8 =	vcvt.f32.s32 v8;
	_ =	sdelay $0x1  }
0x267: {  	vm11 =	vgt.s32 v8, $0x0  }
0x268: {  	v8 =	vnsel vm11, $0x0, v8  }
0x269: {  	v8 =	vmin.u32 v8, $0x1FE;
	_ =	sdelay $0x4  }
0x26a: {  	v59 =	vld.idx.msk [tilespmem:v8+s15+$0x0], $0xffff;
	_ =	sdelay $0x1  }
0x26b: {  	v8 =	vld.idx.msk [tilespmem:v8+s16+$0x0], $0xffff;
	_ =	sdelay $0x2  }
0x26c: {  	v7 =	vmul.f32 v59, v7;
	_ =	sdelay $0x1  }
0x26d: {  	v7 =	vadd.f32 v8, v7;
	_ =	sdelay $0x1  }
0x26e: {  	[tilespmem:s29+$0xFFFFFFF0] =	vst v7  }
0x26f: {  	v7 =	vld [tilespmem:s28+$0x0];
	_ =	sdelay $0x4  }
0x270: {  	v8 =	vsub.f32 v7, v5;
	_ =	sdelay $0x1  }
0x271: {  	v8 =	vmul.f32 v8, v6;
	_ =	sdelay $0x1  }
0x272: {  	v8 =	vadd.f32 $-5.000000000e-01, v8;
	_ =	sdelay $0x1  }
0x273: {  	v8 =	vtrunc.f32 v8  }
0x274: {  	v8 =	vcvt.f32.s32 v8;
	_ =	sdelay $0x1  }
0x275: {  	vm12 =	vgt.s32 v8, $0x0  }
0x276: {  	v8 =	vnsel vm12, $0x0, v8  }
0x277: {  	v8 =	vmin.u32 v8, $0x1FE;
	_ =	sdelay $0x4  }
0x278: {  	v60 =	vld.idx.msk [tilespmem:v8+s15+$0x0], $0xffff;
	_ =	sdelay $0x1  }
0x279: {  	v8 =	vld.idx.msk [tilespmem:v8+s16+$0x0], $0xffff;
	_ =	sdelay $0x2  }
0x27a: {  	v7 =	vmul.f32 v60, v7;
	_ =	sdelay $0x1  }
0x27b: {  	v7 =	vadd.f32 v8, v7;
	_ =	sdelay $0x1  }
0x27c: {  	[tilespmem:s29+$0x0] =	vst v7  }
0x27d: {  	v7 =	vld [tilespmem:s28+$0x10];
	_ =	sdelay $0x4  }
0x27e: {  	v8 =	vsub.f32 v7, v5;
	_ =	sdelay $0x1  }
0x27f: {  	v8 =	vmul.f32 v8, v6;
	_ =	sdelay $0x1  }
0x280: {  	v8 =	vadd.f32 $-5.000000000e-01, v8;
	_ =	sdelay $0x1  }
0x281: {  	v8 =	vtrunc.f32 v8  }
0x282: {  	v8 =	vcvt.f32.s32 v8;
	_ =	sdelay $0x1  }
0x283: {  	vm13 =	vgt.s32 v8, $0x0  }
0x284: {  	v8 =	vnsel vm13, $0x0, v8  }
0x285: {  	v8 =	vmin.u32 v8, $0x1FE;
	_ =	sdelay $0x4  }
0x286: {  	v61 =	vld.idx.msk [tilespmem:v8+s15+$0x0], $0xffff;
	_ =	sdelay $0x1  }
0x287: {  	v8 =	vld.idx.msk [tilespmem:v8+s16+$0x0], $0xffff;
	_ =	sdelay $0x2  }
0x288: {  	v7 =	vmul.f32 v61, v7;
	_ =	sdelay $0x1  }
0x289: {  	v7 =	vadd.f32 v8, v7;
	_ =	sdelay $0x1  }
0x28a: {  	[tilespmem:s29+$0x10] =	vst v7  }
0x28b: {  	v7 =	vld [tilespmem:s28+$0x20];
	_ =	sdelay $0x4  }
0x28c: {  	v8 =	vsub.f32 v7, v5;
	_ =	sdelay $0x1  }
0x28d: {  	v8 =	vmul.f32 v8, v6;
	_ =	sdelay $0x1  }
0x28e: {  	v8 =	vadd.f32 $-5.000000000e-01, v8;
	_ =	sdelay $0x1  }
0x28f: {  	v8 =	vtrunc.f32 v8  }
0x290: {  	v8 =	vcvt.f32.s32 v8;
	_ =	sdelay $0x1  }
0x291: {  	vm14 =	vgt.s32 v8, $0x0  }
0x292: {  	v8 =	vnsel vm14, $0x0, v8  }
0x293: {  	v8 =	vmin.u32 v8, $0x1FE;
	_ =	sdelay $0x4  }
0x294: {  	v62 =	vld.idx.msk [tilespmem:v8+s15+$0x0], $0xffff;
	_ =	sdelay $0x1  }
0x295: {  	v8 =	vld.idx.msk [tilespmem:v8+s16+$0x0], $0xffff;
	_ =	sdelay $0x2  }
0x296: {  	v7 =	vmul.f32 v62, v7;
	_ =	sdelay $0x1  }
0x297: {  	v7 =	vadd.f32 v8, v7;
	_ =	sdelay $0x1  }
0x298: {  	[tilespmem:s29+$0x20] =	vst v7  }
0x299: {  	v7 =	vld [tilespmem:s28+$0x30];
	_ =	sdelay $0x4  }
0x29a: {  	v8 =	vsub.f32 v7, v5;
	_ =	sdelay $0x1  }
0x29b: {  	v8 =	vmul.f32 v8, v6;
	_ =	sdelay $0x1  }
0x29c: {  	v8 =	vadd.f32 $-5.000000000e-01, v8;
	_ =	sdelay $0x1  }
0x29d: {  	v8 =	vtrunc.f32 v8  }
0x29e: {  	v8 =	vcvt.f32.s32 v8;
	_ =	sdelay $0x1  }
0x29f: {  	vm15 =	vgt.s32 v8, $0x0  }
0x2a0: {  	v8 =	vnsel vm15, $0x0, v8  }
0x2a1: {  	v8 =	vmin.u32 v8, $0x1FE;
	_ =	sdelay $0x4  }
0x2a2: {  	v63 =	vld.idx.msk [tilespmem:v8+s15+$0x0], $0xffff;
	_ =	sdelay $0x1  }
0x2a3: {  	v8 =	vld.idx.msk [tilespmem:v8+s16+$0x0], $0xffff  }
0x2a4: {  	s26 =	sadd.s32 $0x8, s26  }
0x2a5: {  	p0 =	slt.u32 s26, $0x3F8  }
.Ltmp11:
0x2a6: {  	v7 =	vmul.f32 v63, v7;
	(pc) =	sbr.rel @p0 .LBB2_24-.Ltmp11, $3  }
0x2a7: {  	_ = 	snop  }
0x2a8: {  	v7 =	vadd.f32 v8, v7;
	_ =	sdelay $0x1  }
0x2a9: {  	s28 =	sadd.s32 $0x80, s28;
	[tilespmem:s29+$0x30] =	vst v7;
	s29 =	sadd.s32 $0x80, s29  }
0x2aa: {  	s0 =	sshrl.u32 s25, $0x3  }
0x2ab: {  	p0 =	seq.s32 s22, $0x17;
	s0 =	sadd.s32 s5, s0  }
0x2ac: {  	[hbm4b:s0+s3] =	stream.linear.scatter [tilespmem:s17], [sflag:$0x3], $0x4000, $0x38;
	[tilespmem:$0x12880] =	vst v63  }
0x2ad: {  	s0 =	sadd.s32 @!p0 s24, s7;
	_ =	swait.ge [sflag:s12], $0x4000  }
0x2ae: {  	p1 =	seq.s32 @!p0 s22, $0x0;
	s0 =	sshrl.u32 @!p0 s0, $0x3;
	[sflag:s12] =	ssyncset.done $0x0  }
0x2af: {  	s24 =	simm.s32 @!p0 $0x0;
	s0 =	sadd.s32 @!p0 s2, s0;
	[sflag:s12] =	ssyncadd.s32 $0xFFFFC000  }
0x2b0: {  	[tilespmem:s24], [sflag:$0x1] =	stream.linear.gather @!p0 [hbm4b:s0+s24], $0x4000, $0x38;
	[tilespmem:$0x12880] =	vst v63  }
0x2b1: {  	p0 =	por p0, !p1  }
0x2b2: {  	_ =	swait.ge @p0 [sflag:s20], $0x4000  }
0x2b3: {  	s25 =	simm.s32 $0x4040;
	[sflag:s20] =	ssyncset.done @p0 $0x0  }
0x2b4: {  	s26 =	simm.s32 $0xC040;
	s24 =	simm.s32 $0xFFFFFFF8;
	[sflag:s20] =	ssyncadd.s32 @p0 $0xFFFFC000  }
.LBB2_26:
0x2b5: {  	v7 =	vld [tilespmem:s25+$0xFFFFFFC0];
	_ =	sdelay $0x4  }
0x2b6: {  	v8 =	vsub.f32 v7, v5;
	_ =	sdelay $0x1  }
0x2b7: {  	v8 =	vmul.f32 v8, v6;
	_ =	sdelay $0x1  }
0x2b8: {  	v8 =	vadd.f32 $-5.000000000e-01, v8;
	_ =	sdelay $0x1  }
0x2b9: {  	v8 =	vtrunc.f32 v8  }
0x2ba: {  	v8 =	vcvt.f32.s32 v8;
	_ =	sdelay $0x1  }
0x2bb: {  	vm0 =	vgt.s32 v8, $0x0  }
0x2bc: {  	v8 =	vnsel vm0, $0x0, v8  }
0x2bd: {  	v8 =	vmin.u32 v8, $0x1FE;
	_ =	sdelay $0x4  }
0x2be: {  	v9 =	vld.idx.msk [tilespmem:v8+s15+$0x0], $0xffff;
	_ =	sdelay $0x1  }
0x2bf: {  	v8 =	vld.idx.msk [tilespmem:v8+s16+$0x0], $0xffff;
	_ =	sdelay $0x2  }
0x2c0: {  	v7 =	vmul.f32 v9, v7;
	_ =	sdelay $0x1  }
0x2c1: {  	v7 =	vadd.f32 v8, v7;
	_ =	sdelay $0x1  }
0x2c2: {  	[tilespmem:s26+$0xFFFFFFC0] =	vst v7  }
0x2c3: {  	v7 =	vld [tilespmem:s25+$0xFFFFFFD0];
	_ =	sdelay $0x4  }
0x2c4: {  	v8 =	vsub.f32 v7, v5;
	_ =	sdelay $0x1  }
0x2c5: {  	v8 =	vmul.f32 v8, v6;
	_ =	sdelay $0x1  }
0x2c6: {  	v8 =	vadd.f32 $-5.000000000e-01, v8;
	_ =	sdelay $0x1  }
0x2c7: {  	v8 =	vtrunc.f32 v8  }
0x2c8: {  	v8 =	vcvt.f32.s32 v8;
	_ =	sdelay $0x1  }
0x2c9: {  	vm9 =	vgt.s32 v8, $0x0  }
0x2ca: {  	v8 =	vnsel vm9, $0x0, v8  }
0x2cb: {  	v8 =	vmin.u32 v8, $0x1FE;
	_ =	sdelay $0x4  }
0x2cc: {  	v57 =	vld.idx.msk [tilespmem:v8+s15+$0x0], $0xffff;
	_ =	sdelay $0x1  }
0x2cd: {  	v8 =	vld.idx.msk [tilespmem:v8+s16+$0x0], $0xffff;
	_ =	sdelay $0x2  }
0x2ce: {  	v7 =	vmul.f32 v57, v7;
	_ =	sdelay $0x1  }
0x2cf: {  	v7 =	vadd.f32 v8, v7;
	_ =	sdelay $0x1  }
0x2d0: {  	[tilespmem:s26+$0xFFFFFFD0] =	vst v7  }
0x2d1: {  	v7 =	vld [tilespmem:s25+$0xFFFFFFE0];
	_ =	sdelay $0x4  }
0x2d2: {  	v8 =	vsub.f32 v7, v5;
	_ =	sdelay $0x1  }
0x2d3: {  	v8 =	vmul.f32 v8, v6;
	_ =	sdelay $0x1  }
0x2d4: {  	v8 =	vadd.f32 $-5.000000000e-01, v8;
	_ =	sdelay $0x1  }
0x2d5: {  	v8 =	vtrunc.f32 v8  }
0x2d6: {  	v8 =	vcvt.f32.s32 v8;
	_ =	sdelay $0x1  }
0x2d7: {  	vm10 =	vgt.s32 v8, $0x0  }
0x2d8: {  	v8 =	vnsel vm10, $0x0, v8  }
0x2d9: {  	v8 =	vmin.u32 v8, $0x1FE;
	_ =	sdelay $0x4  }
0x2da: {  	v58 =	vld.idx.msk [tilespmem:v8+s15+$0x0], $0xffff;
	_ =	sdelay $0x1  }
0x2db: {  	v8 =	vld.idx.msk [tilespmem:v8+s16+$0x0], $0xffff;
	_ =	sdelay $0x2  }
0x2dc: {  	v7 =	vmul.f32 v58, v7;
	_ =	sdelay $0x1  }
0x2dd: {  	v7 =	vadd.f32 v8, v7;
	_ =	sdelay $0x1  }
0x2de: {  	[tilespmem:s26+$0xFFFFFFE0] =	vst v7  }
0x2df: {  	v7 =	vld [tilespmem:s25+$0xFFFFFFF0];
	_ =	sdelay $0x4  }
0x2e0: {  	v8 =	vsub.f32 v7, v5;
	_ =	sdelay $0x1  }
0x2e1: {  	v8 =	vmul.f32 v8, v6;
	_ =	sdelay $0x1  }
0x2e2: {  	v8 =	vadd.f32 $-5.000000000e-01, v8;
	_ =	sdelay $0x1  }
0x2e3: {  	v8 =	vtrunc.f32 v8  }
0x2e4: {  	v8 =	vcvt.f32.s32 v8;
	_ =	sdelay $0x1  }
0x2e5: {  	vm11 =	vgt.s32 v8, $0x0  }
0x2e6: {  	v8 =	vnsel vm11, $0x0, v8  }
0x2e7: {  	v8 =	vmin.u32 v8, $0x1FE;
	_ =	sdelay $0x4  }
0x2e8: {  	v59 =	vld.idx.msk [tilespmem:v8+s15+$0x0], $0xffff;
	_ =	sdelay $0x1  }
0x2e9: {  	v8 =	vld.idx.msk [tilespmem:v8+s16+$0x0], $0xffff;
	_ =	sdelay $0x2  }
0x2ea: {  	v7 =	vmul.f32 v59, v7;
	_ =	sdelay $0x1  }
0x2eb: {  	v7 =	vadd.f32 v8, v7;
	_ =	sdelay $0x1  }
0x2ec: {  	[tilespmem:s26+$0xFFFFFFF0] =	vst v7  }
0x2ed: {  	v7 =	vld [tilespmem:s25+$0x0];
	_ =	sdelay $0x4  }
0x2ee: {  	v8 =	vsub.f32 v7, v5;
	_ =	sdelay $0x1  }
0x2ef: {  	v8 =	vmul.f32 v8, v6;
	_ =	sdelay $0x1  }
0x2f0: {  	v8 =	vadd.f32 $-5.000000000e-01, v8;
	_ =	sdelay $0x1  }
0x2f1: {  	v8 =	vtrunc.f32 v8  }
0x2f2: {  	v8 =	vcvt.f32.s32 v8;
	_ =	sdelay $0x1  }
0x2f3: {  	vm12 =	vgt.s32 v8, $0x0  }
0x2f4: {  	v8 =	vnsel vm12, $0x0, v8  }
0x2f5: {  	v8 =	vmin.u32 v8, $0x1FE;
	_ =	sdelay $0x4  }
0x2f6: {  	v60 =	vld.idx.msk [tilespmem:v8+s15+$0x0], $0xffff;
	_ =	sdelay $0x1  }
0x2f7: {  	v8 =	vld.idx.msk [tilespmem:v8+s16+$0x0], $0xffff;
	_ =	sdelay $0x2  }
0x2f8: {  	v7 =	vmul.f32 v60, v7;
	_ =	sdelay $0x1  }
0x2f9: {  	v7 =	vadd.f32 v8, v7;
	_ =	sdelay $0x1  }
0x2fa: {  	[tilespmem:s26+$0x0] =	vst v7  }
0x2fb: {  	v7 =	vld [tilespmem:s25+$0x10];
	_ =	sdelay $0x4  }
0x2fc: {  	v8 =	vsub.f32 v7, v5;
	_ =	sdelay $0x1  }
0x2fd: {  	v8 =	vmul.f32 v8, v6;
	_ =	sdelay $0x1  }
0x2fe: {  	v8 =	vadd.f32 $-5.000000000e-01, v8;
	_ =	sdelay $0x1  }
0x2ff: {  	v8 =	vtrunc.f32 v8  }
0x300: {  	v8 =	vcvt.f32.s32 v8;
	_ =	sdelay $0x1  }
0x301: {  	vm13 =	vgt.s32 v8, $0x0  }
0x302: {  	v8 =	vnsel vm13, $0x0, v8  }
0x303: {  	v8 =	vmin.u32 v8, $0x1FE;
	_ =	sdelay $0x4  }
0x304: {  	v61 =	vld.idx.msk [tilespmem:v8+s15+$0x0], $0xffff;
	_ =	sdelay $0x1  }
0x305: {  	v8 =	vld.idx.msk [tilespmem:v8+s16+$0x0], $0xffff;
	_ =	sdelay $0x2  }
0x306: {  	v7 =	vmul.f32 v61, v7;
	_ =	sdelay $0x1  }
0x307: {  	v7 =	vadd.f32 v8, v7;
	_ =	sdelay $0x1  }
0x308: {  	[tilespmem:s26+$0x10] =	vst v7  }
0x309: {  	v7 =	vld [tilespmem:s25+$0x20];
	_ =	sdelay $0x4  }
0x30a: {  	v8 =	vsub.f32 v7, v5;
	_ =	sdelay $0x1  }
0x30b: {  	v8 =	vmul.f32 v8, v6;
	_ =	sdelay $0x1  }
0x30c: {  	v8 =	vadd.f32 $-5.000000000e-01, v8;
	_ =	sdelay $0x1  }
0x30d: {  	v8 =	vtrunc.f32 v8  }
0x30e: {  	v8 =	vcvt.f32.s32 v8;
	_ =	sdelay $0x1  }
0x30f: {  	vm14 =	vgt.s32 v8, $0x0  }
0x310: {  	v8 =	vnsel vm14, $0x0, v8  }
0x311: {  	v8 =	vmin.u32 v8, $0x1FE;
	_ =	sdelay $0x4  }
0x312: {  	v62 =	vld.idx.msk [tilespmem:v8+s15+$0x0], $0xffff;
	_ =	sdelay $0x1  }
0x313: {  	v8 =	vld.idx.msk [tilespmem:v8+s16+$0x0], $0xffff;
	_ =	sdelay $0x2  }
0x314: {  	v7 =	vmul.f32 v62, v7;
	_ =	sdelay $0x1  }
0x315: {  	v7 =	vadd.f32 v8, v7;
	_ =	sdelay $0x1  }
0x316: {  	[tilespmem:s26+$0x20] =	vst v7  }
0x317: {  	v7 =	vld [tilespmem:s25+$0x30];
	_ =	sdelay $0x4  }
0x318: {  	v8 =	vsub.f32 v7, v5;
	_ =	sdelay $0x1  }
0x319: {  	v8 =	vmul.f32 v8, v6;
	_ =	sdelay $0x1  }
0x31a: {  	v8 =	vadd.f32 $-5.000000000e-01, v8;
	_ =	sdelay $0x1  }
0x31b: {  	v8 =	vtrunc.f32 v8  }
0x31c: {  	v8 =	vcvt.f32.s32 v8;
	_ =	sdelay $0x1  }
0x31d: {  	vm15 =	vgt.s32 v8, $0x0  }
0x31e: {  	v8 =	vnsel vm15, $0x0, v8  }
0x31f: {  	v8 =	vmin.u32 v8, $0x1FE;
	_ =	sdelay $0x4  }
0x320: {  	v63 =	vld.idx.msk [tilespmem:v8+s15+$0x0], $0xffff;
	_ =	sdelay $0x1  }
0x321: {  	v8 =	vld.idx.msk [tilespmem:v8+s16+$0x0], $0xffff  }
0x322: {  	s24 =	sadd.s32 $0x8, s24  }
0x323: {  	p0 =	slt.u32 s24, $0x3F8  }
.Ltmp12:
0x324: {  	v7 =	vmul.f32 v63, v7;
	(pc) =	sbr.rel @p0 .LBB2_26-.Ltmp12, $3  }
0x325: {  	_ = 	snop  }
0x326: {  	v7 =	vadd.f32 v8, v7;
	_ =	sdelay $0x1  }
0x327: {  	s25 =	sadd.s32 $0x80, s25;
	[tilespmem:s26+$0x30] =	vst v7;
	s26 =	sadd.s32 $0x80, s26  }
0x328: {  	s22 =	sadd.s32 $0x1, s22  }
0x329: {  	p0 =	sne.s32 s22, $0x18  }
.Ltmp13:
0x32a: {  	_ = 	snop;
	(pc) =	sbr.rel @p0 .LBB2_23-.Ltmp13, $3  }
0x32b: {  	_ =	sdelay $0x1  }
0x32c: {  	s0 =	sadd.s32 s5, s23  }
0x32d: {  	[hbm4b:s0+s3] =	stream.linear.scatter [tilespmem:s18], [sflag:$0x4], $0x4000, $0x38;
	[tilespmem:$0x12880] =	vst v63  }
0x32e: {  	s21 =	sadd.s32 $0x1, s21  }
0x32f: {  	_ =	swait.ge [sflag:s19], $0x4000;
	p0 =	sne.s32 s21, s9  }
.Ltmp14:
0x330: {  	[sflag:s19] =	ssyncset.done $0x0;
	(pc) =	sbr.rel @p0 .LBB2_2-.Ltmp14, $4  }
0x331: {  	[sflag:s19] =	ssyncadd.s32 $0xFFFFC000  }
0x332: {  	_ =	swait.ge [sflag:s20], $0x4000  }
0x333: {  	[sflag:s20] =	ssyncset.done $0x0  }
0x334: {  	[sflag:s20] =	ssyncadd.s32 $0xFFFFC000  }
.LBB2_29:
0x335: {  	_ =	sfence.sel $0x180000  }
0x336: {  	[bflag:$0x0] =	sbarrier.arrive $0xFFFF  }
0x337: {  	_ =	strace $0x9000004A  }
0x338: {  	[bflag:$0x2] =	sbarrier.arrive $0xFFFF  }
0x339: {  	p0 =	sne.s32 s1, $0x0;
	s0 =	rddreg [dreg:$0x2]  }
0x33a: {  	s0 =	sadd.s32 @!p0 $0x100000, s0  }
0x33b: {  	[sflag:s0] =	ssyncadd.tile.s32 @!p0 $0x1;
	_ =	shalt  }
.Lfunc_end2:
_tile_overlayer_lowered:
.L_overlay_start_2:
0x33c: {  	(tag) =	ssettag $0x2  }
0x33d: {  	s0 =	rddreg [dreg:$0x0];
	s2 =	stileid.u32  }
0x33e: {  	s1 =	rddreg [dreg:$0x1];
	p0 =	sne.s32 s2, $0x0  }
0x33f: {  	s3 =	rddreg [dreg:$0x2];
	[bflag:$0x3] =	sbarrier.arrive $0xFFFF;
	s2 =	simm.s32 @!p0 $0x1C05  }
0x340: {  	[timem:s3], [sflag:s2] =	dma.local @!p0 [hbm:s0], s1  }
0x341: {  	s0 =	simm.s32 @!p0 $0x5  }
0x342: {  	_ =	swait.ge @!p0 [sflag:s0], s1  }
0x343: {  	s1 =	ssub.s32 @!p0 $0x0, s1;
	[sflag:s0] =	ssyncset.done @!p0 $0x0  }
0x344: {  	[sflag:s0] =	ssyncadd.s32 @!p0 s1  }
0x345: {  	[bflag:$0x3] =	sbarrier.arrive $0xFFFF  }
0x346: {  	_ =	shalt  }

// kernel: sparse-core-data-format-call.cloned.1.call-start
scs
called_computation_lowered:
.L_overlay_start_0:
0x0: {  	s2 =	sld [smem:$0x3FD9]  }
0x1: {  	s3 =	sld [smem:$0x3FFE];
	_ =	sdelay $0x1  }
0x2: {  	s1 =	srdreg.scid  }
0x3: {  	s0 =	sand.u32 $0x1, s1  }
0x4: {  	s19 =	sshll.u32 s0, $0xA;
	s2 =	sadd.s32 s3, s2  }
0x5: {  	s2 =	sadd.s32 s2, s19  }
0x6: {  	[smem:$0x3FC7] =	sst s2  }
0x7: {  	_ = 	snop  }
0x8: {  	s2 =	sld [smem:$0x3FC9]  }
0x9: {  	s20 =	sld [smem:$0x3FD0];
	(tm) =	ssettm $0x1  }
0xa: {  	s4 =	sld [smem:$0x3FFB];
	_ =	sdelay $0x3  }
0xb: {  	_ =	strace s4  }
0xc: {  	s4 =	sld [smem:$0x3FFC];
	_ =	sdelay $0x3  }
0xd: {  	_ =	strace s4  }
0xe: {  	s4 =	sld [smem:$0x3FFD];
	_ =	sdelay $0x3  }
0xf: {  	_ =	strace s4  }
0x10: {  	_ =	strace $0x8FFFFFFF  }
0x11: {  	s21 =	sld [smem:$0x3FDB];
	_ =	sdelay $0x1  }
0x12: {  	s5 =	simm.s32 $_scs_section_size  }
0x13: {  	s6 =	simm.s32 $_size__tile_overlayer_lowered;
	s7 =	simm.s32 $_tile_overlayer_lowered  }
0x14: {  	s24 =	simm.s32 $0x1BFF;
	s23 =	sshll.u32 s7, $0x1;
	s4 =	sadd.s32 s5, s21  }
0x15: {  	s8 =	simm.s32 $0x0;
	s22 =	sshll.u32 s6, $0x1;
	s6 =	sadd.s32 s23, s4  }
0x16: {  	[timem:s8], [sflag:s24] =	dma.local [hbm:s6], s22  }
0x17: {  	_ =	swait.ge [sflag:s24], s22  }
0x18: {  	s5 =	ssub.s32 $0x0, s22;
	[sflag:s24] =	ssyncset.done $0x0  }
0x19: {  	[sflag:s24] =	ssyncadd.s32 s5;
	_ =	sdelay $0x1  }
0x1a: {  	s25 =	simm.s32 $0x1B8B  }
0x1b: {  	_ =	swait.ge [sflag:s25], $0x1  }
0x1c: {  	[sflag:s25] =	ssyncset.done $0x0  }
0x1d: {  	s26 =	simm.s32 $0x1B8E;
	[sflag:s25] =	ssyncadd.s32 $0xFFFFFFFF  }
0x1e: {  	s27 =	simm.s32 $execute0_lowered;
	[smem:$0x3FD2] =	sst s26  }
0x1f: {  	s5 =	sshll.u32 s27, $0x1;
	_ =	strace $0x80000046;
	[dreg:$0x1] =	wrdreg $0xFFFFFFFF  }
0x20: {  	s28 =	simm.s32 $_size_execute0_lowered;
	s4 =	sadd.s32 s4, s5;
	[dreg:$0x0] =	wrdreg $0x0  }
0x21: {  	s5 =	sshll.u32 s28, $0x1;
	[dreg:$0x2] =	wrdreg s4  }
0x22: {  	[dreg:$0x3] =	wrdreg s5  }
0x23: {  	[dreg:$0x4] =	wrdreg $0xC0  }
0x24: {  	_ =	task [dreg:s8], $0x5FFFF  }
0x25: {  	[dreg:$0x1] =	wrdreg $0xFFFFFFFF  }
0x26: {  	[dreg:$0x0] =	wrdreg $0x60  }
0x27: {  	[dreg:$0x2] =	wrdreg s2  }
0x28: {  	[dreg:$0x3] =	wrdreg s20  }
0x29: {  	[dreg:$0x4] =	wrdreg $0x9  }
0x2a: {  	_ =	task.clear_ibuf [dreg:s8], $0x5FFFF;
	_ =	strace $0x90000046  }
0x2b: {  	s29 =	simm.s32 $0x9;
	_ =	strace $0x80000048  }
0x2c: {  	_ =	swait.ge [sflag:s29], $0x1  }
0x2d: {  	[sflag:s29] =	ssyncadd.s32 $0xFFFFFFFF  }
0x2e: {  	_ =	strace $0x90000048  }
0x2f: {  	_ =	sfence  }
0x30: {  	s30 =	sld [smem:$0x0];
	_ =	sdelay $0x2  }
0x31: {  	s31 =	sshll.u32 s1, $0xD;
	s1 =	sshrl.u32 s1, $0x2  }
0x32: {  	s3 =	sand.u32 $0x4000, s31;
	s1 =	sadd.s32 s1, s30  }
0x33: {  	s0 =	sor.u32 s3, s0;
	s1 =	sshll.u32 s1, $0x11  }
0x34: {  	s0 =	sor.u32 s1, s0  }
0x35: {  	s0 =	sadd.s32 $0x8F2B, s0  }
0x36: {  	[sflag:s0] =	ssyncadd.remote.s32 $0x1  }
0x37: {  	_ =	sfence.sel $0xFFFF  }
0x38: {  	[dreg:$0x0] =	wrdreg $0xFFFFFFFF;
	(pc) =	sbr.abs _section_cstart, $3  }
0x39: {  	[dreg:$0x1] =	wrdreg $0xFFFFFFFF  }
0x3a: {  	_ =	task.clear_ibuf [dreg:s8], $0x2FFFF;
	_ =	strace $0x9FFFFFFF  }
0x3b: {  	(tm) =	ssettm $0x7FFFFFFF  }
tec
execute0_lowered:
.L_overlay_start_1:
0x0: {  	(tag) =	ssettag $0x1  }
0x1: {  	s0 =	srdreg.scid  }
0x2: {  	s1 =	sshll.u32 s0, $0x4  }
0x3: {  	s2 =	rddreg [dreg:$0x0];
	s0 =	stileid.u32;
	s1 =	sand.u32 $0x10, s1  }
0x4: {  	s4 =	rddreg [dreg:$0x1];
	s1 =	sor.u32 s0, s1  }
0x5: {  	s7 =	simm.s32 $0x1;
	s8 =	simm.s32 $0x2;
	s3 =	sshll.u32 s1, $0x2  }
0x6: {  	s9 =	simm.s32 $0x0;
	s12 =	simm.s32 $0x0;
	s6 =	ssub.s32 $0xC00, s3  }
.Ltmp0:
0x7: {  	s11 =	simm.s32 $0x0;
	s5 =	sand.u32 $0x7C, s6;
	(pc) =	sbr.rel .LBB1_1-.Ltmp0, $4  }
0x8: {  	s1 =	rddreg [dreg:$0x2];
	_ =	strace $0x80000047;
	p0 =	sne.s32 s5, $0x0  }
0x9: {  	s6 =	sshrl.u32 s6, $0x7;
	s5 =	simm.s32 $0x1;
	s7 =	simm.s32 @!p0 $0x0  }
0xa: {  	s10 =	smov.u32 s3;
	[sflag:s5] =	ssyncpa.u1 $0x0;
	s6 =	sadd.s32 s7, s6  }
0xb: {  	[sflag:s8] =	ssyncpa.u1 $0x0;
	s8 =	simm.s32 $0x0;
	s7 =	sadd.s32 $0x1, s6  }
.LBB1_9:
0xc: {  	s14 =	sadd.s32 $0x80, s10  }
0xd: {  	p1 =	sgt.s32 s14, $0xBFF  }
0xe: {  	s14 =	smov.u32 @p1 s3;
	p1 =	sne.s32 s11, s7  }
.Ltmp1:
0xf: {  	p0 =	slt.u32 s11, $0x2;
	(pc) =	sbr.rel @!p1 .LBB1_10-.Ltmp1, $4  }
0x10: {  	s13 =	simm.s32 @!p0 $0x2  }
0x11: {  	s15 =	sadd.s32 $0x1, s11;
	_ =	swait.ge @!p0 [sflag:s13], $0x4000  }
0x12: {  	s12 =	smov.u32 s10;
	s9 =	sadd.s32 $0x4000, s9;
	[sflag:s13] =	ssyncset.done @!p0 $0x0  }
0x13: {  	s11 =	smov.u32 s15;
	s10 =	smov.u32 s14;
	[sflag:s13] =	ssyncadd.s32 @!p0 $0xFFFFC000  }
.LBB1_1:
0x14: {  	p0 =	sge.u32 s11, s6  }
0x15: {  	s13 =	sxor.u32 @!p0 $0xFFFFFFFF, s11  }
0x16: {  	s31 =	sadd.s32 $0xFFFFFFFF, s11;
	s14 =	sshll.u32 @!p0 s10, $0x9;
	s13 =	sshll.u32 @!p0 s13, $0xE  }
0x17: {  	s15 =	simm.s32 @!p0 $0x0;
	s14 =	sadd.s32 @!p0 s2, s14;
	s13 =	sand.u32 @!p0 $0x4000, s13  }
0x18: {  	[tilespmem:s13], [sflag:$0x1] =	stream.linear.gather @!p0 [hbm4b:s14+s15], $0x4000, $0x38;
	[tilespmem:$0x10000] =	vst v63  }
0x19: {  	p0 =	sge.u32 s31, s6  }
.Ltmp2:
0x1a: {  	_ = 	snop;
	(pc) =	sbr.rel @p0 .LBB1_9-.Ltmp2, $1  }
0x1b: {  	_ =	sdelay $0x3  }
0x1c: {  	s14 =	sand.u32 $0x4000, s9  }
0x1d: {  	_ =	swait.ge [sflag:s5], $0x4000;
	s15 =	sshll.u32 s11, $0xE;
	s16 =	simm.s32 $0x0  }
0x1e: {  	s13 =	sor.u32 $0x40, s14;
	[sflag:s5] =	ssyncset.done $0x0;
	s15 =	sand.u32 $0x4000, s15  }
0x1f: {  	s14 =	sor.u32 $0x8040, s14;
	[sflag:s5] =	ssyncadd.s32 $0xFFFFC000;
	s15 =	sor.u32 $0x8000, s15  }
.LBB1_3:
0x20: {  	s17 =	smov.u32 s14;
	s18 =	smov.u32 s13;
	s19 =	simm.s32 $0x0  }
.LBB1_4:
0x21: {  	v0 =	vmov s17;
	v2 =	vld [tilespmem:s18+$0x30]  }
0x22: {  	v4 =	vld [tilespmem:s18+$0xFFFFFFD0]  }
0x23: {  	v6 =	vld [tilespmem:s18+$0xFFFFFFE0]  }
0x24: {  	v7 =	vld [tilespmem:s18+$0xFFFFFFF0]  }
0x25: {  	s20 =	simm.s32 $0x0;
	v1 =	vld [tilespmem:s18+$0x0]  }
0x26: {  	v3 =	vld [tilespmem:s18+$0x10];
	[tilespmem:v0+s20+$0x30 ss:$0x1] =	vst.idx.msk $0xffff, v2  }
0x27: {  	v5 =	vld [tilespmem:s18+$0x20];
	[tilespmem:v0+s20+$0xFFFFFFD0 ss:$0x1] =	vst.idx.msk $0xffff, v4  }
0x28: {  	s21 =	sadd.s32 $0x80, s18;
	v2 =	vld [tilespmem:s18+$0xFFFFFFC0];
	[tilespmem:v0+s20+$0xFFFFFFE0 ss:$0x1] =	vst.idx.msk $0xffff, v6  }
0x29: {  	s22 =	simm.s32 $0x800;
	s23 =	simm.s32 $0x1000;
	v4 =	vld [tilespmem:s21+$0x30];
	[tilespmem:v0+s20+$0xFFFFFFF0 ss:$0x1] =	vst.idx.msk $0xffff, v7  }
.LBB1_5:
0x2a: {  	p0 =	sne.s32 s23, $0x3800;
	v6 =	vld [tilespmem:s21+$0xFFFFFFD0];
	[tilespmem:v0+s20+$0x0 ss:$0x1] =	vst.idx.msk $0xffff, v1  }
0x2b: {  	v7 =	vld [tilespmem:s21+$0xFFFFFFE0];
	[tilespmem:v0+s20+$0x10 ss:$0x1] =	vst.idx.msk $0xffff, v3  }
0x2c: {  	v8 =	vld [tilespmem:s21+$0xFFFFFFF0];
	[tilespmem:v0+s20+$0x20 ss:$0x1] =	vst.idx.msk $0xffff, v5  }
.Ltmp3:
0x2d: {  	v1 =	vld [tilespmem:s21+$0x0];
	[tilespmem:v0+s20+$0xFFFFFFC0 ss:$0x1] =	vst.idx.msk $0xffff, v2;
	s20 =	sshra.s32 s22, $0x2;
	s22 =	smov.u32 s23;
	(pc) =	sbr.rel @p0 .LBB1_5-.Ltmp3, $4  }
0x2e: {  	v3 =	vld [tilespmem:s21+$0x10];
	[tilespmem:v0+s20+$0x30 ss:$0x1] =	vst.idx.msk $0xffff, v4  }
0x2f: {  	[tilespmem:v0+s20+$0xFFFFFFD0 ss:$0x1] =	vst.idx.msk $0xffff, v6;
	v5 =	vld [tilespmem:s21+$0x20]  }
0x30: {  	v2 =	vld [tilespmem:s21+$0xFFFFFFC0];
	[tilespmem:v0+s20+$0xFFFFFFE0 ss:$0x1] =	vst.idx.msk $0xffff, v7;
	s21 =	sadd.s32 $0x80, s21  }
0x31: {  	s23 =	sadd.s32 $0x800, s23;
	v4 =	vld [tilespmem:s21+$0x30];
	[tilespmem:v0+s20+$0xFFFFFFF0 ss:$0x1] =	vst.idx.msk $0xffff, v8  }
0x32: {  	_ =	sdelay $0x3  }
0x33: {  	v6 =	vld [tilespmem:s21+$0xFFFFFFD0];
	[tilespmem:v0+s20+$0x0 ss:$0x1] =	vst.idx.msk $0xffff, v1  }
0x34: {  	v58 =	vld [tilespmem:s21+$0xFFFFFFE0];
	[tilespmem:v0+s20+$0x10 ss:$0x1] =	vst.idx.msk $0xffff, v3  }
0x35: {  	v59 =	vld [tilespmem:s21+$0xFFFFFFF0];
	[tilespmem:v0+s20+$0x20 ss:$0x1] =	vst.idx.msk $0xffff, v5  }
0x36: {  	s22 =	sshra.s32 s22, $0x2;
	v60 =	vld [tilespmem:s21+$0x0];
	[tilespmem:v0+s20+$0xFFFFFFC0 ss:$0x1] =	vst.idx.msk $0xffff, v2  }
0x37: {  	v61 =	vld [tilespmem:s21+$0x10];
	[tilespmem:v0+s22+$0x30 ss:$0x1] =	vst.idx.msk $0xffff, v4  }
0x38: {  	v62 =	vld [tilespmem:s21+$0x20];
	s19 =	sadd.s32 $0x1, s19;
	[tilespmem:v0+s22+$0xFFFFFFD0 ss:$0x1] =	vst.idx.msk $0xffff, v6  }
0x39: {  	v63 =	vld [tilespmem:s21+$0xFFFFFFC0];
	p0 =	sne.s32 s19, $0x4;
	[tilespmem:v0+s22+$0xFFFFFFE0 ss:$0x1] =	vst.idx.msk $0xffff, v58  }
.Ltmp4:
0x3a: {  	[tilespmem:v0+s22+$0xFFFFFFF0 ss:$0x1] =	vst.idx.msk $0xffff, v59;
	(pc) =	sbr.rel @p0 .LBB1_4-.Ltmp4, $4  }
0x3b: {  	[tilespmem:v0+s22+$0x0 ss:$0x1] =	vst.idx.msk $0xffff, v60  }
0x3c: {  	[tilespmem:v0+s22+$0x10 ss:$0x1] =	vst.idx.msk $0xffff, v61  }
0x3d: {  	[tilespmem:v0+s22+$0x20 ss:$0x1] =	vst.idx.msk $0xffff, v62  }
0x3e: {  	s18 =	sadd.s32 $0x400, s18;
	s17 =	sadd.s32 $0x80, s17;
	[tilespmem:v0+s22+$0xFFFFFFC0 ss:$0x1] =	vst.idx.msk $0xffff, v63  }
0x3f: {  	s16 =	sadd.s32 $0x1, s16  }
0x40: {  	p0 =	sne.s32 s16, $0x4  }
.Ltmp5:
0x41: {  	_ = 	snop;
	(pc) =	sbr.rel @p0 .LBB1_3-.Ltmp5, $2  }
0x42: {  	_ =	sdelay $0x2  }
0x43: {  	s13 =	sadd.s32 $0x1000, s13;
	s14 =	sadd.s32 $0x1000, s14  }
.Ltmp6:
0x44: {  	(pc) =	sbr.rel .LBB1_9-.Ltmp6, $4  }
0x45: {  	_ = 	snop  }
0x46: {  	s12 =	sshll.u32 s12, $0x9  }
0x47: {  	s12 =	sadd.s32 s4, s12  }
0x48: {  	[hbm4b:s12+s8] =	stream.linear.scatter [tilespmem:s15], [sflag:$0x2], $0x4000, $0x38;
	[tilespmem:$0x10000] =	vst v63  }
.LBB1_10:
0x49: {  	_ =	sfence.sel $0x180000  }
0x4a: {  	s2 =	simm.s32 $0x1;
	[bflag:$0x0] =	sbarrier.arrive $0xFFFF  }
0x4b: {  	s31 =	simm.s32 $0x2;
	[sflag:s2] =	ssyncpa.u1 $0x1  }
0x4c: {  	[sflag:s31] =	ssyncpa.u1 $0x1  }
0x4d: {  	p0 =	sne.s32 s0, $0x0;
	_ =	strace $0x90000047  }
0x4e: {  	s0 =	sadd.s32 @!p0 $0x100000, s1;
	[bflag:$0x2] =	sbarrier.arrive $0xFFFF  }
0x4f: {  	[sflag:s0] =	ssyncadd.tile.s32 @!p0 $0x1;
	_ =	shalt  }
.Lfunc_end1:
_tile_overlayer_lowered:
.L_overlay_start_2:
0x50: {  	(tag) =	ssettag $0x2  }
0x51: {  	s0 =	rddreg [dreg:$0x0];
	s2 =	stileid.u32  }
0x52: {  	s1 =	rddreg [dreg:$0x1];
	p0 =	sne.s32 s2, $0x0  }
0x53: {  	s3 =	rddreg [dreg:$0x2];
	[bflag:$0x3] =	sbarrier.arrive $0xFFFF;
	s2 =	simm.s32 @!p0 $0x1C01  }
0x54: {  	[timem:s3], [sflag:s2] =	dma.local @!p0 [hbm:s0], s1  }
0x55: {  	s0 =	simm.s32 @!p0 $0x1  }
0x56: {  	_ =	swait.ge @!p0 [sflag:s0], s1  }
0x57: {  	s1 =	ssub.s32 @!p0 $0x0, s1;
	[sflag:s0] =	ssyncset.done @!p0 $0x0  }
0x58: {  	[sflag:s0] =	ssyncadd.s32 @!p0 s1  }
0x59: {  	[bflag:$0x3] =	sbarrier.arrive $0xFFFF  }
0x5a: {  	_ =	shalt  }

</sc_bundles>
